<compile_context>
chip_gen: v7x
topology: tpu7x:2x2x1
jax: 0.10.2.dev20260603
libtpu: 0.0.44.dev20260713+nightly
codegen_flags: <defaults>
</compile_context>

<pallas_src>
import functools

import jax
import jax.numpy as jnp
from jax import lax
from jax.experimental import pallas as pl
from jax.experimental.pallas import tpu as pltpu
from jax.experimental.pallas import tpu_sc as plsc


def _make_sc_gather(B, T, D, O):
    info = plsc.get_sparse_core_info()
    NC, NS = info.num_cores, info.num_subcores
    NW = NC * NS
    NCH = (O + NW - 1) // NW
    mesh = plsc.VectorSubcoreMesh(core_axis_name="c", subcore_axis_name="s")

    @functools.partial(
        pl.kernel,
        mesh=mesh,
        out_type=jax.ShapeDtypeStruct((O * B, D), jnp.float32),
        scratch_types=[
            pltpu.VMEM((NCH, B), jnp.int32),
            pltpu.VMEM((B, D), jnp.float32),
            pltpu.VMEM((B, D), jnp.float32),
            pltpu.SemaphoreType.DMA,
            pltpu.SemaphoreType.DMA,
            pltpu.SemaphoreType.DMA,
            pltpu.SemaphoreType.DMA,
        ],
    )
    def sc_gather(x_hbm, g_hbm, out_hbm, idx_v, buf0, buf1, sg0, sg1, ss0, ss1):
        wid = lax.axis_index("s") * NC + lax.axis_index("c")

        pltpu.sync_copy(g_hbm.at[wid], idx_v)

        bufs = (buf0, buf1)
        gsems = (sg0, sg1)
        ssems = (ss0, ss1)

        def issue_gather(n):
            return pltpu.async_copy(x_hbm.at[idx_v.at[n]], bufs[n % 2],
                                    gsems[n % 2])

        def issue_store(n):
            base = (wid + NW * n) * B
            return pltpu.async_copy(bufs[n % 2], out_hbm.at[pl.ds(base, B)],
                                    ssems[n % 2])

        n_main = NCH - 1
        g = {0: issue_gather(0), 1: issue_gather(1)}
        s = {}
        for n in range(n_main):
            bi = n % 2
            g[n].wait()
            s[n] = issue_store(n)
            if n + 2 < n_main:
                s[n].wait()
                g[n + 2] = issue_gather(n + 2)
        s[n_main - 2].wait()
        s[n_main - 1].wait()

        @pl.when(wid == 0)
        def _tail():
            pltpu.async_copy(x_hbm.at[idx_v.at[NCH - 1]], buf0, sg0).wait()
            pltpu.async_copy(
                buf0, out_hbm.at[pl.ds((NCH - 1) * NW * B, B)], ss0).wait()

    return sc_gather


def kernel(x):
    B, T, D = x.shape
    N = T - 1
    K = max(1, N // 2)
    O = K + 1
    NW = 32
    NCH = (O + NW - 1) // NW

    rand = jax.random.normal(jax.random.key(42), (B, N), dtype=jnp.float32)
    _, top = jax.lax.top_k(rand, K)

    seq = jnp.concatenate(
        [jnp.zeros((B, 1), jnp.int32), 1 + top.astype(jnp.int32)], axis=1)
    src = seq.T * B + jnp.arange(B, dtype=jnp.int32)[None, :]
    src = jnp.concatenate(
        [src, jnp.zeros((NCH * NW - O, B), jnp.int32)], axis=0)
    gidx = src.reshape(NCH, NW, B).transpose(1, 0, 2)

    xf = x.transpose(1, 0, 2).reshape(T * B, D)
    out = _make_sc_gather(B, T, D, O)(xf, gidx)
    return out.reshape(O, B, D).transpose(1, 0, 2)

# --- scband reference (transcript-rebuilt; emitter-appended) ---
"""Pipeline reference for scband-patch-dropout-5222680232327 (READ-ONLY COPY).

The authoritative reference and input builder live on the scoring server;
editing this copy changes nothing except your own understanding.
"""

import jax, jax.numpy as jnp
import numpy as np

PROB = 0.5
EXCLUDE_FIRST = True

def setup_inputs(seed: int = 0) -> dict:
    key = jax.random.key(seed)
    x = jax.random.normal(key, (64, 1025, 768), dtype=jnp.float32)
    return {"x": x}

def reference(x):
    # Faithful translation of PatchDropout.forward in training mode.
    # torch.randn inside forward is replaced with a fixed-key jax.random.normal
    # so the reference is deterministic.
    if EXCLUDE_FIRST:
        cls_tokens = x[:, :1]
        xp = x[:, 1:]
    else:
        cls_tokens = x[:, :1]
        xp = x
    batch = xp.shape[0]
    num_tokens = xp.shape[1]
    keep_prob = 1.0 - PROB
    num_patches_keep = max(1, int(num_tokens * keep_prob))
    rand = jax.random.normal(jax.random.key(42), (batch, num_tokens), dtype=jnp.float32)
    _, patch_indices_keep = jax.lax.top_k(rand, num_patches_keep)  # [B, K]
    # x[batch_indices, patch_indices_keep] -> batched gather along token axis
    gathered = jnp.take_along_axis(xp, patch_indices_keep[:, :, None], axis=1)
    if EXCLUDE_FIRST:
        out = jnp.concatenate([cls_tokens, gathered], axis=1)
    else:
        out = gathered
    return out

if __name__ == "__main__":
    import jax
    _d = setup_inputs()
    print(jax.jit(kernel)(*tuple(_d.values())))

</pallas_src>

<mosaic_0001>
#map = affine_map<(d0, d1) -> (0, 0)>
#map1 = affine_map<(d0, d1) -> (0, 0, 0)>
module attributes {stable_mosaic.version = 14 : i64} {
  func.func @sc_gather(%arg0: i32, %arg1: i32, %arg2: memref<65600x768xf32, #tpu.memory_space<hbm>>, %arg3: memref<32x17x64xi32, #tpu.memory_space<hbm>>, %arg4: memref<32832x768xf32, #tpu.memory_space<hbm>>, %arg5: memref<17x64xi32, #tpu.memory_space<vmem>>, %arg6: memref<64x768xf32, #tpu.memory_space<vmem>>, %arg7: memref<64x768xf32, #tpu.memory_space<vmem>>, %arg8: memref<!tpu.dma_semaphore, #tpu.memory_space<semaphore_mem>>, %arg9: memref<!tpu.dma_semaphore, #tpu.memory_space<semaphore_mem>>, %arg10: memref<!tpu.dma_semaphore, #tpu.memory_space<semaphore_mem>>, %arg11: memref<!tpu.dma_semaphore, #tpu.memory_space<semaphore_mem>>) attributes {dimension_semantics = [#tpu.dimension_semantics<core_parallel>, #tpu.dimension_semantics<subcore_parallel>], iteration_bounds = array<i64: 2, 16>, scalar_prefetch = 0 : i64, scratch_operands = 7 : i64, tpu.core_type = #tpu.core_type<sc_vector_subcore>, window_params = [{transform_indices = #map}, {transform_indices = #map1}, {transform_indices = #map}]} {
    %mul3A = arith.constant 2 : i32
    %mul3A_0 = arith.muli %arg1, %mul3A : i32
    %add3A = arith.addi %mul3A_0, %arg0 : i32
    "tpu.region"() ({
      %run_scoped3A = tpu.sem_alloc : memref<!tpu.dma_semaphore, #tpu.memory_space<semaphore_mem>>
      %dma_start3A_417 = arith.constant 0 : i32
      %dma_start3A_418 = arith.constant 0 : i32
      %dma_start3A_419 = tpu.memref_slice %arg3[%add3A, %dma_start3A_417, %dma_start3A_418] : memref<32x17x64xi32, #tpu.memory_space<hbm>> -> memref<1x17x64xi32, #tpu.memory_space<hbm>>
      %dma_start3A_420 = tpu.memref_squeeze %dma_start3A_419 : memref<1x17x64xi32, #tpu.memory_space<hbm>> -> memref<17x64xi32, #tpu.memory_space<hbm>>
      %dma_start3A_421 = arith.constant 0 : i32
      %dma_start3A_422 = arith.constant 0 : i32
      %dma_start3A_423 = tpu.memref_slice %arg3[%add3A, %dma_start3A_421, %dma_start3A_422] : memref<32x17x64xi32, #tpu.memory_space<hbm>> -> memref<1x17x64xi32, #tpu.memory_space<hbm>>
      %dma_start3A_424 = tpu.memref_squeeze %dma_start3A_423 : memref<1x17x64xi32, #tpu.memory_space<hbm>> -> memref<17x64xi32, #tpu.memory_space<hbm>>
      tpu.enqueue_dma source(%dma_start3A_424 : memref<17x64xi32, #tpu.memory_space<hbm>>) target(%arg5 : memref<17x64xi32, #tpu.memory_space<vmem>>) target_semaphore(%run_scoped3A : memref<!tpu.dma_semaphore, #tpu.memory_space<semaphore_mem>>)
      %dma_wait3A_425 = arith.constant 0 : i32
      %dma_wait3A_426 = arith.constant 0 : i32
      %dma_wait3A_427 = tpu.memref_slice %arg3[%add3A, %dma_wait3A_425, %dma_wait3A_426] : memref<32x17x64xi32, #tpu.memory_space<hbm>> -> memref<1x17x64xi32, #tpu.memory_space<hbm>>
      %dma_wait3A_428 = tpu.memref_squeeze %dma_wait3A_427 : memref<1x17x64xi32, #tpu.memory_space<hbm>> -> memref<17x64xi32, #tpu.memory_space<hbm>>
      %dma_wait3A_429 = arith.constant 0 : i32
      %dma_wait3A_430 = arith.constant 0 : i32
      %dma_wait3A_431 = tpu.memref_slice %arg3[%add3A, %dma_wait3A_429, %dma_wait3A_430] : memref<32x17x64xi32, #tpu.memory_space<hbm>> -> memref<1x17x64xi32, #tpu.memory_space<hbm>>
      %dma_wait3A_432 = tpu.memref_squeeze %dma_wait3A_431 : memref<1x17x64xi32, #tpu.memory_space<hbm>> -> memref<17x64xi32, #tpu.memory_space<hbm>>
      tpu.wait_dma2 semaphore(%run_scoped3A : memref<!tpu.dma_semaphore, #tpu.memory_space<semaphore_mem>>) src(%dma_wait3A_432 : memref<17x64xi32, #tpu.memory_space<hbm>>) dst(%arg5 : memref<17x64xi32, #tpu.memory_space<vmem>>)
      tpu.yield
    }) : () -> ()
    %dma_start3A = arith.constant 0 : i32
    %dma_start3A_1 = arith.constant 0 : i32
    %dma_start3A_2 = tpu.memref_slice %arg5[%dma_start3A, %dma_start3A_1] : memref<17x64xi32, #tpu.memory_space<vmem>> -> memref<1x64xi32, #tpu.memory_space<vmem>>
    %dma_start3A_3 = tpu.memref_squeeze %dma_start3A_2 : memref<1x64xi32, #tpu.memory_space<vmem>> -> memref<64xi32, #tpu.memory_space<vmem>>
    %dma_start3A_4 = arith.constant 0 : i32
    %dma_start3A_5 = arith.constant 0 : i32
    %dma_start3A_6 = tpu.memref_slice %arg2[%dma_start3A_4, %dma_start3A_5] : memref<65600x768xf32, #tpu.memory_space<hbm>> -> memref<65600x768xf32, #tpu.memory_space<hbm>>
    tpu.enqueue_indirect_dma source(%dma_start3A_6 : memref<65600x768xf32, #tpu.memory_space<hbm>>) target(%arg6 : memref<64x768xf32, #tpu.memory_space<vmem>>) offsets(%dma_start3A_3 : memref<64xi32, #tpu.memory_space<vmem>>) semaphore(%arg8 : memref<!tpu.dma_semaphore, #tpu.memory_space<semaphore_mem>>)
    %dma_start3A_7 = arith.constant 1 : i32
    %dma_start3A_8 = arith.constant 0 : i32
    %dma_start3A_9 = tpu.memref_slice %arg5[%dma_start3A_7, %dma_start3A_8] : memref<17x64xi32, #tpu.memory_space<vmem>> -> memref<1x64xi32, #tpu.memory_space<vmem>>
    %dma_start3A_10 = tpu.memref_squeeze %dma_start3A_9 : memref<1x64xi32, #tpu.memory_space<vmem>> -> memref<64xi32, #tpu.memory_space<vmem>>
    %dma_start3A_11 = arith.constant 0 : i32
    %dma_start3A_12 = arith.constant 0 : i32
    %dma_start3A_13 = tpu.memref_slice %arg2[%dma_start3A_11, %dma_start3A_12] : memref<65600x768xf32, #tpu.memory_space<hbm>> -> memref<65600x768xf32, #tpu.memory_space<hbm>>
    tpu.enqueue_indirect_dma source(%dma_start3A_13 : memref<65600x768xf32, #tpu.memory_space<hbm>>) target(%arg7 : memref<64x768xf32, #tpu.memory_space<vmem>>) offsets(%dma_start3A_10 : memref<64xi32, #tpu.memory_space<vmem>>) semaphore(%arg9 : memref<!tpu.dma_semaphore, #tpu.memory_space<semaphore_mem>>)
    %dma_wait3A = arith.constant 0 : i32
    %dma_wait3A_14 = arith.constant 0 : i32
    %dma_wait3A_15 = tpu.memref_slice %arg5[%dma_wait3A, %dma_wait3A_14] : memref<17x64xi32, #tpu.memory_space<vmem>> -> memref<1x64xi32, #tpu.memory_space<vmem>>
    %dma_wait3A_16 = tpu.memref_squeeze %dma_wait3A_15 : memref<1x64xi32, #tpu.memory_space<vmem>> -> memref<64xi32, #tpu.memory_space<vmem>>
    %dma_wait3A_17 = arith.constant 0 : i32
    %dma_wait3A_18 = arith.constant 0 : i32
    %dma_wait3A_19 = tpu.memref_slice %arg2[%dma_wait3A_17, %dma_wait3A_18] : memref<65600x768xf32, #tpu.memory_space<hbm>> -> memref<65600x768xf32, #tpu.memory_space<hbm>>
    tpu.wait_indirect_dma semaphore(%arg8 : memref<!tpu.dma_semaphore, #tpu.memory_space<semaphore_mem>>) src(%dma_wait3A_19 : memref<65600x768xf32, #tpu.memory_space<hbm>>) dst(%arg6 : memref<64x768xf32, #tpu.memory_space<vmem>>)
    %add3A_20 = arith.constant 0 : i32
    %add3A_21 = arith.addi %add3A, %add3A_20 : i32
    %mul3A_22 = arith.constant 64 : i32
    %mul3A_23 = arith.muli %add3A_21, %mul3A_22 : i32
    %dma_start3A_24 = arith.constant 0 : i32
    %dma_start3A_25 = tpu.memref_slice %arg4[%mul3A_23, %dma_start3A_24] : memref<32832x768xf32, #tpu.memory_space<hbm>> -> memref<64x768xf32, #tpu.memory_space<hbm>>
    %dma_start3A_26 = arith.constant 0 : i32
    %dma_start3A_27 = tpu.memref_slice %arg4[%mul3A_23, %dma_start3A_26] : memref<32832x768xf32, #tpu.memory_space<hbm>> -> memref<64x768xf32, #tpu.memory_space<hbm>>
    tpu.enqueue_dma source(%arg6 : memref<64x768xf32, #tpu.memory_space<vmem>>) target(%dma_start3A_27 : memref<64x768xf32, #tpu.memory_space<hbm>>) target_semaphore(%arg10 : memref<!tpu.dma_semaphore, #tpu.memory_space<semaphore_mem>>)
    %dma_wait3A_28 = arith.constant 0 : i32
    %dma_wait3A_29 = tpu.memref_slice %arg4[%mul3A_23, %dma_wait3A_28] : memref<32832x768xf32, #tpu.memory_space<hbm>> -> memref<64x768xf32, #tpu.memory_space<hbm>>
    %dma_wait3A_30 = arith.constant 0 : i32
    %dma_wait3A_31 = tpu.memref_slice %arg4[%mul3A_23, %dma_wait3A_30] : memref<32832x768xf32, #tpu.memory_space<hbm>> -> memref<64x768xf32, #tpu.memory_space<hbm>>
    tpu.wait_dma2 semaphore(%arg10 : memref<!tpu.dma_semaphore, #tpu.memory_space<semaphore_mem>>) src(%arg6 : memref<64x768xf32, #tpu.memory_space<vmem>>) dst(%dma_wait3A_31 : memref<64x768xf32, #tpu.memory_space<hbm>>)
    %dma_start3A_32 = arith.constant 2 : i32
    %dma_start3A_33 = arith.constant 0 : i32
    %dma_start3A_34 = tpu.memref_slice %arg5[%dma_start3A_32, %dma_start3A_33] : memref<17x64xi32, #tpu.memory_space<vmem>> -> memref<1x64xi32, #tpu.memory_space<vmem>>
    %dma_start3A_35 = tpu.memref_squeeze %dma_start3A_34 : memref<1x64xi32, #tpu.memory_space<vmem>> -> memref<64xi32, #tpu.memory_space<vmem>>
    %dma_start3A_36 = arith.constant 0 : i32
    %dma_start3A_37 = arith.constant 0 : i32
    %dma_start3A_38 = tpu.memref_slice %arg2[%dma_start3A_36, %dma_start3A_37] : memref<65600x768xf32, #tpu.memory_space<hbm>> -> memref<65600x768xf32, #tpu.memory_space<hbm>>
    tpu.enqueue_indirect_dma source(%dma_start3A_38 : memref<65600x768xf32, #tpu.memory_space<hbm>>) target(%arg6 : memref<64x768xf32, #tpu.memory_space<vmem>>) offsets(%dma_start3A_35 : memref<64xi32, #tpu.memory_space<vmem>>) semaphore(%arg8 : memref<!tpu.dma_semaphore, #tpu.memory_space<semaphore_mem>>)
    %dma_wait3A_39 = arith.constant 1 : i32
    %dma_wait3A_40 = arith.constant 0 : i32
    %dma_wait3A_41 = tpu.memref_slice %arg5[%dma_wait3A_39, %dma_wait3A_40] : memref<17x64xi32, #tpu.memory_space<vmem>> -> memref<1x64xi32, #tpu.memory_space<vmem>>
    %dma_wait3A_42 = tpu.memref_squeeze %dma_wait3A_41 : memref<1x64xi32, #tpu.memory_space<vmem>> -> memref<64xi32, #tpu.memory_space<vmem>>
    %dma_wait3A_43 = arith.constant 0 : i32
    %dma_wait3A_44 = arith.constant 0 : i32
    %dma_wait3A_45 = tpu.memref_slice %arg2[%dma_wait3A_43, %dma_wait3A_44] : memref<65600x768xf32, #tpu.memory_space<hbm>> -> memref<65600x768xf32, #tpu.memory_space<hbm>>
    tpu.wait_indirect_dma semaphore(%arg9 : memref<!tpu.dma_semaphore, #tpu.memory_space<semaphore_mem>>) src(%dma_wait3A_45 : memref<65600x768xf32, #tpu.memory_space<hbm>>) dst(%arg7 : memref<64x768xf32, #tpu.memory_space<vmem>>)
    %add3A_46 = arith.constant 32 : i32
    %add3A_47 = arith.addi %add3A, %add3A_46 : i32
    %mul3A_48 = arith.constant 64 : i32
    %mul3A_49 = arith.muli %add3A_47, %mul3A_48 : i32
    %dma_start3A_50 = arith.constant 0 : i32
    %dma_start3A_51 = tpu.memref_slice %arg4[%mul3A_49, %dma_start3A_50] : memref<32832x768xf32, #tpu.memory_space<hbm>> -> memref<64x768xf32, #tpu.memory_space<hbm>>
    %dma_start3A_52 = arith.constant 0 : i32
    %dma_start3A_53 = tpu.memref_slice %arg4[%mul3A_49, %dma_start3A_52] : memref<32832x768xf32, #tpu.memory_space<hbm>> -> memref<64x768xf32, #tpu.memory_space<hbm>>
    tpu.enqueue_dma source(%arg7 : memref<64x768xf32, #tpu.memory_space<vmem>>) target(%dma_start3A_53 : memref<64x768xf32, #tpu.memory_space<hbm>>) target_semaphore(%arg11 : memref<!tpu.dma_semaphore, #tpu.memory_space<semaphore_mem>>)
    %dma_wait3A_54 = arith.constant 0 : i32
    %dma_wait3A_55 = tpu.memref_slice %arg4[%mul3A_49, %dma_wait3A_54] : memref<32832x768xf32, #tpu.memory_space<hbm>> -> memref<64x768xf32, #tpu.memory_space<hbm>>
    %dma_wait3A_56 = arith.constant 0 : i32
    %dma_wait3A_57 = tpu.memref_slice %arg4[%mul3A_49, %dma_wait3A_56] : memref<32832x768xf32, #tpu.memory_space<hbm>> -> memref<64x768xf32, #tpu.memory_space<hbm>>
    tpu.wait_dma2 semaphore(%arg11 : memref<!tpu.dma_semaphore, #tpu.memory_space<semaphore_mem>>) src(%arg7 : memref<64x768xf32, #tpu.memory_space<vmem>>) dst(%dma_wait3A_57 : memref<64x768xf32, #tpu.memory_space<hbm>>)
    %dma_start3A_58 = arith.constant 3 : i32
    %dma_start3A_59 = arith.constant 0 : i32
    %dma_start3A_60 = tpu.memref_slice %arg5[%dma_start3A_58, %dma_start3A_59] : memref<17x64xi32, #tpu.memory_space<vmem>> -> memref<1x64xi32, #tpu.memory_space<vmem>>
    %dma_start3A_61 = tpu.memref_squeeze %dma_start3A_60 : memref<1x64xi32, #tpu.memory_space<vmem>> -> memref<64xi32, #tpu.memory_space<vmem>>
    %dma_start3A_62 = arith.constant 0 : i32
    %dma_start3A_63 = arith.constant 0 : i32
    %dma_start3A_64 = tpu.memref_slice %arg2[%dma_start3A_62, %dma_start3A_63] : memref<65600x768xf32, #tpu.memory_space<hbm>> -> memref<65600x768xf32, #tpu.memory_space<hbm>>
    tpu.enqueue_indirect_dma source(%dma_start3A_64 : memref<65600x768xf32, #tpu.memory_space<hbm>>) target(%arg7 : memref<64x768xf32, #tpu.memory_space<vmem>>) offsets(%dma_start3A_61 : memref<64xi32, #tpu.memory_space<vmem>>) semaphore(%arg9 : memref<!tpu.dma_semaphore, #tpu.memory_space<semaphore_mem>>)
    %dma_wait3A_65 = arith.constant 2 : i32
    %dma_wait3A_66 = arith.constant 0 : i32
    %dma_wait3A_67 = tpu.memref_slice %arg5[%dma_wait3A_65, %dma_wait3A_66] : memref<17x64xi32, #tpu.memory_space<vmem>> -> memref<1x64xi32, #tpu.memory_space<vmem>>
    %dma_wait3A_68 = tpu.memref_squeeze %dma_wait3A_67 : memref<1x64xi32, #tpu.memory_space<vmem>> -> memref<64xi32, #tpu.memory_space<vmem>>
    %dma_wait3A_69 = arith.constant 0 : i32
    %dma_wait3A_70 = arith.constant 0 : i32
    %dma_wait3A_71 = tpu.memref_slice %arg2[%dma_wait3A_69, %dma_wait3A_70] : memref<65600x768xf32, #tpu.memory_space<hbm>> -> memref<65600x768xf32, #tpu.memory_space<hbm>>
    tpu.wait_indirect_dma semaphore(%arg8 : memref<!tpu.dma_semaphore, #tpu.memory_space<semaphore_mem>>) src(%dma_wait3A_71 : memref<65600x768xf32, #tpu.memory_space<hbm>>) dst(%arg6 : memref<64x768xf32, #tpu.memory_space<vmem>>)
    %add3A_72 = arith.constant 64 : i32
    %add3A_73 = arith.addi %add3A, %add3A_72 : i32
    %mul3A_74 = arith.constant 64 : i32
    %mul3A_75 = arith.muli %add3A_73, %mul3A_74 : i32
    %dma_start3A_76 = arith.constant 0 : i32
    %dma_start3A_77 = tpu.memref_slice %arg4[%mul3A_75, %dma_start3A_76] : memref<32832x768xf32, #tpu.memory_space<hbm>> -> memref<64x768xf32, #tpu.memory_space<hbm>>
    %dma_start3A_78 = arith.constant 0 : i32
    %dma_start3A_79 = tpu.memref_slice %arg4[%mul3A_75, %dma_start3A_78] : memref<32832x768xf32, #tpu.memory_space<hbm>> -> memref<64x768xf32, #tpu.memory_space<hbm>>
    tpu.enqueue_dma source(%arg6 : memref<64x768xf32, #tpu.memory_space<vmem>>) target(%dma_start3A_79 : memref<64x768xf32, #tpu.memory_space<hbm>>) target_semaphore(%arg10 : memref<!tpu.dma_semaphore, #tpu.memory_space<semaphore_mem>>)
    %dma_wait3A_80 = arith.constant 0 : i32
    %dma_wait3A_81 = tpu.memref_slice %arg4[%mul3A_75, %dma_wait3A_80] : memref<32832x768xf32, #tpu.memory_space<hbm>> -> memref<64x768xf32, #tpu.memory_space<hbm>>
    %dma_wait3A_82 = arith.constant 0 : i32
    %dma_wait3A_83 = tpu.memref_slice %arg4[%mul3A_75, %dma_wait3A_82] : memref<32832x768xf32, #tpu.memory_space<hbm>> -> memref<64x768xf32, #tpu.memory_space<hbm>>
    tpu.wait_dma2 semaphore(%arg10 : memref<!tpu.dma_semaphore, #tpu.memory_space<semaphore_mem>>) src(%arg6 : memref<64x768xf32, #tpu.memory_space<vmem>>) dst(%dma_wait3A_83 : memref<64x768xf32, #tpu.memory_space<hbm>>)
    %dma_start3A_84 = arith.constant 4 : i32
    %dma_start3A_85 = arith.constant 0 : i32
    %dma_start3A_86 = tpu.memref_slice %arg5[%dma_start3A_84, %dma_start3A_85] : memref<17x64xi32, #tpu.memory_space<vmem>> -> memref<1x64xi32, #tpu.memory_space<vmem>>
    %dma_start3A_87 = tpu.memref_squeeze %dma_start3A_86 : memref<1x64xi32, #tpu.memory_space<vmem>> -> memref<64xi32, #tpu.memory_space<vmem>>
    %dma_start3A_88 = arith.constant 0 : i32
    %dma_start3A_89 = arith.constant 0 : i32
    %dma_start3A_90 = tpu.memref_slice %arg2[%dma_start3A_88, %dma_start3A_89] : memref<65600x768xf32, #tpu.memory_space<hbm>> -> memref<65600x768xf32, #tpu.memory_space<hbm>>
    tpu.enqueue_indirect_dma source(%dma_start3A_90 : memref<65600x768xf32, #tpu.memory_space<hbm>>) target(%arg6 : memref<64x768xf32, #tpu.memory_space<vmem>>) offsets(%dma_start3A_87 : memref<64xi32, #tpu.memory_space<vmem>>) semaphore(%arg8 : memref<!tpu.dma_semaphore, #tpu.memory_space<semaphore_mem>>)
    %dma_wait3A_91 = arith.constant 3 : i32
    %dma_wait3A_92 = arith.constant 0 : i32
    %dma_wait3A_93 = tpu.memref_slice %arg5[%dma_wait3A_91, %dma_wait3A_92] : memref<17x64xi32, #tpu.memory_space<vmem>> -> memref<1x64xi32, #tpu.memory_space<vmem>>
    %dma_wait3A_94 = tpu.memref_squeeze %dma_wait3A_93 : memref<1x64xi32, #tpu.memory_space<vmem>> -> memref<64xi32, #tpu.memory_space<vmem>>
    %dma_wait3A_95 = arith.constant 0 : i32
    %dma_wait3A_96 = arith.constant 0 : i32
    %dma_wait3A_97 = tpu.memref_slice %arg2[%dma_wait3A_95, %dma_wait3A_96] : memref<65600x768xf32, #tpu.memory_space<hbm>> -> memref<65600x768xf32, #tpu.memory_space<hbm>>
    tpu.wait_indirect_dma semaphore(%arg9 : memref<!tpu.dma_semaphore, #tpu.memory_space<semaphore_mem>>) src(%dma_wait3A_97 : memref<65600x768xf32, #tpu.memory_space<hbm>>) dst(%arg7 : memref<64x768xf32, #tpu.memory_space<vmem>>)
    %add3A_98 = arith.constant 96 : i32
    %add3A_99 = arith.addi %add3A, %add3A_98 : i32
    %mul3A_100 = arith.constant 64 : i32
    %mul3A_101 = arith.muli %add3A_99, %mul3A_100 : i32
    %dma_start3A_102 = arith.constant 0 : i32
    %dma_start3A_103 = tpu.memref_slice %arg4[%mul3A_101, %dma_start3A_102] : memref<32832x768xf32, #tpu.memory_space<hbm>> -> memref<64x768xf32, #tpu.memory_space<hbm>>
    %dma_start3A_104 = arith.constant 0 : i32
    %dma_start3A_105 = tpu.memref_slice %arg4[%mul3A_101, %dma_start3A_104] : memref<32832x768xf32, #tpu.memory_space<hbm>> -> memref<64x768xf32, #tpu.memory_space<hbm>>
    tpu.enqueue_dma source(%arg7 : memref<64x768xf32, #tpu.memory_space<vmem>>) target(%dma_start3A_105 : memref<64x768xf32, #tpu.memory_space<hbm>>) target_semaphore(%arg11 : memref<!tpu.dma_semaphore, #tpu.memory_space<semaphore_mem>>)
    %dma_wait3A_106 = arith.constant 0 : i32
    %dma_wait3A_107 = tpu.memref_slice %arg4[%mul3A_101, %dma_wait3A_106] : memref<32832x768xf32, #tpu.memory_space<hbm>> -> memref<64x768xf32, #tpu.memory_space<hbm>>
    %dma_wait3A_108 = arith.constant 0 : i32
    %dma_wait3A_109 = tpu.memref_slice %arg4[%mul3A_101, %dma_wait3A_108] : memref<32832x768xf32, #tpu.memory_space<hbm>> -> memref<64x768xf32, #tpu.memory_space<hbm>>
    tpu.wait_dma2 semaphore(%arg11 : memref<!tpu.dma_semaphore, #tpu.memory_space<semaphore_mem>>) src(%arg7 : memref<64x768xf32, #tpu.memory_space<vmem>>) dst(%dma_wait3A_109 : memref<64x768xf32, #tpu.memory_space<hbm>>)
    %dma_start3A_110 = arith.constant 5 : i32
    %dma_start3A_111 = arith.constant 0 : i32
    %dma_start3A_112 = tpu.memref_slice %arg5[%dma_start3A_110, %dma_start3A_111] : memref<17x64xi32, #tpu.memory_space<vmem>> -> memref<1x64xi32, #tpu.memory_space<vmem>>
    %dma_start3A_113 = tpu.memref_squeeze %dma_start3A_112 : memref<1x64xi32, #tpu.memory_space<vmem>> -> memref<64xi32, #tpu.memory_space<vmem>>
    %dma_start3A_114 = arith.constant 0 : i32
    %dma_start3A_115 = arith.constant 0 : i32
    %dma_start3A_116 = tpu.memref_slice %arg2[%dma_start3A_114, %dma_start3A_115] : memref<65600x768xf32, #tpu.memory_space<hbm>> -> memref<65600x768xf32, #tpu.memory_space<hbm>>
    tpu.enqueue_indirect_dma source(%dma_start3A_116 : memref<65600x768xf32, #tpu.memory_space<hbm>>) target(%arg7 : memref<64x768xf32, #tpu.memory_space<vmem>>) offsets(%dma_start3A_113 : memref<64xi32, #tpu.memory_space<vmem>>) semaphore(%arg9 : memref<!tpu.dma_semaphore, #tpu.memory_space<semaphore_mem>>)
    %dma_wait3A_117 = arith.constant 4 : i32
    %dma_wait3A_118 = arith.constant 0 : i32
    %dma_wait3A_119 = tpu.memref_slice %arg5[%dma_wait3A_117, %dma_wait3A_118] : memref<17x64xi32, #tpu.memory_space<vmem>> -> memref<1x64xi32, #tpu.memory_space<vmem>>
    %dma_wait3A_120 = tpu.memref_squeeze %dma_wait3A_119 : memref<1x64xi32, #tpu.memory_space<vmem>> -> memref<64xi32, #tpu.memory_space<vmem>>
    %dma_wait3A_121 = arith.constant 0 : i32
    %dma_wait3A_122 = arith.constant 0 : i32
    %dma_wait3A_123 = tpu.memref_slice %arg2[%dma_wait3A_121, %dma_wait3A_122] : memref<65600x768xf32, #tpu.memory_space<hbm>> -> memref<65600x768xf32, #tpu.memory_space<hbm>>
    tpu.wait_indirect_dma semaphore(%arg8 : memref<!tpu.dma_semaphore, #tpu.memory_space<semaphore_mem>>) src(%dma_wait3A_123 : memref<65600x768xf32, #tpu.memory_space<hbm>>) dst(%arg6 : memref<64x768xf32, #tpu.memory_space<vmem>>)
    %add3A_124 = arith.constant 128 : i32
    %add3A_125 = arith.addi %add3A, %add3A_124 : i32
    %mul3A_126 = arith.constant 64 : i32
    %mul3A_127 = arith.muli %add3A_125, %mul3A_126 : i32
    %dma_start3A_128 = arith.constant 0 : i32
    %dma_start3A_129 = tpu.memref_slice %arg4[%mul3A_127, %dma_start3A_128] : memref<32832x768xf32, #tpu.memory_space<hbm>> -> memref<64x768xf32, #tpu.memory_space<hbm>>
    %dma_start3A_130 = arith.constant 0 : i32
    %dma_start3A_131 = tpu.memref_slice %arg4[%mul3A_127, %dma_start3A_130] : memref<32832x768xf32, #tpu.memory_space<hbm>> -> memref<64x768xf32, #tpu.memory_space<hbm>>
    tpu.enqueue_dma source(%arg6 : memref<64x768xf32, #tpu.memory_space<vmem>>) target(%dma_start3A_131 : memref<64x768xf32, #tpu.memory_space<hbm>>) target_semaphore(%arg10 : memref<!tpu.dma_semaphore, #tpu.memory_space<semaphore_mem>>)
    %dma_wait3A_132 = arith.constant 0 : i32
    %dma_wait3A_133 = tpu.memref_slice %arg4[%mul3A_127, %dma_wait3A_132] : memref<32832x768xf32, #tpu.memory_space<hbm>> -> memref<64x768xf32, #tpu.memory_space<hbm>>
    %dma_wait3A_134 = arith.constant 0 : i32
    %dma_wait3A_135 = tpu.memref_slice %arg4[%mul3A_127, %dma_wait3A_134] : memref<32832x768xf32, #tpu.memory_space<hbm>> -> memref<64x768xf32, #tpu.memory_space<hbm>>
    tpu.wait_dma2 semaphore(%arg10 : memref<!tpu.dma_semaphore, #tpu.memory_space<semaphore_mem>>) src(%arg6 : memref<64x768xf32, #tpu.memory_space<vmem>>) dst(%dma_wait3A_135 : memref<64x768xf32, #tpu.memory_space<hbm>>)
    %dma_start3A_136 = arith.constant 6 : i32
    %dma_start3A_137 = arith.constant 0 : i32
    %dma_start3A_138 = tpu.memref_slice %arg5[%dma_start3A_136, %dma_start3A_137] : memref<17x64xi32, #tpu.memory_space<vmem>> -> memref<1x64xi32, #tpu.memory_space<vmem>>
    %dma_start3A_139 = tpu.memref_squeeze %dma_start3A_138 : memref<1x64xi32, #tpu.memory_space<vmem>> -> memref<64xi32, #tpu.memory_space<vmem>>
    %dma_start3A_140 = arith.constant 0 : i32
    %dma_start3A_141 = arith.constant 0 : i32
    %dma_start3A_142 = tpu.memref_slice %arg2[%dma_start3A_140, %dma_start3A_141] : memref<65600x768xf32, #tpu.memory_space<hbm>> -> memref<65600x768xf32, #tpu.memory_space<hbm>>
    tpu.enqueue_indirect_dma source(%dma_start3A_142 : memref<65600x768xf32, #tpu.memory_space<hbm>>) target(%arg6 : memref<64x768xf32, #tpu.memory_space<vmem>>) offsets(%dma_start3A_139 : memref<64xi32, #tpu.memory_space<vmem>>) semaphore(%arg8 : memref<!tpu.dma_semaphore, #tpu.memory_space<semaphore_mem>>)
    %dma_wait3A_143 = arith.constant 5 : i32
    %dma_wait3A_144 = arith.constant 0 : i32
    %dma_wait3A_145 = tpu.memref_slice %arg5[%dma_wait3A_143, %dma_wait3A_144] : memref<17x64xi32, #tpu.memory_space<vmem>> -> memref<1x64xi32, #tpu.memory_space<vmem>>
    %dma_wait3A_146 = tpu.memref_squeeze %dma_wait3A_145 : memref<1x64xi32, #tpu.memory_space<vmem>> -> memref<64xi32, #tpu.memory_space<vmem>>
    %dma_wait3A_147 = arith.constant 0 : i32
    %dma_wait3A_148 = arith.constant 0 : i32
    %dma_wait3A_149 = tpu.memref_slice %arg2[%dma_wait3A_147, %dma_wait3A_148] : memref<65600x768xf32, #tpu.memory_space<hbm>> -> memref<65600x768xf32, #tpu.memory_space<hbm>>
    tpu.wait_indirect_dma semaphore(%arg9 : memref<!tpu.dma_semaphore, #tpu.memory_space<semaphore_mem>>) src(%dma_wait3A_149 : memref<65600x768xf32, #tpu.memory_space<hbm>>) dst(%arg7 : memref<64x768xf32, #tpu.memory_space<vmem>>)
    %add3A_150 = arith.constant 160 : i32
    %add3A_151 = arith.addi %add3A, %add3A_150 : i32
    %mul3A_152 = arith.constant 64 : i32
    %mul3A_153 = arith.muli %add3A_151, %mul3A_152 : i32
    %dma_start3A_154 = arith.constant 0 : i32
    %dma_start3A_155 = tpu.memref_slice %arg4[%mul3A_153, %dma_start3A_154] : memref<32832x768xf32, #tpu.memory_space<hbm>> -> memref<64x768xf32, #tpu.memory_space<hbm>>
    %dma_start3A_156 = arith.constant 0 : i32
    %dma_start3A_157 = tpu.memref_slice %arg4[%mul3A_153, %dma_start3A_156] : memref<32832x768xf32, #tpu.memory_space<hbm>> -> memref<64x768xf32, #tpu.memory_space<hbm>>
    tpu.enqueue_dma source(%arg7 : memref<64x768xf32, #tpu.memory_space<vmem>>) target(%dma_start3A_157 : memref<64x768xf32, #tpu.memory_space<hbm>>) target_semaphore(%arg11 : memref<!tpu.dma_semaphore, #tpu.memory_space<semaphore_mem>>)
    %dma_wait3A_158 = arith.constant 0 : i32
    %dma_wait3A_159 = tpu.memref_slice %arg4[%mul3A_153, %dma_wait3A_158] : memref<32832x768xf32, #tpu.memory_space<hbm>> -> memref<64x768xf32, #tpu.memory_space<hbm>>
    %dma_wait3A_160 = arith.constant 0 : i32
    %dma_wait3A_161 = tpu.memref_slice %arg4[%mul3A_153, %dma_wait3A_160] : memref<32832x768xf32, #tpu.memory_space<hbm>> -> memref<64x768xf32, #tpu.memory_space<hbm>>
    tpu.wait_dma2 semaphore(%arg11 : memref<!tpu.dma_semaphore, #tpu.memory_space<semaphore_mem>>) src(%arg7 : memref<64x768xf32, #tpu.memory_space<vmem>>) dst(%dma_wait3A_161 : memref<64x768xf32, #tpu.memory_space<hbm>>)
    %dma_start3A_162 = arith.constant 7 : i32
    %dma_start3A_163 = arith.constant 0 : i32
    %dma_start3A_164 = tpu.memref_slice %arg5[%dma_start3A_162, %dma_start3A_163] : memref<17x64xi32, #tpu.memory_space<vmem>> -> memref<1x64xi32, #tpu.memory_space<vmem>>
    %dma_start3A_165 = tpu.memref_squeeze %dma_start3A_164 : memref<1x64xi32, #tpu.memory_space<vmem>> -> memref<64xi32, #tpu.memory_space<vmem>>
    %dma_start3A_166 = arith.constant 0 : i32
    %dma_start3A_167 = arith.constant 0 : i32
    %dma_start3A_168 = tpu.memref_slice %arg2[%dma_start3A_166, %dma_start3A_167] : memref<65600x768xf32, #tpu.memory_space<hbm>> -> memref<65600x768xf32, #tpu.memory_space<hbm>>
    tpu.enqueue_indirect_dma source(%dma_start3A_168 : memref<65600x768xf32, #tpu.memory_space<hbm>>) target(%arg7 : memref<64x768xf32, #tpu.memory_space<vmem>>) offsets(%dma_start3A_165 : memref<64xi32, #tpu.memory_space<vmem>>) semaphore(%arg9 : memref<!tpu.dma_semaphore, #tpu.memory_space<semaphore_mem>>)
    %dma_wait3A_169 = arith.constant 6 : i32
    %dma_wait3A_170 = arith.constant 0 : i32
    %dma_wait3A_171 = tpu.memref_slice %arg5[%dma_wait3A_169, %dma_wait3A_170] : memref<17x64xi32, #tpu.memory_space<vmem>> -> memref<1x64xi32, #tpu.memory_space<vmem>>
    %dma_wait3A_172 = tpu.memref_squeeze %dma_wait3A_171 : memref<1x64xi32, #tpu.memory_space<vmem>> -> memref<64xi32, #tpu.memory_space<vmem>>
    %dma_wait3A_173 = arith.constant 0 : i32
    %dma_wait3A_174 = arith.constant 0 : i32
    %dma_wait3A_175 = tpu.memref_slice %arg2[%dma_wait3A_173, %dma_wait3A_174] : memref<65600x768xf32, #tpu.memory_space<hbm>> -> memref<65600x768xf32, #tpu.memory_space<hbm>>
    tpu.wait_indirect_dma semaphore(%arg8 : memref<!tpu.dma_semaphore, #tpu.memory_space<semaphore_mem>>) src(%dma_wait3A_175 : memref<65600x768xf32, #tpu.memory_space<hbm>>) dst(%arg6 : memref<64x768xf32, #tpu.memory_space<vmem>>)
    %add3A_176 = arith.constant 192 : i32
    %add3A_177 = arith.addi %add3A, %add3A_176 : i32
    %mul3A_178 = arith.constant 64 : i32
    %mul3A_179 = arith.muli %add3A_177, %mul3A_178 : i32
    %dma_start3A_180 = arith.constant 0 : i32
    %dma_start3A_181 = tpu.memref_slice %arg4[%mul3A_179, %dma_start3A_180] : memref<32832x768xf32, #tpu.memory_space<hbm>> -> memref<64x768xf32, #tpu.memory_space<hbm>>
    %dma_start3A_182 = arith.constant 0 : i32
    %dma_start3A_183 = tpu.memref_slice %arg4[%mul3A_179, %dma_start3A_182] : memref<32832x768xf32, #tpu.memory_space<hbm>> -> memref<64x768xf32, #tpu.memory_space<hbm>>
    tpu.enqueue_dma source(%arg6 : memref<64x768xf32, #tpu.memory_space<vmem>>) target(%dma_start3A_183 : memref<64x768xf32, #tpu.memory_space<hbm>>) target_semaphore(%arg10 : memref<!tpu.dma_semaphore, #tpu.memory_space<semaphore_mem>>)
    %dma_wait3A_184 = arith.constant 0 : i32
    %dma_wait3A_185 = tpu.memref_slice %arg4[%mul3A_179, %dma_wait3A_184] : memref<32832x768xf32, #tpu.memory_space<hbm>> -> memref<64x768xf32, #tpu.memory_space<hbm>>
    %dma_wait3A_186 = arith.constant 0 : i32
    %dma_wait3A_187 = tpu.memref_slice %arg4[%mul3A_179, %dma_wait3A_186] : memref<32832x768xf32, #tpu.memory_space<hbm>> -> memref<64x768xf32, #tpu.memory_space<hbm>>
    tpu.wait_dma2 semaphore(%arg10 : memref<!tpu.dma_semaphore, #tpu.memory_space<semaphore_mem>>) src(%arg6 : memref<64x768xf32, #tpu.memory_space<vmem>>) dst(%dma_wait3A_187 : memref<64x768xf32, #tpu.memory_space<hbm>>)
    %dma_start3A_188 = arith.constant 8 : i32
    %dma_start3A_189 = arith.constant 0 : i32
    %dma_start3A_190 = tpu.memref_slice %arg5[%dma_start3A_188, %dma_start3A_189] : memref<17x64xi32, #tpu.memory_space<vmem>> -> memref<1x64xi32, #tpu.memory_space<vmem>>
    %dma_start3A_191 = tpu.memref_squeeze %dma_start3A_190 : memref<1x64xi32, #tpu.memory_space<vmem>> -> memref<64xi32, #tpu.memory_space<vmem>>
    %dma_start3A_192 = arith.constant 0 : i32
    %dma_start3A_193 = arith.constant 0 : i32
    %dma_start3A_194 = tpu.memref_slice %arg2[%dma_start3A_192, %dma_start3A_193] : memref<65600x768xf32, #tpu.memory_space<hbm>> -> memref<65600x768xf32, #tpu.memory_space<hbm>>
    tpu.enqueue_indirect_dma source(%dma_start3A_194 : memref<65600x768xf32, #tpu.memory_space<hbm>>) target(%arg6 : memref<64x768xf32, #tpu.memory_space<vmem>>) offsets(%dma_start3A_191 : memref<64xi32, #tpu.memory_space<vmem>>) semaphore(%arg8 : memref<!tpu.dma_semaphore, #tpu.memory_space<semaphore_mem>>)
    %dma_wait3A_195 = arith.constant 7 : i32
    %dma_wait3A_196 = arith.constant 0 : i32
    %dma_wait3A_197 = tpu.memref_slice %arg5[%dma_wait3A_195, %dma_wait3A_196] : memref<17x64xi32, #tpu.memory_space<vmem>> -> memref<1x64xi32, #tpu.memory_space<vmem>>
    %dma_wait3A_198 = tpu.memref_squeeze %dma_wait3A_197 : memref<1x64xi32, #tpu.memory_space<vmem>> -> memref<64xi32, #tpu.memory_space<vmem>>
    %dma_wait3A_199 = arith.constant 0 : i32
    %dma_wait3A_200 = arith.constant 0 : i32
    %dma_wait3A_201 = tpu.memref_slice %arg2[%dma_wait3A_199, %dma_wait3A_200] : memref<65600x768xf32, #tpu.memory_space<hbm>> -> memref<65600x768xf32, #tpu.memory_space<hbm>>
    tpu.wait_indirect_dma semaphore(%arg9 : memref<!tpu.dma_semaphore, #tpu.memory_space<semaphore_mem>>) src(%dma_wait3A_201 : memref<65600x768xf32, #tpu.memory_space<hbm>>) dst(%arg7 : memref<64x768xf32, #tpu.memory_space<vmem>>)
    %add3A_202 = arith.constant 224 : i32
    %add3A_203 = arith.addi %add3A, %add3A_202 : i32
    %mul3A_204 = arith.constant 64 : i32
    %mul3A_205 = arith.muli %add3A_203, %mul3A_204 : i32
    %dma_start3A_206 = arith.constant 0 : i32
    %dma_start3A_207 = tpu.memref_slice %arg4[%mul3A_205, %dma_start3A_206] : memref<32832x768xf32, #tpu.memory_space<hbm>> -> memref<64x768xf32, #tpu.memory_space<hbm>>
    %dma_start3A_208 = arith.constant 0 : i32
    %dma_start3A_209 = tpu.memref_slice %arg4[%mul3A_205, %dma_start3A_208] : memref<32832x768xf32, #tpu.memory_space<hbm>> -> memref<64x768xf32, #tpu.memory_space<hbm>>
    tpu.enqueue_dma source(%arg7 : memref<64x768xf32, #tpu.memory_space<vmem>>) target(%dma_start3A_209 : memref<64x768xf32, #tpu.memory_space<hbm>>) target_semaphore(%arg11 : memref<!tpu.dma_semaphore, #tpu.memory_space<semaphore_mem>>)
    %dma_wait3A_210 = arith.constant 0 : i32
    %dma_wait3A_211 = tpu.memref_slice %arg4[%mul3A_205, %dma_wait3A_210] : memref<32832x768xf32, #tpu.memory_space<hbm>> -> memref<64x768xf32, #tpu.memory_space<hbm>>
    %dma_wait3A_212 = arith.constant 0 : i32
    %dma_wait3A_213 = tpu.memref_slice %arg4[%mul3A_205, %dma_wait3A_212] : memref<32832x768xf32, #tpu.memory_space<hbm>> -> memref<64x768xf32, #tpu.memory_space<hbm>>
    tpu.wait_dma2 semaphore(%arg11 : memref<!tpu.dma_semaphore, #tpu.memory_space<semaphore_mem>>) src(%arg7 : memref<64x768xf32, #tpu.memory_space<vmem>>) dst(%dma_wait3A_213 : memref<64x768xf32, #tpu.memory_space<hbm>>)
    %dma_start3A_214 = arith.constant 9 : i32
    %dma_start3A_215 = arith.constant 0 : i32
    %dma_start3A_216 = tpu.memref_slice %arg5[%dma_start3A_214, %dma_start3A_215] : memref<17x64xi32, #tpu.memory_space<vmem>> -> memref<1x64xi32, #tpu.memory_space<vmem>>
    %dma_start3A_217 = tpu.memref_squeeze %dma_start3A_216 : memref<1x64xi32, #tpu.memory_space<vmem>> -> memref<64xi32, #tpu.memory_space<vmem>>
    %dma_start3A_218 = arith.constant 0 : i32
    %dma_start3A_219 = arith.constant 0 : i32
    %dma_start3A_220 = tpu.memref_slice %arg2[%dma_start3A_218, %dma_start3A_219] : memref<65600x768xf32, #tpu.memory_space<hbm>> -> memref<65600x768xf32, #tpu.memory_space<hbm>>
    tpu.enqueue_indirect_dma source(%dma_start3A_220 : memref<65600x768xf32, #tpu.memory_space<hbm>>) target(%arg7 : memref<64x768xf32, #tpu.memory_space<vmem>>) offsets(%dma_start3A_217 : memref<64xi32, #tpu.memory_space<vmem>>) semaphore(%arg9 : memref<!tpu.dma_semaphore, #tpu.memory_space<semaphore_mem>>)
    %dma_wait3A_221 = arith.constant 8 : i32
    %dma_wait3A_222 = arith.constant 0 : i32
    %dma_wait3A_223 = tpu.memref_slice %arg5[%dma_wait3A_221, %dma_wait3A_222] : memref<17x64xi32, #tpu.memory_space<vmem>> -> memref<1x64xi32, #tpu.memory_space<vmem>>
    %dma_wait3A_224 = tpu.memref_squeeze %dma_wait3A_223 : memref<1x64xi32, #tpu.memory_space<vmem>> -> memref<64xi32, #tpu.memory_space<vmem>>
    %dma_wait3A_225 = arith.constant 0 : i32
    %dma_wait3A_226 = arith.constant 0 : i32
    %dma_wait3A_227 = tpu.memref_slice %arg2[%dma_wait3A_225, %dma_wait3A_226] : memref<65600x768xf32, #tpu.memory_space<hbm>> -> memref<65600x768xf32, #tpu.memory_space<hbm>>
    tpu.wait_indirect_dma semaphore(%arg8 : memref<!tpu.dma_semaphore, #tpu.memory_space<semaphore_mem>>) src(%dma_wait3A_227 : memref<65600x768xf32, #tpu.memory_space<hbm>>) dst(%arg6 : memref<64x768xf32, #tpu.memory_space<vmem>>)
    %add3A_228 = arith.constant 256 : i32
    %add3A_229 = arith.addi %add3A, %add3A_228 : i32
    %mul3A_230 = arith.constant 64 : i32
    %mul3A_231 = arith.muli %add3A_229, %mul3A_230 : i32
    %dma_start3A_232 = arith.constant 0 : i32
    %dma_start3A_233 = tpu.memref_slice %arg4[%mul3A_231, %dma_start3A_232] : memref<32832x768xf32, #tpu.memory_space<hbm>> -> memref<64x768xf32, #tpu.memory_space<hbm>>
    %dma_start3A_234 = arith.constant 0 : i32
    %dma_start3A_235 = tpu.memref_slice %arg4[%mul3A_231, %dma_start3A_234] : memref<32832x768xf32, #tpu.memory_space<hbm>> -> memref<64x768xf32, #tpu.memory_space<hbm>>
    tpu.enqueue_dma source(%arg6 : memref<64x768xf32, #tpu.memory_space<vmem>>) target(%dma_start3A_235 : memref<64x768xf32, #tpu.memory_space<hbm>>) target_semaphore(%arg10 : memref<!tpu.dma_semaphore, #tpu.memory_space<semaphore_mem>>)
    %dma_wait3A_236 = arith.constant 0 : i32
    %dma_wait3A_237 = tpu.memref_slice %arg4[%mul3A_231, %dma_wait3A_236] : memref<32832x768xf32, #tpu.memory_space<hbm>> -> memref<64x768xf32, #tpu.memory_space<hbm>>
    %dma_wait3A_238 = arith.constant 0 : i32
    %dma_wait3A_239 = tpu.memref_slice %arg4[%mul3A_231, %dma_wait3A_238] : memref<32832x768xf32, #tpu.memory_space<hbm>> -> memref<64x768xf32, #tpu.memory_space<hbm>>
    tpu.wait_dma2 semaphore(%arg10 : memref<!tpu.dma_semaphore, #tpu.memory_space<semaphore_mem>>) src(%arg6 : memref<64x768xf32, #tpu.memory_space<vmem>>) dst(%dma_wait3A_239 : memref<64x768xf32, #tpu.memory_space<hbm>>)
    %dma_start3A_240 = arith.constant 10 : i32
    %dma_start3A_241 = arith.constant 0 : i32
    %dma_start3A_242 = tpu.memref_slice %arg5[%dma_start3A_240, %dma_start3A_241] : memref<17x64xi32, #tpu.memory_space<vmem>> -> memref<1x64xi32, #tpu.memory_space<vmem>>
    %dma_start3A_243 = tpu.memref_squeeze %dma_start3A_242 : memref<1x64xi32, #tpu.memory_space<vmem>> -> memref<64xi32, #tpu.memory_space<vmem>>
    %dma_start3A_244 = arith.constant 0 : i32
    %dma_start3A_245 = arith.constant 0 : i32
    %dma_start3A_246 = tpu.memref_slice %arg2[%dma_start3A_244, %dma_start3A_245] : memref<65600x768xf32, #tpu.memory_space<hbm>> -> memref<65600x768xf32, #tpu.memory_space<hbm>>
    tpu.enqueue_indirect_dma source(%dma_start3A_246 : memref<65600x768xf32, #tpu.memory_space<hbm>>) target(%arg6 : memref<64x768xf32, #tpu.memory_space<vmem>>) offsets(%dma_start3A_243 : memref<64xi32, #tpu.memory_space<vmem>>) semaphore(%arg8 : memref<!tpu.dma_semaphore, #tpu.memory_space<semaphore_mem>>)
    %dma_wait3A_247 = arith.constant 9 : i32
    %dma_wait3A_248 = arith.constant 0 : i32
    %dma_wait3A_249 = tpu.memref_slice %arg5[%dma_wait3A_247, %dma_wait3A_248] : memref<17x64xi32, #tpu.memory_space<vmem>> -> memref<1x64xi32, #tpu.memory_space<vmem>>
    %dma_wait3A_250 = tpu.memref_squeeze %dma_wait3A_249 : memref<1x64xi32, #tpu.memory_space<vmem>> -> memref<64xi32, #tpu.memory_space<vmem>>
    %dma_wait3A_251 = arith.constant 0 : i32
    %dma_wait3A_252 = arith.constant 0 : i32
    %dma_wait3A_253 = tpu.memref_slice %arg2[%dma_wait3A_251, %dma_wait3A_252] : memref<65600x768xf32, #tpu.memory_space<hbm>> -> memref<65600x768xf32, #tpu.memory_space<hbm>>
    tpu.wait_indirect_dma semaphore(%arg9 : memref<!tpu.dma_semaphore, #tpu.memory_space<semaphore_mem>>) src(%dma_wait3A_253 : memref<65600x768xf32, #tpu.memory_space<hbm>>) dst(%arg7 : memref<64x768xf32, #tpu.memory_space<vmem>>)
    %add3A_254 = arith.constant 288 : i32
    %add3A_255 = arith.addi %add3A, %add3A_254 : i32
    %mul3A_256 = arith.constant 64 : i32
    %mul3A_257 = arith.muli %add3A_255, %mul3A_256 : i32
    %dma_start3A_258 = arith.constant 0 : i32
    %dma_start3A_259 = tpu.memref_slice %arg4[%mul3A_257, %dma_start3A_258] : memref<32832x768xf32, #tpu.memory_space<hbm>> -> memref<64x768xf32, #tpu.memory_space<hbm>>
    %dma_start3A_260 = arith.constant 0 : i32
    %dma_start3A_261 = tpu.memref_slice %arg4[%mul3A_257, %dma_start3A_260] : memref<32832x768xf32, #tpu.memory_space<hbm>> -> memref<64x768xf32, #tpu.memory_space<hbm>>
    tpu.enqueue_dma source(%arg7 : memref<64x768xf32, #tpu.memory_space<vmem>>) target(%dma_start3A_261 : memref<64x768xf32, #tpu.memory_space<hbm>>) target_semaphore(%arg11 : memref<!tpu.dma_semaphore, #tpu.memory_space<semaphore_mem>>)
    %dma_wait3A_262 = arith.constant 0 : i32
    %dma_wait3A_263 = tpu.memref_slice %arg4[%mul3A_257, %dma_wait3A_262] : memref<32832x768xf32, #tpu.memory_space<hbm>> -> memref<64x768xf32, #tpu.memory_space<hbm>>
    %dma_wait3A_264 = arith.constant 0 : i32
    %dma_wait3A_265 = tpu.memref_slice %arg4[%mul3A_257, %dma_wait3A_264] : memref<32832x768xf32, #tpu.memory_space<hbm>> -> memref<64x768xf32, #tpu.memory_space<hbm>>
    tpu.wait_dma2 semaphore(%arg11 : memref<!tpu.dma_semaphore, #tpu.memory_space<semaphore_mem>>) src(%arg7 : memref<64x768xf32, #tpu.memory_space<vmem>>) dst(%dma_wait3A_265 : memref<64x768xf32, #tpu.memory_space<hbm>>)
    %dma_start3A_266 = arith.constant 11 : i32
    %dma_start3A_267 = arith.constant 0 : i32
    %dma_start3A_268 = tpu.memref_slice %arg5[%dma_start3A_266, %dma_start3A_267] : memref<17x64xi32, #tpu.memory_space<vmem>> -> memref<1x64xi32, #tpu.memory_space<vmem>>
    %dma_start3A_269 = tpu.memref_squeeze %dma_start3A_268 : memref<1x64xi32, #tpu.memory_space<vmem>> -> memref<64xi32, #tpu.memory_space<vmem>>
    %dma_start3A_270 = arith.constant 0 : i32
    %dma_start3A_271 = arith.constant 0 : i32
    %dma_start3A_272 = tpu.memref_slice %arg2[%dma_start3A_270, %dma_start3A_271] : memref<65600x768xf32, #tpu.memory_space<hbm>> -> memref<65600x768xf32, #tpu.memory_space<hbm>>
    tpu.enqueue_indirect_dma source(%dma_start3A_272 : memref<65600x768xf32, #tpu.memory_space<hbm>>) target(%arg7 : memref<64x768xf32, #tpu.memory_space<vmem>>) offsets(%dma_start3A_269 : memref<64xi32, #tpu.memory_space<vmem>>) semaphore(%arg9 : memref<!tpu.dma_semaphore, #tpu.memory_space<semaphore_mem>>)
    %dma_wait3A_273 = arith.constant 10 : i32
    %dma_wait3A_274 = arith.constant 0 : i32
    %dma_wait3A_275 = tpu.memref_slice %arg5[%dma_wait3A_273, %dma_wait3A_274] : memref<17x64xi32, #tpu.memory_space<vmem>> -> memref<1x64xi32, #tpu.memory_space<vmem>>
    %dma_wait3A_276 = tpu.memref_squeeze %dma_wait3A_275 : memref<1x64xi32, #tpu.memory_space<vmem>> -> memref<64xi32, #tpu.memory_space<vmem>>
    %dma_wait3A_277 = arith.constant 0 : i32
    %dma_wait3A_278 = arith.constant 0 : i32
    %dma_wait3A_279 = tpu.memref_slice %arg2[%dma_wait3A_277, %dma_wait3A_278] : memref<65600x768xf32, #tpu.memory_space<hbm>> -> memref<65600x768xf32, #tpu.memory_space<hbm>>
    tpu.wait_indirect_dma semaphore(%arg8 : memref<!tpu.dma_semaphore, #tpu.memory_space<semaphore_mem>>) src(%dma_wait3A_279 : memref<65600x768xf32, #tpu.memory_space<hbm>>) dst(%arg6 : memref<64x768xf32, #tpu.memory_space<vmem>>)
    %add3A_280 = arith.constant 320 : i32
    %add3A_281 = arith.addi %add3A, %add3A_280 : i32
    %mul3A_282 = arith.constant 64 : i32
    %mul3A_283 = arith.muli %add3A_281, %mul3A_282 : i32
    %dma_start3A_284 = arith.constant 0 : i32
    %dma_start3A_285 = tpu.memref_slice %arg4[%mul3A_283, %dma_start3A_284] : memref<32832x768xf32, #tpu.memory_space<hbm>> -> memref<64x768xf32, #tpu.memory_space<hbm>>
    %dma_start3A_286 = arith.constant 0 : i32
    %dma_start3A_287 = tpu.memref_slice %arg4[%mul3A_283, %dma_start3A_286] : memref<32832x768xf32, #tpu.memory_space<hbm>> -> memref<64x768xf32, #tpu.memory_space<hbm>>
    tpu.enqueue_dma source(%arg6 : memref<64x768xf32, #tpu.memory_space<vmem>>) target(%dma_start3A_287 : memref<64x768xf32, #tpu.memory_space<hbm>>) target_semaphore(%arg10 : memref<!tpu.dma_semaphore, #tpu.memory_space<semaphore_mem>>)
    %dma_wait3A_288 = arith.constant 0 : i32
    %dma_wait3A_289 = tpu.memref_slice %arg4[%mul3A_283, %dma_wait3A_288] : memref<32832x768xf32, #tpu.memory_space<hbm>> -> memref<64x768xf32, #tpu.memory_space<hbm>>
    %dma_wait3A_290 = arith.constant 0 : i32
    %dma_wait3A_291 = tpu.memref_slice %arg4[%mul3A_283, %dma_wait3A_290] : memref<32832x768xf32, #tpu.memory_space<hbm>> -> memref<64x768xf32, #tpu.memory_space<hbm>>
    tpu.wait_dma2 semaphore(%arg10 : memref<!tpu.dma_semaphore, #tpu.memory_space<semaphore_mem>>) src(%arg6 : memref<64x768xf32, #tpu.memory_space<vmem>>) dst(%dma_wait3A_291 : memref<64x768xf32, #tpu.memory_space<hbm>>)
    %dma_start3A_292 = arith.constant 12 : i32
    %dma_start3A_293 = arith.constant 0 : i32
    %dma_start3A_294 = tpu.memref_slice %arg5[%dma_start3A_292, %dma_start3A_293] : memref<17x64xi32, #tpu.memory_space<vmem>> -> memref<1x64xi32, #tpu.memory_space<vmem>>
    %dma_start3A_295 = tpu.memref_squeeze %dma_start3A_294 : memref<1x64xi32, #tpu.memory_space<vmem>> -> memref<64xi32, #tpu.memory_space<vmem>>
    %dma_start3A_296 = arith.constant 0 : i32
    %dma_start3A_297 = arith.constant 0 : i32
    %dma_start3A_298 = tpu.memref_slice %arg2[%dma_start3A_296, %dma_start3A_297] : memref<65600x768xf32, #tpu.memory_space<hbm>> -> memref<65600x768xf32, #tpu.memory_space<hbm>>
    tpu.enqueue_indirect_dma source(%dma_start3A_298 : memref<65600x768xf32, #tpu.memory_space<hbm>>) target(%arg6 : memref<64x768xf32, #tpu.memory_space<vmem>>) offsets(%dma_start3A_295 : memref<64xi32, #tpu.memory_space<vmem>>) semaphore(%arg8 : memref<!tpu.dma_semaphore, #tpu.memory_space<semaphore_mem>>)
    %dma_wait3A_299 = arith.constant 11 : i32
    %dma_wait3A_300 = arith.constant 0 : i32
    %dma_wait3A_301 = tpu.memref_slice %arg5[%dma_wait3A_299, %dma_wait3A_300] : memref<17x64xi32, #tpu.memory_space<vmem>> -> memref<1x64xi32, #tpu.memory_space<vmem>>
    %dma_wait3A_302 = tpu.memref_squeeze %dma_wait3A_301 : memref<1x64xi32, #tpu.memory_space<vmem>> -> memref<64xi32, #tpu.memory_space<vmem>>
    %dma_wait3A_303 = arith.constant 0 : i32
    %dma_wait3A_304 = arith.constant 0 : i32
    %dma_wait3A_305 = tpu.memref_slice %arg2[%dma_wait3A_303, %dma_wait3A_304] : memref<65600x768xf32, #tpu.memory_space<hbm>> -> memref<65600x768xf32, #tpu.memory_space<hbm>>
    tpu.wait_indirect_dma semaphore(%arg9 : memref<!tpu.dma_semaphore, #tpu.memory_space<semaphore_mem>>) src(%dma_wait3A_305 : memref<65600x768xf32, #tpu.memory_space<hbm>>) dst(%arg7 : memref<64x768xf32, #tpu.memory_space<vmem>>)
    %add3A_306 = arith.constant 352 : i32
    %add3A_307 = arith.addi %add3A, %add3A_306 : i32
    %mul3A_308 = arith.constant 64 : i32
    %mul3A_309 = arith.muli %add3A_307, %mul3A_308 : i32
    %dma_start3A_310 = arith.constant 0 : i32
    %dma_start3A_311 = tpu.memref_slice %arg4[%mul3A_309, %dma_start3A_310] : memref<32832x768xf32, #tpu.memory_space<hbm>> -> memref<64x768xf32, #tpu.memory_space<hbm>>
    %dma_start3A_312 = arith.constant 0 : i32
    %dma_start3A_313 = tpu.memref_slice %arg4[%mul3A_309, %dma_start3A_312] : memref<32832x768xf32, #tpu.memory_space<hbm>> -> memref<64x768xf32, #tpu.memory_space<hbm>>
    tpu.enqueue_dma source(%arg7 : memref<64x768xf32, #tpu.memory_space<vmem>>) target(%dma_start3A_313 : memref<64x768xf32, #tpu.memory_space<hbm>>) target_semaphore(%arg11 : memref<!tpu.dma_semaphore, #tpu.memory_space<semaphore_mem>>)
    %dma_wait3A_314 = arith.constant 0 : i32
    %dma_wait3A_315 = tpu.memref_slice %arg4[%mul3A_309, %dma_wait3A_314] : memref<32832x768xf32, #tpu.memory_space<hbm>> -> memref<64x768xf32, #tpu.memory_space<hbm>>
    %dma_wait3A_316 = arith.constant 0 : i32
    %dma_wait3A_317 = tpu.memref_slice %arg4[%mul3A_309, %dma_wait3A_316] : memref<32832x768xf32, #tpu.memory_space<hbm>> -> memref<64x768xf32, #tpu.memory_space<hbm>>
    tpu.wait_dma2 semaphore(%arg11 : memref<!tpu.dma_semaphore, #tpu.memory_space<semaphore_mem>>) src(%arg7 : memref<64x768xf32, #tpu.memory_space<vmem>>) dst(%dma_wait3A_317 : memref<64x768xf32, #tpu.memory_space<hbm>>)
    %dma_start3A_318 = arith.constant 13 : i32
    %dma_start3A_319 = arith.constant 0 : i32
    %dma_start3A_320 = tpu.memref_slice %arg5[%dma_start3A_318, %dma_start3A_319] : memref<17x64xi32, #tpu.memory_space<vmem>> -> memref<1x64xi32, #tpu.memory_space<vmem>>
    %dma_start3A_321 = tpu.memref_squeeze %dma_start3A_320 : memref<1x64xi32, #tpu.memory_space<vmem>> -> memref<64xi32, #tpu.memory_space<vmem>>
    %dma_start3A_322 = arith.constant 0 : i32
    %dma_start3A_323 = arith.constant 0 : i32
    %dma_start3A_324 = tpu.memref_slice %arg2[%dma_start3A_322, %dma_start3A_323] : memref<65600x768xf32, #tpu.memory_space<hbm>> -> memref<65600x768xf32, #tpu.memory_space<hbm>>
    tpu.enqueue_indirect_dma source(%dma_start3A_324 : memref<65600x768xf32, #tpu.memory_space<hbm>>) target(%arg7 : memref<64x768xf32, #tpu.memory_space<vmem>>) offsets(%dma_start3A_321 : memref<64xi32, #tpu.memory_space<vmem>>) semaphore(%arg9 : memref<!tpu.dma_semaphore, #tpu.memory_space<semaphore_mem>>)
    %dma_wait3A_325 = arith.constant 12 : i32
    %dma_wait3A_326 = arith.constant 0 : i32
    %dma_wait3A_327 = tpu.memref_slice %arg5[%dma_wait3A_325, %dma_wait3A_326] : memref<17x64xi32, #tpu.memory_space<vmem>> -> memref<1x64xi32, #tpu.memory_space<vmem>>
    %dma_wait3A_328 = tpu.memref_squeeze %dma_wait3A_327 : memref<1x64xi32, #tpu.memory_space<vmem>> -> memref<64xi32, #tpu.memory_space<vmem>>
    %dma_wait3A_329 = arith.constant 0 : i32
    %dma_wait3A_330 = arith.constant 0 : i32
    %dma_wait3A_331 = tpu.memref_slice %arg2[%dma_wait3A_329, %dma_wait3A_330] : memref<65600x768xf32, #tpu.memory_space<hbm>> -> memref<65600x768xf32, #tpu.memory_space<hbm>>
    tpu.wait_indirect_dma semaphore(%arg8 : memref<!tpu.dma_semaphore, #tpu.memory_space<semaphore_mem>>) src(%dma_wait3A_331 : memref<65600x768xf32, #tpu.memory_space<hbm>>) dst(%arg6 : memref<64x768xf32, #tpu.memory_space<vmem>>)
    %add3A_332 = arith.constant 384 : i32
    %add3A_333 = arith.addi %add3A, %add3A_332 : i32
    %mul3A_334 = arith.constant 64 : i32
    %mul3A_335 = arith.muli %add3A_333, %mul3A_334 : i32
    %dma_start3A_336 = arith.constant 0 : i32
    %dma_start3A_337 = tpu.memref_slice %arg4[%mul3A_335, %dma_start3A_336] : memref<32832x768xf32, #tpu.memory_space<hbm>> -> memref<64x768xf32, #tpu.memory_space<hbm>>
    %dma_start3A_338 = arith.constant 0 : i32
    %dma_start3A_339 = tpu.memref_slice %arg4[%mul3A_335, %dma_start3A_338] : memref<32832x768xf32, #tpu.memory_space<hbm>> -> memref<64x768xf32, #tpu.memory_space<hbm>>
    tpu.enqueue_dma source(%arg6 : memref<64x768xf32, #tpu.memory_space<vmem>>) target(%dma_start3A_339 : memref<64x768xf32, #tpu.memory_space<hbm>>) target_semaphore(%arg10 : memref<!tpu.dma_semaphore, #tpu.memory_space<semaphore_mem>>)
    %dma_wait3A_340 = arith.constant 0 : i32
    %dma_wait3A_341 = tpu.memref_slice %arg4[%mul3A_335, %dma_wait3A_340] : memref<32832x768xf32, #tpu.memory_space<hbm>> -> memref<64x768xf32, #tpu.memory_space<hbm>>
    %dma_wait3A_342 = arith.constant 0 : i32
    %dma_wait3A_343 = tpu.memref_slice %arg4[%mul3A_335, %dma_wait3A_342] : memref<32832x768xf32, #tpu.memory_space<hbm>> -> memref<64x768xf32, #tpu.memory_space<hbm>>
    tpu.wait_dma2 semaphore(%arg10 : memref<!tpu.dma_semaphore, #tpu.memory_space<semaphore_mem>>) src(%arg6 : memref<64x768xf32, #tpu.memory_space<vmem>>) dst(%dma_wait3A_343 : memref<64x768xf32, #tpu.memory_space<hbm>>)
    %dma_start3A_344 = arith.constant 14 : i32
    %dma_start3A_345 = arith.constant 0 : i32
    %dma_start3A_346 = tpu.memref_slice %arg5[%dma_start3A_344, %dma_start3A_345] : memref<17x64xi32, #tpu.memory_space<vmem>> -> memref<1x64xi32, #tpu.memory_space<vmem>>
    %dma_start3A_347 = tpu.memref_squeeze %dma_start3A_346 : memref<1x64xi32, #tpu.memory_space<vmem>> -> memref<64xi32, #tpu.memory_space<vmem>>
    %dma_start3A_348 = arith.constant 0 : i32
    %dma_start3A_349 = arith.constant 0 : i32
    %dma_start3A_350 = tpu.memref_slice %arg2[%dma_start3A_348, %dma_start3A_349] : memref<65600x768xf32, #tpu.memory_space<hbm>> -> memref<65600x768xf32, #tpu.memory_space<hbm>>
    tpu.enqueue_indirect_dma source(%dma_start3A_350 : memref<65600x768xf32, #tpu.memory_space<hbm>>) target(%arg6 : memref<64x768xf32, #tpu.memory_space<vmem>>) offsets(%dma_start3A_347 : memref<64xi32, #tpu.memory_space<vmem>>) semaphore(%arg8 : memref<!tpu.dma_semaphore, #tpu.memory_space<semaphore_mem>>)
    %dma_wait3A_351 = arith.constant 13 : i32
    %dma_wait3A_352 = arith.constant 0 : i32
    %dma_wait3A_353 = tpu.memref_slice %arg5[%dma_wait3A_351, %dma_wait3A_352] : memref<17x64xi32, #tpu.memory_space<vmem>> -> memref<1x64xi32, #tpu.memory_space<vmem>>
    %dma_wait3A_354 = tpu.memref_squeeze %dma_wait3A_353 : memref<1x64xi32, #tpu.memory_space<vmem>> -> memref<64xi32, #tpu.memory_space<vmem>>
    %dma_wait3A_355 = arith.constant 0 : i32
    %dma_wait3A_356 = arith.constant 0 : i32
    %dma_wait3A_357 = tpu.memref_slice %arg2[%dma_wait3A_355, %dma_wait3A_356] : memref<65600x768xf32, #tpu.memory_space<hbm>> -> memref<65600x768xf32, #tpu.memory_space<hbm>>
    tpu.wait_indirect_dma semaphore(%arg9 : memref<!tpu.dma_semaphore, #tpu.memory_space<semaphore_mem>>) src(%dma_wait3A_357 : memref<65600x768xf32, #tpu.memory_space<hbm>>) dst(%arg7 : memref<64x768xf32, #tpu.memory_space<vmem>>)
    %add3A_358 = arith.constant 416 : i32
    %add3A_359 = arith.addi %add3A, %add3A_358 : i32
    %mul3A_360 = arith.constant 64 : i32
    %mul3A_361 = arith.muli %add3A_359, %mul3A_360 : i32
    %dma_start3A_362 = arith.constant 0 : i32
    %dma_start3A_363 = tpu.memref_slice %arg4[%mul3A_361, %dma_start3A_362] : memref<32832x768xf32, #tpu.memory_space<hbm>> -> memref<64x768xf32, #tpu.memory_space<hbm>>
    %dma_start3A_364 = arith.constant 0 : i32
    %dma_start3A_365 = tpu.memref_slice %arg4[%mul3A_361, %dma_start3A_364] : memref<32832x768xf32, #tpu.memory_space<hbm>> -> memref<64x768xf32, #tpu.memory_space<hbm>>
    tpu.enqueue_dma source(%arg7 : memref<64x768xf32, #tpu.memory_space<vmem>>) target(%dma_start3A_365 : memref<64x768xf32, #tpu.memory_space<hbm>>) target_semaphore(%arg11 : memref<!tpu.dma_semaphore, #tpu.memory_space<semaphore_mem>>)
    %dma_wait3A_366 = arith.constant 0 : i32
    %dma_wait3A_367 = tpu.memref_slice %arg4[%mul3A_361, %dma_wait3A_366] : memref<32832x768xf32, #tpu.memory_space<hbm>> -> memref<64x768xf32, #tpu.memory_space<hbm>>
    %dma_wait3A_368 = arith.constant 0 : i32
    %dma_wait3A_369 = tpu.memref_slice %arg4[%mul3A_361, %dma_wait3A_368] : memref<32832x768xf32, #tpu.memory_space<hbm>> -> memref<64x768xf32, #tpu.memory_space<hbm>>
    tpu.wait_dma2 semaphore(%arg11 : memref<!tpu.dma_semaphore, #tpu.memory_space<semaphore_mem>>) src(%arg7 : memref<64x768xf32, #tpu.memory_space<vmem>>) dst(%dma_wait3A_369 : memref<64x768xf32, #tpu.memory_space<hbm>>)
    %dma_start3A_370 = arith.constant 15 : i32
    %dma_start3A_371 = arith.constant 0 : i32
    %dma_start3A_372 = tpu.memref_slice %arg5[%dma_start3A_370, %dma_start3A_371] : memref<17x64xi32, #tpu.memory_space<vmem>> -> memref<1x64xi32, #tpu.memory_space<vmem>>
    %dma_start3A_373 = tpu.memref_squeeze %dma_start3A_372 : memref<1x64xi32, #tpu.memory_space<vmem>> -> memref<64xi32, #tpu.memory_space<vmem>>
    %dma_start3A_374 = arith.constant 0 : i32
    %dma_start3A_375 = arith.constant 0 : i32
    %dma_start3A_376 = tpu.memref_slice %arg2[%dma_start3A_374, %dma_start3A_375] : memref<65600x768xf32, #tpu.memory_space<hbm>> -> memref<65600x768xf32, #tpu.memory_space<hbm>>
    tpu.enqueue_indirect_dma source(%dma_start3A_376 : memref<65600x768xf32, #tpu.memory_space<hbm>>) target(%arg7 : memref<64x768xf32, #tpu.memory_space<vmem>>) offsets(%dma_start3A_373 : memref<64xi32, #tpu.memory_space<vmem>>) semaphore(%arg9 : memref<!tpu.dma_semaphore, #tpu.memory_space<semaphore_mem>>)
    %dma_wait3A_377 = arith.constant 14 : i32
    %dma_wait3A_378 = arith.constant 0 : i32
    %dma_wait3A_379 = tpu.memref_slice %arg5[%dma_wait3A_377, %dma_wait3A_378] : memref<17x64xi32, #tpu.memory_space<vmem>> -> memref<1x64xi32, #tpu.memory_space<vmem>>
    %dma_wait3A_380 = tpu.memref_squeeze %dma_wait3A_379 : memref<1x64xi32, #tpu.memory_space<vmem>> -> memref<64xi32, #tpu.memory_space<vmem>>
    %dma_wait3A_381 = arith.constant 0 : i32
    %dma_wait3A_382 = arith.constant 0 : i32
    %dma_wait3A_383 = tpu.memref_slice %arg2[%dma_wait3A_381, %dma_wait3A_382] : memref<65600x768xf32, #tpu.memory_space<hbm>> -> memref<65600x768xf32, #tpu.memory_space<hbm>>
    tpu.wait_indirect_dma semaphore(%arg8 : memref<!tpu.dma_semaphore, #tpu.memory_space<semaphore_mem>>) src(%dma_wait3A_383 : memref<65600x768xf32, #tpu.memory_space<hbm>>) dst(%arg6 : memref<64x768xf32, #tpu.memory_space<vmem>>)
    %add3A_384 = arith.constant 448 : i32
    %add3A_385 = arith.addi %add3A, %add3A_384 : i32
    %mul3A_386 = arith.constant 64 : i32
    %mul3A_387 = arith.muli %add3A_385, %mul3A_386 : i32
    %dma_start3A_388 = arith.constant 0 : i32
    %dma_start3A_389 = tpu.memref_slice %arg4[%mul3A_387, %dma_start3A_388] : memref<32832x768xf32, #tpu.memory_space<hbm>> -> memref<64x768xf32, #tpu.memory_space<hbm>>
    %dma_start3A_390 = arith.constant 0 : i32
    %dma_start3A_391 = tpu.memref_slice %arg4[%mul3A_387, %dma_start3A_390] : memref<32832x768xf32, #tpu.memory_space<hbm>> -> memref<64x768xf32, #tpu.memory_space<hbm>>
    tpu.enqueue_dma source(%arg6 : memref<64x768xf32, #tpu.memory_space<vmem>>) target(%dma_start3A_391 : memref<64x768xf32, #tpu.memory_space<hbm>>) target_semaphore(%arg10 : memref<!tpu.dma_semaphore, #tpu.memory_space<semaphore_mem>>)
    %dma_wait3A_392 = arith.constant 15 : i32
    %dma_wait3A_393 = arith.constant 0 : i32
    %dma_wait3A_394 = tpu.memref_slice %arg5[%dma_wait3A_392, %dma_wait3A_393] : memref<17x64xi32, #tpu.memory_space<vmem>> -> memref<1x64xi32, #tpu.memory_space<vmem>>
    %dma_wait3A_395 = tpu.memref_squeeze %dma_wait3A_394 : memref<1x64xi32, #tpu.memory_space<vmem>> -> memref<64xi32, #tpu.memory_space<vmem>>
    %dma_wait3A_396 = arith.constant 0 : i32
    %dma_wait3A_397 = arith.constant 0 : i32
    %dma_wait3A_398 = tpu.memref_slice %arg2[%dma_wait3A_396, %dma_wait3A_397] : memref<65600x768xf32, #tpu.memory_space<hbm>> -> memref<65600x768xf32, #tpu.memory_space<hbm>>
    tpu.wait_indirect_dma semaphore(%arg9 : memref<!tpu.dma_semaphore, #tpu.memory_space<semaphore_mem>>) src(%dma_wait3A_398 : memref<65600x768xf32, #tpu.memory_space<hbm>>) dst(%arg7 : memref<64x768xf32, #tpu.memory_space<vmem>>)
    %add3A_399 = arith.constant 480 : i32
    %add3A_400 = arith.addi %add3A, %add3A_399 : i32
    %mul3A_401 = arith.constant 64 : i32
    %mul3A_402 = arith.muli %add3A_400, %mul3A_401 : i32
    %dma_start3A_403 = arith.constant 0 : i32
    %dma_start3A_404 = tpu.memref_slice %arg4[%mul3A_402, %dma_start3A_403] : memref<32832x768xf32, #tpu.memory_space<hbm>> -> memref<64x768xf32, #tpu.memory_space<hbm>>
    %dma_start3A_405 = arith.constant 0 : i32
    %dma_start3A_406 = tpu.memref_slice %arg4[%mul3A_402, %dma_start3A_405] : memref<32832x768xf32, #tpu.memory_space<hbm>> -> memref<64x768xf32, #tpu.memory_space<hbm>>
    tpu.enqueue_dma source(%arg7 : memref<64x768xf32, #tpu.memory_space<vmem>>) target(%dma_start3A_406 : memref<64x768xf32, #tpu.memory_space<hbm>>) target_semaphore(%arg11 : memref<!tpu.dma_semaphore, #tpu.memory_space<semaphore_mem>>)
    %dma_wait3A_407 = arith.constant 0 : i32
    %dma_wait3A_408 = tpu.memref_slice %arg4[%mul3A_387, %dma_wait3A_407] : memref<32832x768xf32, #tpu.memory_space<hbm>> -> memref<64x768xf32, #tpu.memory_space<hbm>>
    %dma_wait3A_409 = arith.constant 0 : i32
    %dma_wait3A_410 = tpu.memref_slice %arg4[%mul3A_387, %dma_wait3A_409] : memref<32832x768xf32, #tpu.memory_space<hbm>> -> memref<64x768xf32, #tpu.memory_space<hbm>>
    tpu.wait_dma2 semaphore(%arg10 : memref<!tpu.dma_semaphore, #tpu.memory_space<semaphore_mem>>) src(%arg6 : memref<64x768xf32, #tpu.memory_space<vmem>>) dst(%dma_wait3A_410 : memref<64x768xf32, #tpu.memory_space<hbm>>)
    %dma_wait3A_411 = arith.constant 0 : i32
    %dma_wait3A_412 = tpu.memref_slice %arg4[%mul3A_402, %dma_wait3A_411] : memref<32832x768xf32, #tpu.memory_space<hbm>> -> memref<64x768xf32, #tpu.memory_space<hbm>>
    %dma_wait3A_413 = arith.constant 0 : i32
    %dma_wait3A_414 = tpu.memref_slice %arg4[%mul3A_402, %dma_wait3A_413] : memref<32832x768xf32, #tpu.memory_space<hbm>> -> memref<64x768xf32, #tpu.memory_space<hbm>>
    tpu.wait_dma2 semaphore(%arg11 : memref<!tpu.dma_semaphore, #tpu.memory_space<semaphore_mem>>) src(%arg7 : memref<64x768xf32, #tpu.memory_space<vmem>>) dst(%dma_wait3A_414 : memref<64x768xf32, #tpu.memory_space<hbm>>)
    %eq3A = arith.constant 0 : i32
    %eq3A_415 = arith.cmpi eq, %add3A, %eq3A : i32
    %convert_element_type3A = arith.extui %eq3A_415 : i1 to i32
    %cond3A = arith.constant 0 : i32
    %cond3A_416 = arith.cmpi ne, %convert_element_type3A, %cond3A : i32
    scf.if %cond3A_416 {
      %dma_start3A_417 = arith.constant 16 : i32
      %dma_start3A_418 = arith.constant 0 : i32
      %dma_start3A_419 = tpu.memref_slice %arg5[%dma_start3A_417, %dma_start3A_418] : memref<17x64xi32, #tpu.memory_space<vmem>> -> memref<1x64xi32, #tpu.memory_space<vmem>>
      %dma_start3A_420 = tpu.memref_squeeze %dma_start3A_419 : memref<1x64xi32, #tpu.memory_space<vmem>> -> memref<64xi32, #tpu.memory_space<vmem>>
      %dma_start3A_421 = arith.constant 0 : i32
      %dma_start3A_422 = arith.constant 0 : i32
      %dma_start3A_423 = tpu.memref_slice %arg2[%dma_start3A_421, %dma_start3A_422] : memref<65600x768xf32, #tpu.memory_space<hbm>> -> memref<65600x768xf32, #tpu.memory_space<hbm>>
      tpu.enqueue_indirect_dma source(%dma_start3A_423 : memref<65600x768xf32, #tpu.memory_space<hbm>>) target(%arg6 : memref<64x768xf32, #tpu.memory_space<vmem>>) offsets(%dma_start3A_420 : memref<64xi32, #tpu.memory_space<vmem>>) semaphore(%arg8 : memref<!tpu.dma_semaphore, #tpu.memory_space<semaphore_mem>>)
      %dma_wait3A_424 = arith.constant 16 : i32
      %dma_wait3A_425 = arith.constant 0 : i32
      %dma_wait3A_426 = tpu.memref_slice %arg5[%dma_wait3A_424, %dma_wait3A_425] : memref<17x64xi32, #tpu.memory_space<vmem>> -> memref<1x64xi32, #tpu.memory_space<vmem>>
      %dma_wait3A_427 = tpu.memref_squeeze %dma_wait3A_426 : memref<1x64xi32, #tpu.memory_space<vmem>> -> memref<64xi32, #tpu.memory_space<vmem>>
      %dma_wait3A_428 = arith.constant 0 : i32
      %dma_wait3A_429 = arith.constant 0 : i32
      %dma_wait3A_430 = tpu.memref_slice %arg2[%dma_wait3A_428, %dma_wait3A_429] : memref<65600x768xf32, #tpu.memory_space<hbm>> -> memref<65600x768xf32, #tpu.memory_space<hbm>>
      tpu.wait_indirect_dma semaphore(%arg8 : memref<!tpu.dma_semaphore, #tpu.memory_space<semaphore_mem>>) src(%dma_wait3A_430 : memref<65600x768xf32, #tpu.memory_space<hbm>>) dst(%arg6 : memref<64x768xf32, #tpu.memory_space<vmem>>)
      %dma_start3A_431 = arith.constant 32768 : i32
      %dma_start3A_432 = arith.constant 0 : i32
      %dma_start3A_433 = tpu.memref_slice %arg4[%dma_start3A_431, %dma_start3A_432] : memref<32832x768xf32, #tpu.memory_space<hbm>> -> memref<64x768xf32, #tpu.memory_space<hbm>>
      %dma_start3A_434 = arith.constant 32768 : i32
      %dma_start3A_435 = arith.constant 0 : i32
      %dma_start3A_436 = tpu.memref_slice %arg4[%dma_start3A_434, %dma_start3A_435] : memref<32832x768xf32, #tpu.memory_space<hbm>> -> memref<64x768xf32, #tpu.memory_space<hbm>>
      tpu.enqueue_dma source(%arg6 : memref<64x768xf32, #tpu.memory_space<vmem>>) target(%dma_start3A_436 : memref<64x768xf32, #tpu.memory_space<hbm>>) target_semaphore(%arg10 : memref<!tpu.dma_semaphore, #tpu.memory_space<semaphore_mem>>)
      %dma_wait3A_437 = arith.constant 32768 : i32
      %dma_wait3A_438 = arith.constant 0 : i32
      %dma_wait3A_439 = tpu.memref_slice %arg4[%dma_wait3A_437, %dma_wait3A_438] : memref<32832x768xf32, #tpu.memory_space<hbm>> -> memref<64x768xf32, #tpu.memory_space<hbm>>
      %dma_wait3A_440 = arith.constant 32768 : i32
      %dma_wait3A_441 = arith.constant 0 : i32
      %dma_wait3A_442 = tpu.memref_slice %arg4[%dma_wait3A_440, %dma_wait3A_441] : memref<32832x768xf32, #tpu.memory_space<hbm>> -> memref<64x768xf32, #tpu.memory_space<hbm>>
      tpu.wait_dma2 semaphore(%arg10 : memref<!tpu.dma_semaphore, #tpu.memory_space<semaphore_mem>>) src(%arg6 : memref<64x768xf32, #tpu.memory_space<vmem>>) dst(%dma_wait3A_442 : memref<64x768xf32, #tpu.memory_space<hbm>>)
    } else {
    }
    return
  }
}

</mosaic_0001>

<sc_bundles>
// kernel: kernel.3.cloned.1.call-start
scs
__scs_entry_jumppad:
0x0: {  	(pc) =	sbr.rel $0x88, $3  }
0x1: {  	(tag) =	ssettag $0x0;
	lr =	simm.s32 $0x1  }
0x2: {  	[smem:$0x3FA0] =	sst lr;
	_ =	strace $0xD0000000  }
0x3: {  	_ = 	snop  }
0x4: {  	_ = 	snop  }
0x5: {  	_ = 	snop  }
0x6: {  	_ = 	snop  }
0x7: {  	_ = 	snop  }
__scs_overlays_trampoline_lowered:
0x8: {  	[smem:$0x3FAF] =	sst s0  }
0x9: {  	[smem:$0x3FB0] =	sst s1  }
0xa: {  	[smem:$0x3FB1] =	sst s2  }
0xb: {  	[smem:$0x3FB2] =	sst s3  }
0xc: {  	[smem:$0x3FB3] =	sst s4  }
0xd: {  	[smem:$0x3FB4] =	sst s5  }
0xe: {  	[smem:$0x3FB5] =	sst s6  }
0xf: {  	[smem:$0x3FB6] =	sst s7  }
0x10: {  	[smem:$0x3FB7] =	sst s8  }
0x11: {  	[smem:$0x3FB8] =	sst s9;
	s0 =	simm.s32 @!p0 $0x0  }
0x12: {  	s1 =	sld [smem:$0x3F9E];
	s0 =	simm.s32 @p0 $0x1  }
0x13: {  	[smem:$0x3FB9] =	sst s0;
	s0 =	simm.s32 @!p1 $0x0  }
0x14: {  	s2 =	sld [smem:$0x3F9D];
	s0 =	simm.s32 @p1 $0x1  }
0x15: {  	[smem:$0x3FBA] =	sst s0;
	s0 =	simm.s32 @!p2 $0x0  }
0x16: {  	s3 =	sld [smem:$0x3FDB];
	s0 =	simm.s32 @p2 $0x1  }
0x17: {  	s4 =	simm.s32 $0x1BF5;
	[smem:$0x3FBC] =	sst s0  }
0x18: {  	s0 =	sld [smem:$0x3F9F];
	_ =	swait.ge [sflag:s4], $0x0  }
0x19: {  	s7 =	sld [smem:$0x3FA0]  }
0x1a: {  	s8 =	sadd.s32 $0xFFFFE003, lr  }
0x1b: {  	s9 =	sadd.s32 $0xFFFFFEF7, lr;
	s5 =	simm.s32 $0xFFFFFFFF;
	p2 =	slt.u32 s8, $0xFFFFF086  }
0x1c: {  	p1 =	slt.u32 s9, $0xF7A;
	s5 =	simm.s32 @!p2 $0x0  }
0x1d: {  	s5 =	simm.s32 @p1 $0x1;
	p0 =	seq.s32 s7, s2  }
0x1e: {  	s7 =	smul.u32 @!p0 $0xF7A, s2;
	p2 =	seq.s32 @!p0 s5, $0x0  }
0x1f: {  	s9 =	smul.u32 $0xF7A, s1;
	s8 =	simm.s32 @!p0 $0x1BF5;
	p2 =	por !p2, p0  }
0x20: {  	[sflag:s8] =	ssyncset.s32 @!p0 $0xFFFFF086;
	s6 =	sadd.s32 @!p0 s3, s7;
	s7 =	simm.s32 @!p0 $0x108  }
0x21: {  	s3 =	sadd.s32 s3, s9;
	s6 =	sadd.s32 @!p0 $0x88, s6;
	s7 =	simm.s32 @p2 $0x1082  }
0x22: {  	[simem:s7], [sflag:s8] =	dma.local @!p0 [hbm:s6], $0xF7A  }
0x23: {  	s9 =	sor.u32 $0xD0000000, s2;
	s6 =	simm.s32 $0x108;
	_ =	swait.ge @!p0 [sflag:s8], $0x0  }
0x24: {  	s3 =	sadd.s32 $0x88, s3;
	s6 =	simm.s32 @!p1 $0x1082;
	[sflag:s4] =	ssyncset.s32 $0xFFFFF086  }
0x25: {  	[simem:s6], [sflag:s4] =	dma.local [hbm:s3], $0xF7A  }
0x26: {  	[smem:$0x3FA0] =	sst s1;
	(tag) =	ssettag s2;
	_ =	strace s9  }
0x27: {  	s1 =	sld [smem:$0x3FB0]  }
0x28: {  	s2 =	sld [smem:$0x3FB1]  }
0x29: {  	s4 =	sld [smem:$0x3FB3]  }
0x2a: {  	p0 =	seq.s32 s5, $0x0;
	s5 =	sld [smem:$0x3FB4]  }
0x2b: {  	s6 =	sld [smem:$0x3FB5]  }
0x2c: {  	s7 =	sld [smem:$0x3FB6]  }
0x2d: {  	s3 =	simm.s32 $0x108;
	s8 =	sld [smem:$0x3FB7]  }
0x2e: {  	s3 =	simm.s32 @!p0 $0x1082;
	s9 =	sld [smem:$0x3FB8]  }
0x2f: {  	lr =	sadd.s32 s0, s3;
	s0 =	sld [smem:$0x3FAF]  }
0x30: {  	s3 =	sld [smem:$0x3FB2]  }
0x31: {  	[smem:$0x3FBB] =	sst s10  }
0x32: {  	s10 =	sld [smem:$0x3FB9];
	_ =	sdelay $0x3  }
0x33: {  	p0 =	seq.s32 s10, $0x1;
	s10 =	sld [smem:$0x3FBB];
	_ =	sdelay $0x3  }
0x34: {  	[smem:$0x3FBB] =	sst s10  }
0x35: {  	s10 =	sld [smem:$0x3FBA];
	_ =	sdelay $0x3  }
0x36: {  	p1 =	seq.s32 s10, $0x1;
	s10 =	sld [smem:$0x3FBB];
	_ =	sdelay $0x3  }
0x37: {  	[smem:$0x3FBB] =	sst s10  }
0x38: {  	s10 =	sld [smem:$0x3FBC]  }
0x39: {  	_ = 	snop;
	(pc) =	sbr.ind lr, $3  }
0x3a: {  	_ = 	snop  }
0x3b: {  	_ = 	snop  }
0x3c: {  	p2 =	seq.s32 s10, $0x1;
	s10 =	sld [smem:$0x3FBB]  }
0x3d: {  	_ =	shalt  }
0x3e: {  	_ =	shalt  }
0x3f: {  	_ =	shalt  }
0x40: {  	_ =	shalt  }
0x41: {  	_ =	shalt  }
0x42: {  	_ =	shalt  }
0x43: {  	_ =	shalt  }
0x44: {  	_ =	shalt  }
0x45: {  	_ =	shalt  }
0x46: {  	_ =	shalt  }
0x47: {  	_ =	shalt  }
0x48: {  	_ =	shalt  }
0x49: {  	_ =	shalt  }
0x4a: {  	_ =	shalt  }
0x4b: {  	_ =	shalt  }
0x4c: {  	_ =	shalt  }
0x4d: {  	_ =	shalt  }
0x4e: {  	_ =	shalt  }
0x4f: {  	_ =	shalt  }
0x50: {  	_ =	shalt  }
0x51: {  	_ =	shalt  }
0x52: {  	_ =	shalt  }
0x53: {  	_ =	shalt  }
0x54: {  	_ =	shalt  }
0x55: {  	_ =	shalt  }
0x56: {  	_ =	shalt  }
0x57: {  	_ =	shalt  }
0x58: {  	_ =	shalt  }
0x59: {  	_ =	shalt  }
0x5a: {  	_ =	shalt  }
0x5b: {  	_ =	shalt  }
0x5c: {  	_ =	shalt  }
0x5d: {  	_ =	shalt  }
0x5e: {  	_ =	shalt  }
0x5f: {  	_ =	shalt  }
0x60: {  	_ =	shalt  }
0x61: {  	_ =	shalt  }
0x62: {  	_ =	shalt  }
0x63: {  	_ =	shalt  }
0x64: {  	_ =	shalt  }
0x65: {  	_ =	shalt  }
0x66: {  	_ =	shalt  }
0x67: {  	_ =	shalt  }
0x68: {  	_ =	shalt  }
0x69: {  	_ =	shalt  }
0x6a: {  	_ =	shalt  }
0x6b: {  	_ =	shalt  }
0x6c: {  	_ =	shalt  }
0x6d: {  	_ =	shalt  }
0x6e: {  	_ =	shalt  }
0x6f: {  	_ =	shalt  }
0x70: {  	_ =	shalt  }
0x71: {  	_ =	shalt  }
0x72: {  	_ =	shalt  }
0x73: {  	_ =	shalt  }
0x74: {  	_ =	shalt  }
0x75: {  	_ =	shalt  }
0x76: {  	_ =	shalt  }
0x77: {  	_ =	shalt  }
0x78: {  	_ =	shalt  }
0x79: {  	_ =	shalt  }
0x7a: {  	_ =	shalt  }
0x7b: {  	_ =	shalt  }
0x7c: {  	_ =	shalt  }
0x7d: {  	_ =	shalt  }
0x7e: {  	_ =	shalt  }
0x7f: {  	_ =	shalt  }
0x80: {  	_ =	shalt  }
0x81: {  	_ =	shalt  }
0x82: {  	_ =	shalt  }
0x83: {  	_ =	shalt  }
0x84: {  	_ =	shalt  }
0x85: {  	_ =	shalt  }
0x86: {  	_ =	shalt  }
0x87: {  	_ =	shalt  }
.Lfunc_end0:
.L_simem_size_0:
called_computation_lowered:
.L_overlay_start_0:
0x88: {  	s2 =	sld [smem:$0x3FD9]  }
0x89: {  	s3 =	sld [smem:$0x3FFE];
	_ =	sdelay $0x1  }
0x8a: {  	s1 =	srdreg.scid  }
0x8b: {  	s0 =	sand.u32 $0x1, s1  }
0x8c: {  	s17 =	sshll.u32 s0, $0xA;
	s2 =	sadd.s32 s3, s2  }
0x8d: {  	s2 =	sadd.s32 s2, s17  }
0x8e: {  	[smem:$0x3FC7] =	sst s2  }
0x8f: {  	_ = 	snop  }
0x90: {  	s2 =	sld [smem:$0x3FC9]  }
0x91: {  	s18 =	sld [smem:$0x3FD0];
	(tm) =	ssettm $0x1  }
0x92: {  	s4 =	sld [smem:$0x3FFB];
	_ =	sdelay $0x3  }
0x93: {  	_ =	strace s4  }
0x94: {  	s4 =	sld [smem:$0x3FFC];
	_ =	sdelay $0x3  }
0x95: {  	_ =	strace s4  }
0x96: {  	s4 =	sld [smem:$0x3FFD];
	_ =	sdelay $0x3  }
0x97: {  	_ =	strace s4  }
0x98: {  	_ =	strace $0x8FFFFFFF  }
0x99: {  	s19 =	sld [smem:$0x3FDB];
	_ =	sdelay $0x1  }
0x9a: {  	s5 =	simm.s32 $_scs_section_size  }
0x9b: {  	s6 =	simm.s32 $_size__tile_overlayer_lowered;
	s7 =	simm.s32 $_tile_overlayer_lowered  }
0x9c: {  	s22 =	simm.s32 $0x1BFF;
	s21 =	sshll.u32 s7, $0x1;
	s4 =	sadd.s32 s5, s19  }
0x9d: {  	s8 =	simm.s32 $0x0;
	s20 =	sshll.u32 s6, $0x1;
	s6 =	sadd.s32 s21, s4  }
0x9e: {  	[timem:s8], [sflag:s22] =	dma.local [hbm:s6], s20  }
0x9f: {  	_ =	swait.ge [sflag:s22], s20  }
0xa0: {  	s5 =	ssub.s32 $0x0, s20;
	[sflag:s22] =	ssyncset.done $0x0  }
0xa1: {  	[sflag:s22] =	ssyncadd.s32 s5;
	_ =	sdelay $0x1  }
0xa2: {  	s23 =	simm.s32 $0x1B8B  }
0xa3: {  	_ =	swait.ge [sflag:s23], $0x1  }
0xa4: {  	[sflag:s23] =	ssyncset.done $0x0  }
0xa5: {  	s25 =	simm.s32 $0x1B8E;
	s24 =	sld [smem:$0x3FFE];
	[sflag:s23] =	ssyncadd.s32 $0xFFFFFFFF  }
0xa6: {  	s26 =	simm.s32 $execute0_lowered;
	[smem:$0x3FD2] =	sst s25  }
0xa7: {  	s6 =	sshll.u32 s26, $0x1;
	_ =	strace $0x80000046;
	[dreg:$0x1] =	wrdreg $0xFFFFFFFF  }
0xa8: {  	s28 =	simm.s32 $_size_execute0_lowered;
	s4 =	sadd.s32 s4, s6;
	[dreg:$0x0] =	wrdreg $0x0  }
0xa9: {  	s6 =	sshll.u32 s28, $0x1;
	[dreg:$0x2] =	wrdreg s4  }
0xaa: {  	[dreg:$0x3] =	wrdreg s6  }
0xab: {  	[dreg:$0x4] =	wrdreg $0xC0  }
0xac: {  	_ =	task [dreg:s8], $0x5FFFF  }
0xad: {  	[dreg:$0x1] =	wrdreg $0xFFFFFFFF  }
0xae: {  	[dreg:$0x0] =	wrdreg $0x60  }
0xaf: {  	[dreg:$0x2] =	wrdreg s2  }
0xb0: {  	[dreg:$0x3] =	wrdreg s24  }
0xb1: {  	[dreg:$0x4] =	wrdreg s18  }
0xb2: {  	[dreg:$0x5] =	wrdreg $0x9  }
0xb3: {  	_ =	task.clear_ibuf [dreg:s8], $0x6FFFF;
	_ =	strace $0x90000046  }
0xb4: {  	s29 =	simm.s32 $0x9;
	_ =	strace $0x80000048  }
0xb5: {  	_ =	swait.ge [sflag:s29], $0x1  }
0xb6: {  	[sflag:s29] =	ssyncadd.s32 $0xFFFFFFFF  }
0xb7: {  	_ =	strace $0x90000048  }
0xb8: {  	_ =	sfence  }
0xb9: {  	s30 =	sld [smem:$0x0];
	_ =	sdelay $0x2  }
0xba: {  	s31 =	sshll.u32 s1, $0xD;
	s1 =	sshrl.u32 s1, $0x2  }
0xbb: {  	s3 =	sand.u32 $0x4000, s31;
	s1 =	sadd.s32 s1, s30  }
0xbc: {  	s0 =	sor.u32 s3, s0;
	s1 =	sshll.u32 s1, $0x11  }
0xbd: {  	s0 =	sor.u32 s1, s0  }
0xbe: {  	s0 =	sadd.s32 $0x8F2B, s0  }
0xbf: {  	[sflag:s0] =	ssyncadd.remote.s32 $0x1  }
0xc0: {  	_ =	sfence.sel $0xFFFF  }
0xc1: {  	[dreg:$0x0] =	wrdreg $0xFFFFFFFF;
	(pc) =	sbr.abs _section_cstart, $3  }
0xc2: {  	[dreg:$0x1] =	wrdreg $0xFFFFFFFF  }
0xc3: {  	_ =	task.clear_ibuf [dreg:s8], $0x2FFFF;
	_ =	strace $0x9FFFFFFF  }
0xc4: {  	(tm) =	ssettm $0x7FFFFFFF  }
0xc5: {  	_ =	shalt  }
tec
execute0_lowered:
.L_overlay_start_1:
0x0: {  	(tag) =	ssettag $0x1  }
0x1: {  	s2 =	srdreg.scid;
	s3 =	stileid.u32  }
0x2: {  	s1 =	rddreg [dreg:$0x0];
	s2 =	sand.u32 $0x1, s2;
	s3 =	sshll.u32 s3, $0x1  }
0x3: {  	s0 =	rddreg [dreg:$0x1];
	s6 =	sor.u32 s2, s3  }
0x4: {  	s4 =	rddreg [dreg:$0x2];
	s3 =	simm.s32 $0x0;
	s5 =	smul.u32 $0x180, s6  }
0x5: {  	s31 =	sadd.s32 $0x300000, s4;
	[smem:$0x7FF] =	sst s3;
	s8 =	smul.u32 $0x1800, s6  }
0x6: {  	_ =	strace $0x80000047;
	[dreg:$0x15] =	wrdreg s31;
	s0 =	sadd.s32 s0, s5  }
0x7: {  	s13 =	sadd.s32 s4, s8;
	[dreg:$0x4] =	wrdreg s0  }
0x8: {  	s8 =	sadd.s32 $0x30000, s13;
	[dreg:$0x5] =	wrdreg s13  }
0x9: {  	s14 =	sadd.s32 $0x60000, s13;
	[dreg:$0x6] =	wrdreg s8  }
0xa: {  	s15 =	sadd.s32 $0x90000, s13;
	[dreg:$0x7] =	wrdreg s14  }
0xb: {  	s16 =	sadd.s32 $0xC0000, s13;
	[dreg:$0x8] =	wrdreg s15  }
0xc: {  	s17 =	sadd.s32 $0xF0000, s13;
	[dreg:$0x9] =	wrdreg s16  }
0xd: {  	s18 =	sadd.s32 $0x120000, s13;
	[dreg:$0xa] =	wrdreg s17  }
0xe: {  	s19 =	sadd.s32 $0x150000, s13;
	[dreg:$0xb] =	wrdreg s18  }
0xf: {  	s28 =	simm.s32 $0x3;
	s20 =	sadd.s32 $0x180000, s13;
	[dreg:$0xc] =	wrdreg s19  }
0x10: {  	s29 =	simm.s32 $0x2;
	s21 =	sadd.s32 $0x1B0000, s13;
	[dreg:$0xd] =	wrdreg s20  }
0x11: {  	s30 =	simm.s32 $0x4;
	s22 =	sadd.s32 $0x1E0000, s13;
	[dreg:$0xe] =	wrdreg s21  }
0x12: {  	s2 =	ssub.s32 $0x2, s2;
	s23 =	sadd.s32 $0x210000, s13;
	[dreg:$0xf] =	wrdreg s22  }
0x13: {  	s7 =	sshrl.u32 s2, $0x1;
	s24 =	sadd.s32 $0x240000, s13;
	[dreg:$0x10] =	wrdreg s23  }
.Ltmp0:
0x14: {  	s25 =	sadd.s32 $0x270000, s13;
	[dreg:$0x11] =	wrdreg s24;
	(pc) =	sbr.rel .LBB2_1-.Ltmp0, $4  }
0x15: {  	p0 =	sne.s32 s6, $0x0;
	s26 =	sadd.s32 $0x2A0000, s13;
	[dreg:$0x12] =	wrdreg s25  }
0x16: {  	v2 =	vlaneseq.u32;
	s2 =	ssub.s32 s2, s7;
	s0 =	sadd.s32 $0x2D0000, s13;
	[dreg:$0x13] =	wrdreg s26  }
0x17: {  	vm0 =	vmmov $0xffff;
	v1 =	vshrl.u32 v2, $0x3;
	s7 =	sadd.s32 $0x200, s1;
	s5 =	sadd.s32 $0x100, s1;
	[dreg:$0x14] =	wrdreg s0  }
0x18: {  	v0 =	vand.u32 $0x7, v2;
	v2 =	vor.u32 $0x8, v2;
	v1 =	vmul.u32 $0x8, v1;
	s0 =	smax.u32 s2, $0x1;
	s25 =	simm.s32 $0x1;
	s26 =	simm.s32 $0xCC00  }
.LBB2_3:
0x19: {  	s0 =	rddreg [dreg:$0x16]  }
0x1a: {  	s0 =	sadd.s32 $0xFFFFFFFF, s0  }
0x1b: {  	p1 =	sne.s32 s0, $0x0  }
.Ltmp1:
0x1c: {  	_ = 	snop;
	(pc) =	sbr.rel @!p1 .LBB2_4-.Ltmp1, $1  }
0x1d: {  	_ =	sdelay $0x3  }
.LBB2_1:
0x1e: {  	[dreg:$0x16] =	wrdreg s0  }
0x1f: {  	s31 =	rddreg [dreg:$0x4];
	s12 =	simm.s32 $0x5  }
0x20: {  	[tilespmem:s3], [sflag:$0x5] =	stream.linear.gather [hbm4b:s31+s3], $0x880, $0x38;
	[tilespmem:$0x18C00] =	vst v63  }
0x21: {  	_ =	swait.ge [sflag:s12], $0x880  }
0x22: {  	[sflag:s12] =	ssyncset.done $0x0  }
0x23: {  	[sflag:s12] =	ssyncadd.s32 $0xFFFFF780  }
0x24: {  	v3 =	vld [tilespmem:$0x0];
	_ =	sdelay $0x4  }
0x25: {  	v4 =	vshrl.u32 v3, $0x3  }
0x26: {  	v4 =	vmul.u32 $0x30, v4  }
0x27: {  	v3 =	vand.u32 $0x7, v3  }
0x28: {  	v3 =	vor.u32 v3, v4  }
0x29: {  	v4 =	vperm.xlane v3, v0;
	_ =	sdelay $0x1  }
0x2a: {  	v4 =	vadd.s32 v1, v4;
	_ =	sdelay $0x3  }
0x2b: {  	s13 =	simm.s32 $0xC00;
	v3 =	vperm.xlane v3, v2  }
0x2c: {  	[tilespmem:s13], [sflag:$0x1] =	stream.indirect_vreg.gather [hbm4b:s1+s3], $0x80, v4, vm0, $0xb8;
	[tilespmem:$0x18C00] =	vst v63  }
0x2d: {  	s14 =	simm.s32 $0x1400;
	v3 =	vadd.s32 v1, v3  }
0x2e: {  	[tilespmem:s14], [sflag:$0x1] =	stream.indirect_vreg.gather [hbm4b:s5+s3], $0x80, v4, vm0, $0xb8;
	[tilespmem:$0x18C00] =	vst v63  }
0x2f: {  	s15 =	simm.s32 $0x1C00  }
0x30: {  	[tilespmem:s15], [sflag:$0x1] =	stream.indirect_vreg.gather [hbm4b:s7+s3], $0x80, v4, vm0, $0xb8;
	[tilespmem:$0x18C00] =	vst v63  }
0x31: {  	s16 =	simm.s32 $0x2400  }
0x32: {  	[tilespmem:s16], [sflag:$0x1] =	stream.indirect_vreg.gather [hbm4b:s1+s3], $0x80, v3, vm0, $0xb8;
	[tilespmem:$0x18C00] =	vst v63  }
0x33: {  	s17 =	simm.s32 $0x2C00  }
0x34: {  	[tilespmem:s17], [sflag:$0x1] =	stream.indirect_vreg.gather [hbm4b:s5+s3], $0x80, v3, vm0, $0xb8;
	[tilespmem:$0x18C00] =	vst v63  }
0x35: {  	s18 =	simm.s32 $0x3400  }
0x36: {  	[tilespmem:s18], [sflag:$0x1] =	stream.indirect_vreg.gather [hbm4b:s7+s3], $0x80, v3, vm0, $0xb8;
	[tilespmem:$0x18C00] =	vst v63  }
0x37: {  	v3 =	vld [tilespmem:$0x10];
	_ =	sdelay $0x4  }
0x38: {  	v57 =	vshrl.u32 v3, $0x3  }
0x39: {  	v4 =	vmul.u32 $0x30, v57  }
0x3a: {  	v3 =	vand.u32 $0x7, v3  }
0x3b: {  	v3 =	vor.u32 v3, v4  }
0x3c: {  	v4 =	vperm.xlane v3, v0;
	_ =	sdelay $0x1  }
0x3d: {  	v4 =	vadd.s32 v1, v4;
	_ =	sdelay $0x3  }
0x3e: {  	s19 =	simm.s32 $0x3C00;
	v3 =	vperm.xlane v3, v2  }
0x3f: {  	[tilespmem:s19], [sflag:$0x1] =	stream.indirect_vreg.gather [hbm4b:s1+s3], $0x80, v4, vm0, $0xb8;
	[tilespmem:$0x18C00] =	vst v63  }
0x40: {  	s20 =	simm.s32 $0x4400;
	v3 =	vadd.s32 v1, v3  }
0x41: {  	[tilespmem:s20], [sflag:$0x1] =	stream.indirect_vreg.gather [hbm4b:s5+s3], $0x80, v4, vm0, $0xb8;
	[tilespmem:$0x18C00] =	vst v63  }
0x42: {  	s21 =	simm.s32 $0x4C00  }
0x43: {  	[tilespmem:s21], [sflag:$0x1] =	stream.indirect_vreg.gather [hbm4b:s7+s3], $0x80, v4, vm0, $0xb8;
	[tilespmem:$0x18C00] =	vst v63  }
0x44: {  	s22 =	simm.s32 $0x5400  }
0x45: {  	[tilespmem:s22], [sflag:$0x1] =	stream.indirect_vreg.gather [hbm4b:s1+s3], $0x80, v3, vm0, $0xb8;
	[tilespmem:$0x18C00] =	vst v63  }
0x46: {  	s23 =	simm.s32 $0x5C00  }
0x47: {  	[tilespmem:s23], [sflag:$0x1] =	stream.indirect_vreg.gather [hbm4b:s5+s3], $0x80, v3, vm0, $0xb8;
	[tilespmem:$0x18C00] =	vst v63  }
0x48: {  	s24 =	simm.s32 $0x6400  }
0x49: {  	[tilespmem:s24], [sflag:$0x1] =	stream.indirect_vreg.gather [hbm4b:s7+s3], $0x80, v3, vm0, $0xb8;
	[tilespmem:$0x18C00] =	vst v63  }
0x4a: {  	v3 =	vld [tilespmem:$0x20];
	_ =	sdelay $0x4  }
0x4b: {  	v58 =	vshrl.u32 v3, $0x3  }
0x4c: {  	v4 =	vmul.u32 $0x30, v58  }
0x4d: {  	v3 =	vand.u32 $0x7, v3  }
0x4e: {  	v3 =	vor.u32 v3, v4  }
0x4f: {  	v4 =	vperm.xlane v3, v0;
	_ =	sdelay $0x1  }
0x50: {  	v4 =	vadd.s32 v1, v4;
	_ =	sdelay $0x3  }
0x51: {  	s31 =	simm.s32 $0x6C00;
	v3 =	vperm.xlane v3, v2  }
0x52: {  	[tilespmem:s31], [sflag:$0x1] =	stream.indirect_vreg.gather [hbm4b:s1+s3], $0x80, v4, vm0, $0xb8;
	[tilespmem:$0x18C00] =	vst v63  }
0x53: {  	s2 =	simm.s32 $0x7400;
	v3 =	vadd.s32 v1, v3  }
0x54: {  	[tilespmem:s2], [sflag:$0x1] =	stream.indirect_vreg.gather [hbm4b:s5+s3], $0x80, v4, vm0, $0xb8;
	[tilespmem:$0x18C00] =	vst v63  }
0x55: {  	s4 =	simm.s32 $0x7C00  }
0x56: {  	[tilespmem:s4], [sflag:$0x1] =	stream.indirect_vreg.gather [hbm4b:s7+s3], $0x80, v4, vm0, $0xb8;
	[tilespmem:$0x18C00] =	vst v63  }
0x57: {  	s6 =	simm.s32 $0x8400  }
0x58: {  	[tilespmem:s6], [sflag:$0x1] =	stream.indirect_vreg.gather [hbm4b:s1+s3], $0x80, v3, vm0, $0xb8;
	[tilespmem:$0x18C00] =	vst v63  }
0x59: {  	s10 =	simm.s32 $0x8C00  }
0x5a: {  	[tilespmem:s10], [sflag:$0x1] =	stream.indirect_vreg.gather [hbm4b:s5+s3], $0x80, v3, vm0, $0xb8;
	[tilespmem:$0x18C00] =	vst v63  }
0x5b: {  	s11 =	simm.s32 $0x9400  }
0x5c: {  	[tilespmem:s11], [sflag:$0x1] =	stream.indirect_vreg.gather [hbm4b:s7+s3], $0x80, v3, vm0, $0xb8;
	[tilespmem:$0x18C00] =	vst v63  }
0x5d: {  	v3 =	vld [tilespmem:$0x30];
	_ =	sdelay $0x4  }
0x5e: {  	v59 =	vshrl.u32 v3, $0x3  }
0x5f: {  	v4 =	vmul.u32 $0x30, v59  }
0x60: {  	v3 =	vand.u32 $0x7, v3  }
0x61: {  	v3 =	vor.u32 v3, v4  }
0x62: {  	v4 =	vperm.xlane v3, v0;
	_ =	sdelay $0x1  }
0x63: {  	v4 =	vadd.s32 v1, v4;
	_ =	sdelay $0x3  }
0x64: {  	s14 =	simm.s32 $0x9C00;
	v3 =	vperm.xlane v3, v2  }
0x65: {  	[tilespmem:s14], [sflag:$0x1] =	stream.indirect_vreg.gather [hbm4b:s1+s3], $0x80, v4, vm0, $0xb8;
	[tilespmem:$0x18C00] =	vst v63  }
0x66: {  	s15 =	simm.s32 $0xA400;
	v3 =	vadd.s32 v1, v3  }
0x67: {  	[tilespmem:s15], [sflag:$0x1] =	stream.indirect_vreg.gather [hbm4b:s5+s3], $0x80, v4, vm0, $0xb8;
	[tilespmem:$0x18C00] =	vst v63  }
0x68: {  	s18 =	simm.s32 $0xAC00  }
0x69: {  	[tilespmem:s18], [sflag:$0x1] =	stream.indirect_vreg.gather [hbm4b:s7+s3], $0x80, v4, vm0, $0xb8;
	[tilespmem:$0x18C00] =	vst v63  }
0x6a: {  	s19 =	simm.s32 $0xB400  }
0x6b: {  	[tilespmem:s19], [sflag:$0x1] =	stream.indirect_vreg.gather [hbm4b:s1+s3], $0x80, v3, vm0, $0xb8;
	[tilespmem:$0x18C00] =	vst v63  }
0x6c: {  	s20 =	simm.s32 $0xBC00  }
0x6d: {  	[tilespmem:s20], [sflag:$0x1] =	stream.indirect_vreg.gather [hbm4b:s5+s3], $0x80, v3, vm0, $0xb8;
	[tilespmem:$0x18C00] =	vst v63  }
0x6e: {  	s21 =	simm.s32 $0xC400  }
0x6f: {  	[tilespmem:s21], [sflag:$0x1] =	stream.indirect_vreg.gather [hbm4b:s7+s3], $0x80, v3, vm0, $0xb8;
	[tilespmem:$0x18C00] =	vst v63  }
0x70: {  	v3 =	vld [tilespmem:$0x80];
	_ =	sdelay $0x4  }
0x71: {  	v60 =	vshrl.u32 v3, $0x3  }
0x72: {  	v4 =	vmul.u32 $0x30, v60  }
0x73: {  	v3 =	vand.u32 $0x7, v3  }
0x74: {  	v3 =	vor.u32 v3, v4  }
0x75: {  	v4 =	vperm.xlane v3, v0;
	_ =	sdelay $0x1  }
0x76: {  	v4 =	vadd.s32 v1, v4;
	_ =	sdelay $0x3  }
0x77: {  	v3 =	vperm.xlane v3, v2  }
0x78: {  	[tilespmem:s26], [sflag:$0x2] =	stream.indirect_vreg.gather [hbm4b:s1+s3], $0x80, v4, vm0, $0xb8;
	[tilespmem:$0x18C00] =	vst v63  }
0x79: {  	s22 =	simm.s32 $0xD400;
	v3 =	vadd.s32 v1, v3  }
0x7a: {  	[tilespmem:s22], [sflag:$0x2] =	stream.indirect_vreg.gather [hbm4b:s5+s3], $0x80, v4, vm0, $0xb8;
	[tilespmem:$0x18C00] =	vst v63  }
0x7b: {  	s23 =	simm.s32 $0xDC00  }
0x7c: {  	[tilespmem:s23], [sflag:$0x2] =	stream.indirect_vreg.gather [hbm4b:s7+s3], $0x80, v4, vm0, $0xb8;
	[tilespmem:$0x18C00] =	vst v63  }
0x7d: {  	s24 =	simm.s32 $0xE400  }
0x7e: {  	[tilespmem:s24], [sflag:$0x2] =	stream.indirect_vreg.gather [hbm4b:s1+s3], $0x80, v3, vm0, $0xb8;
	[tilespmem:$0x18C00] =	vst v63  }
0x7f: {  	s0 =	simm.s32 $0xEC00  }
0x80: {  	[tilespmem:s0], [sflag:$0x2] =	stream.indirect_vreg.gather [hbm4b:s5+s3], $0x80, v3, vm0, $0xb8;
	[tilespmem:$0x18C00] =	vst v63  }
0x81: {  	s2 =	simm.s32 $0xF400  }
0x82: {  	[tilespmem:s2], [sflag:$0x2] =	stream.indirect_vreg.gather [hbm4b:s7+s3], $0x80, v3, vm0, $0xb8;
	[tilespmem:$0x18C00] =	vst v63  }
0x83: {  	v3 =	vld [tilespmem:$0x90];
	_ =	sdelay $0x4  }
0x84: {  	v61 =	vshrl.u32 v3, $0x3  }
0x85: {  	v4 =	vmul.u32 $0x30, v61  }
0x86: {  	v3 =	vand.u32 $0x7, v3  }
0x87: {  	v3 =	vor.u32 v3, v4  }
0x88: {  	v4 =	vperm.xlane v3, v0;
	_ =	sdelay $0x1  }
0x89: {  	v4 =	vadd.s32 v1, v4;
	_ =	sdelay $0x3  }
0x8a: {  	s4 =	simm.s32 $0xFC00;
	v3 =	vperm.xlane v3, v2  }
0x8b: {  	[tilespmem:s4], [sflag:$0x2] =	stream.indirect_vreg.gather [hbm4b:s1+s3], $0x80, v4, vm0, $0xb8;
	[tilespmem:$0x18C00] =	vst v63  }
0x8c: {  	s6 =	simm.s32 $0x10400;
	v3 =	vadd.s32 v1, v3  }
0x8d: {  	[tilespmem:s6], [sflag:$0x2] =	stream.indirect_vreg.gather [hbm4b:s5+s3], $0x80, v4, vm0, $0xb8;
	[tilespmem:$0x18C00] =	vst v63  }
0x8e: {  	s10 =	simm.s32 $0x10C00  }
0x8f: {  	[tilespmem:s10], [sflag:$0x2] =	stream.indirect_vreg.gather [hbm4b:s7+s3], $0x80, v4, vm0, $0xb8;
	[tilespmem:$0x18C00] =	vst v63  }
0x90: {  	s11 =	simm.s32 $0x11400  }
0x91: {  	[tilespmem:s11], [sflag:$0x2] =	stream.indirect_vreg.gather [hbm4b:s1+s3], $0x80, v3, vm0, $0xb8;
	[tilespmem:$0x18C00] =	vst v63  }
0x92: {  	s14 =	simm.s32 $0x11C00  }
0x93: {  	[tilespmem:s14], [sflag:$0x2] =	stream.indirect_vreg.gather [hbm4b:s5+s3], $0x80, v3, vm0, $0xb8;
	[tilespmem:$0x18C00] =	vst v63  }
0x94: {  	s15 =	simm.s32 $0x12400  }
0x95: {  	[tilespmem:s15], [sflag:$0x2] =	stream.indirect_vreg.gather [hbm4b:s7+s3], $0x80, v3, vm0, $0xb8;
	[tilespmem:$0x18C00] =	vst v63  }
0x96: {  	v3 =	vld [tilespmem:$0xA0];
	_ =	sdelay $0x4  }
0x97: {  	v62 =	vshrl.u32 v3, $0x3  }
0x98: {  	v4 =	vmul.u32 $0x30, v62  }
0x99: {  	v3 =	vand.u32 $0x7, v3  }
0x9a: {  	v3 =	vor.u32 v3, v4  }
0x9b: {  	v4 =	vperm.xlane v3, v0;
	_ =	sdelay $0x1  }
0x9c: {  	v4 =	vadd.s32 v1, v4;
	_ =	sdelay $0x3  }
0x9d: {  	s18 =	simm.s32 $0x12C00;
	v3 =	vperm.xlane v3, v2  }
0x9e: {  	[tilespmem:s18], [sflag:$0x2] =	stream.indirect_vreg.gather [hbm4b:s1+s3], $0x80, v4, vm0, $0xb8;
	[tilespmem:$0x18C00] =	vst v63  }
0x9f: {  	s19 =	simm.s32 $0x13400;
	v3 =	vadd.s32 v1, v3  }
0xa0: {  	[tilespmem:s19], [sflag:$0x2] =	stream.indirect_vreg.gather [hbm4b:s5+s3], $0x80, v4, vm0, $0xb8;
	[tilespmem:$0x18C00] =	vst v63  }
0xa1: {  	s20 =	simm.s32 $0x13C00  }
0xa2: {  	[tilespmem:s20], [sflag:$0x2] =	stream.indirect_vreg.gather [hbm4b:s7+s3], $0x80, v4, vm0, $0xb8;
	[tilespmem:$0x18C00] =	vst v63  }
0xa3: {  	s0 =	simm.s32 $0x14400  }
0xa4: {  	[tilespmem:s0], [sflag:$0x2] =	stream.indirect_vreg.gather [hbm4b:s1+s3], $0x80, v3, vm0, $0xb8;
	[tilespmem:$0x18C00] =	vst v63  }
0xa5: {  	s2 =	simm.s32 $0x14C00  }
0xa6: {  	[tilespmem:s2], [sflag:$0x2] =	stream.indirect_vreg.gather [hbm4b:s5+s3], $0x80, v3, vm0, $0xb8;
	[tilespmem:$0x18C00] =	vst v63  }
0xa7: {  	s4 =	simm.s32 $0x15400  }
0xa8: {  	[tilespmem:s4], [sflag:$0x2] =	stream.indirect_vreg.gather [hbm4b:s7+s3], $0x80, v3, vm0, $0xb8;
	[tilespmem:$0x18C00] =	vst v63  }
0xa9: {  	v3 =	vld [tilespmem:$0xB0];
	_ =	sdelay $0x4  }
0xaa: {  	v63 =	vshrl.u32 v3, $0x3  }
0xab: {  	v4 =	vmul.u32 $0x30, v63  }
0xac: {  	v3 =	vand.u32 $0x7, v3  }
0xad: {  	v3 =	vor.u32 v3, v4  }
0xae: {  	v4 =	vperm.xlane v3, v0;
	_ =	sdelay $0x1  }
0xaf: {  	v4 =	vadd.s32 v1, v4;
	_ =	sdelay $0x3  }
0xb0: {  	s6 =	simm.s32 $0x15C00;
	v3 =	vperm.xlane v3, v2  }
0xb1: {  	[tilespmem:s6], [sflag:$0x2] =	stream.indirect_vreg.gather [hbm4b:s1+s3], $0x80, v4, vm0, $0xb8;
	[tilespmem:$0x18C00] =	vst v63  }
0xb2: {  	s10 =	simm.s32 $0x16400;
	v3 =	vadd.s32 v1, v3  }
0xb3: {  	[tilespmem:s10], [sflag:$0x2] =	stream.indirect_vreg.gather [hbm4b:s5+s3], $0x80, v4, vm0, $0xb8;
	[tilespmem:$0x18C00] =	vst v63  }
0xb4: {  	s11 =	simm.s32 $0x16C00  }
0xb5: {  	[tilespmem:s11], [sflag:$0x2] =	stream.indirect_vreg.gather [hbm4b:s7+s3], $0x80, v4, vm0, $0xb8;
	[tilespmem:$0x18C00] =	vst v63  }
0xb6: {  	s14 =	simm.s32 $0x17400  }
0xb7: {  	[tilespmem:s14], [sflag:$0x2] =	stream.indirect_vreg.gather [hbm4b:s1+s3], $0x80, v3, vm0, $0xb8;
	[tilespmem:$0x18C00] =	vst v63  }
0xb8: {  	s15 =	simm.s32 $0x17C00  }
0xb9: {  	[tilespmem:s15], [sflag:$0x2] =	stream.indirect_vreg.gather [hbm4b:s5+s3], $0x80, v3, vm0, $0xb8;
	[tilespmem:$0x18C00] =	vst v63  }
0xba: {  	s18 =	simm.s32 $0x18400  }
0xbb: {  	[tilespmem:s18], [sflag:$0x2] =	stream.indirect_vreg.gather [hbm4b:s7+s3], $0x80, v3, vm0, $0xb8;
	[tilespmem:$0x18C00] =	vst v63  }
0xbc: {  	_ =	swait.ge [sflag:s25], $0xC000  }
0xbd: {  	[sflag:s25] =	ssyncset.done $0x0  }
0xbe: {  	s20 =	simm.s32 $0xC00;
	s19 =	rddreg [dreg:$0x5];
	[sflag:s25] =	ssyncadd.s32 $0xFFFF4000  }
0xbf: {  	[hbm4b:s19+s3] =	stream.linear.scatter [tilespmem:s20], [sflag:$0x3], $0xC000, $0x38;
	[tilespmem:$0x18C00] =	vst v63  }
0xc0: {  	_ =	swait.ge [sflag:s28], $0xC000  }
0xc1: {  	[sflag:s28] =	ssyncset.done $0x0  }
0xc2: {  	[sflag:s28] =	ssyncadd.s32 $0xFFFF4000  }
0xc3: {  	v3 =	vld [tilespmem:$0x100];
	_ =	sdelay $0x4  }
0xc4: {  	v8 =	vshrl.u32 v3, $0x3  }
0xc5: {  	v4 =	vmul.u32 $0x30, v8  }
0xc6: {  	v3 =	vand.u32 $0x7, v3  }
0xc7: {  	v3 =	vor.u32 v3, v4  }
0xc8: {  	v4 =	vperm.xlane v3, v0;
	_ =	sdelay $0x1  }
0xc9: {  	v4 =	vadd.s32 v1, v4;
	_ =	sdelay $0x3  }
0xca: {  	v3 =	vperm.xlane v3, v2  }
0xcb: {  	[tilespmem:s20], [sflag:$0x1] =	stream.indirect_vreg.gather [hbm4b:s1+s3], $0x80, v4, vm0, $0xb8;
	[tilespmem:$0x18C00] =	vst v63  }
0xcc: {  	s0 =	simm.s32 $0x1400;
	v3 =	vadd.s32 v1, v3  }
0xcd: {  	[tilespmem:s0], [sflag:$0x1] =	stream.indirect_vreg.gather [hbm4b:s5+s3], $0x80, v4, vm0, $0xb8;
	[tilespmem:$0x18C00] =	vst v63  }
0xce: {  	s2 =	simm.s32 $0x1C00  }
0xcf: {  	[tilespmem:s2], [sflag:$0x1] =	stream.indirect_vreg.gather [hbm4b:s7+s3], $0x80, v4, vm0, $0xb8;
	[tilespmem:$0x18C00] =	vst v63  }
0xd0: {  	s4 =	simm.s32 $0x2400  }
0xd1: {  	[tilespmem:s4], [sflag:$0x1] =	stream.indirect_vreg.gather [hbm4b:s1+s3], $0x80, v3, vm0, $0xb8;
	[tilespmem:$0x18C00] =	vst v63  }
0xd2: {  	s6 =	simm.s32 $0x2C00  }
0xd3: {  	[tilespmem:s6], [sflag:$0x1] =	stream.indirect_vreg.gather [hbm4b:s5+s3], $0x80, v3, vm0, $0xb8;
	[tilespmem:$0x18C00] =	vst v63  }
0xd4: {  	s8 =	simm.s32 $0x3400  }
0xd5: {  	[tilespmem:s8], [sflag:$0x1] =	stream.indirect_vreg.gather [hbm4b:s7+s3], $0x80, v3, vm0, $0xb8;
	[tilespmem:$0x18C00] =	vst v63  }
0xd6: {  	v3 =	vld [tilespmem:$0x110];
	_ =	sdelay $0x4  }
0xd7: {  	v9 =	vshrl.u32 v3, $0x3  }
0xd8: {  	v4 =	vmul.u32 $0x30, v9  }
0xd9: {  	v3 =	vand.u32 $0x7, v3  }
0xda: {  	v3 =	vor.u32 v3, v4  }
0xdb: {  	v4 =	vperm.xlane v3, v0;
	_ =	sdelay $0x1  }
0xdc: {  	v4 =	vadd.s32 v1, v4;
	_ =	sdelay $0x3  }
0xdd: {  	s9 =	simm.s32 $0x3C00;
	v3 =	vperm.xlane v3, v2  }
0xde: {  	[tilespmem:s9], [sflag:$0x1] =	stream.indirect_vreg.gather [hbm4b:s1+s3], $0x80, v4, vm0, $0xb8;
	[tilespmem:$0x18C00] =	vst v63  }
0xdf: {  	s8 =	simm.s32 $0x4400;
	v3 =	vadd.s32 v1, v3  }
0xe0: {  	[tilespmem:s8], [sflag:$0x1] =	stream.indirect_vreg.gather [hbm4b:s5+s3], $0x80, v4, vm0, $0xb8;
	[tilespmem:$0x18C00] =	vst v63  }
0xe1: {  	s9 =	simm.s32 $0x4C00  }
0xe2: {  	[tilespmem:s9], [sflag:$0x1] =	stream.indirect_vreg.gather [hbm4b:s7+s3], $0x80, v4, vm0, $0xb8;
	[tilespmem:$0x18C00] =	vst v63  }
0xe3: {  	s10 =	simm.s32 $0x5400  }
0xe4: {  	[tilespmem:s10], [sflag:$0x1] =	stream.indirect_vreg.gather [hbm4b:s1+s3], $0x80, v3, vm0, $0xb8;
	[tilespmem:$0x18C00] =	vst v63  }
0xe5: {  	s11 =	simm.s32 $0x5C00  }
0xe6: {  	[tilespmem:s11], [sflag:$0x1] =	stream.indirect_vreg.gather [hbm4b:s5+s3], $0x80, v3, vm0, $0xb8;
	[tilespmem:$0x18C00] =	vst v63  }
0xe7: {  	s12 =	simm.s32 $0x6400  }
0xe8: {  	[tilespmem:s12], [sflag:$0x1] =	stream.indirect_vreg.gather [hbm4b:s7+s3], $0x80, v3, vm0, $0xb8;
	[tilespmem:$0x18C00] =	vst v63  }
0xe9: {  	v3 =	vld [tilespmem:$0x120];
	_ =	sdelay $0x4  }
0xea: {  	v10 =	vshrl.u32 v3, $0x3  }
0xeb: {  	v4 =	vmul.u32 $0x30, v10  }
0xec: {  	v3 =	vand.u32 $0x7, v3  }
0xed: {  	v3 =	vor.u32 v3, v4  }
0xee: {  	v4 =	vperm.xlane v3, v0;
	_ =	sdelay $0x1  }
0xef: {  	v4 =	vadd.s32 v1, v4;
	_ =	sdelay $0x3  }
0xf0: {  	s13 =	simm.s32 $0x6C00;
	v3 =	vperm.xlane v3, v2  }
0xf1: {  	[tilespmem:s13], [sflag:$0x1] =	stream.indirect_vreg.gather [hbm4b:s1+s3], $0x80, v4, vm0, $0xb8;
	[tilespmem:$0x18C00] =	vst v63  }
0xf2: {  	s12 =	simm.s32 $0x7400;
	v3 =	vadd.s32 v1, v3  }
0xf3: {  	[tilespmem:s12], [sflag:$0x1] =	stream.indirect_vreg.gather [hbm4b:s5+s3], $0x80, v4, vm0, $0xb8;
	[tilespmem:$0x18C00] =	vst v63  }
0xf4: {  	s13 =	simm.s32 $0x7C00  }
0xf5: {  	[tilespmem:s13], [sflag:$0x1] =	stream.indirect_vreg.gather [hbm4b:s7+s3], $0x80, v4, vm0, $0xb8;
	[tilespmem:$0x18C00] =	vst v63  }
0xf6: {  	s14 =	simm.s32 $0x8400  }
0xf7: {  	[tilespmem:s14], [sflag:$0x1] =	stream.indirect_vreg.gather [hbm4b:s1+s3], $0x80, v3, vm0, $0xb8;
	[tilespmem:$0x18C00] =	vst v63  }
0xf8: {  	s15 =	simm.s32 $0x8C00  }
0xf9: {  	[tilespmem:s15], [sflag:$0x1] =	stream.indirect_vreg.gather [hbm4b:s5+s3], $0x80, v3, vm0, $0xb8;
	[tilespmem:$0x18C00] =	vst v63  }
0xfa: {  	s16 =	simm.s32 $0x9400  }
0xfb: {  	[tilespmem:s16], [sflag:$0x1] =	stream.indirect_vreg.gather [hbm4b:s7+s3], $0x80, v3, vm0, $0xb8;
	[tilespmem:$0x18C00] =	vst v63  }
0xfc: {  	v3 =	vld [tilespmem:$0x130];
	_ =	sdelay $0x4  }
0xfd: {  	v11 =	vshrl.u32 v3, $0x3  }
0xfe: {  	v4 =	vmul.u32 $0x30, v11  }
0xff: {  	v3 =	vand.u32 $0x7, v3  }
0x100: {  	v3 =	vor.u32 v3, v4  }
0x101: {  	v4 =	vperm.xlane v3, v0;
	_ =	sdelay $0x1  }
0x102: {  	v4 =	vadd.s32 v1, v4;
	_ =	sdelay $0x3  }
0x103: {  	s17 =	simm.s32 $0x9C00;
	v3 =	vperm.xlane v3, v2  }
0x104: {  	[tilespmem:s17], [sflag:$0x1] =	stream.indirect_vreg.gather [hbm4b:s1+s3], $0x80, v4, vm0, $0xb8;
	[tilespmem:$0x18C00] =	vst v63  }
0x105: {  	s16 =	simm.s32 $0xA400;
	v3 =	vadd.s32 v1, v3  }
0x106: {  	[tilespmem:s16], [sflag:$0x1] =	stream.indirect_vreg.gather [hbm4b:s5+s3], $0x80, v4, vm0, $0xb8;
	[tilespmem:$0x18C00] =	vst v63  }
0x107: {  	s17 =	simm.s32 $0xAC00  }
0x108: {  	[tilespmem:s17], [sflag:$0x1] =	stream.indirect_vreg.gather [hbm4b:s7+s3], $0x80, v4, vm0, $0xb8;
	[tilespmem:$0x18C00] =	vst v63  }
0x109: {  	s18 =	simm.s32 $0xB400  }
0x10a: {  	[tilespmem:s18], [sflag:$0x1] =	stream.indirect_vreg.gather [hbm4b:s1+s3], $0x80, v3, vm0, $0xb8;
	[tilespmem:$0x18C00] =	vst v63  }
0x10b: {  	s19 =	simm.s32 $0xBC00  }
0x10c: {  	[tilespmem:s19], [sflag:$0x1] =	stream.indirect_vreg.gather [hbm4b:s5+s3], $0x80, v3, vm0, $0xb8;
	[tilespmem:$0x18C00] =	vst v63  }
0x10d: {  	s21 =	simm.s32 $0xC400  }
0x10e: {  	[tilespmem:s21], [sflag:$0x1] =	stream.indirect_vreg.gather [hbm4b:s7+s3], $0x80, v3, vm0, $0xb8;
	[tilespmem:$0x18C00] =	vst v63  }
0x10f: {  	_ =	swait.ge [sflag:s29], $0xC000  }
0x110: {  	[sflag:s29] =	ssyncset.done $0x0  }
0x111: {  	s21 =	rddreg [dreg:$0x6];
	[sflag:s29] =	ssyncadd.s32 $0xFFFF4000  }
0x112: {  	[hbm4b:s21+s3] =	stream.linear.scatter [tilespmem:s26], [sflag:$0x4], $0xC000, $0x38;
	[tilespmem:$0x18C00] =	vst v63  }
0x113: {  	_ =	swait.ge [sflag:s30], $0xC000  }
0x114: {  	[sflag:s30] =	ssyncset.done $0x0  }
0x115: {  	[sflag:s30] =	ssyncadd.s32 $0xFFFF4000  }
0x116: {  	v3 =	vld [tilespmem:$0x180];
	_ =	sdelay $0x4  }
0x117: {  	v12 =	vshrl.u32 v3, $0x3  }
0x118: {  	v4 =	vmul.u32 $0x30, v12  }
0x119: {  	v3 =	vand.u32 $0x7, v3  }
0x11a: {  	v3 =	vor.u32 v3, v4  }
0x11b: {  	v4 =	vperm.xlane v3, v0;
	_ =	sdelay $0x1  }
0x11c: {  	v4 =	vadd.s32 v1, v4;
	_ =	sdelay $0x3  }
0x11d: {  	v3 =	vperm.xlane v3, v2  }
0x11e: {  	[tilespmem:s26], [sflag:$0x2] =	stream.indirect_vreg.gather [hbm4b:s1+s3], $0x80, v4, vm0, $0xb8;
	[tilespmem:$0x18C00] =	vst v63  }
0x11f: {  	s31 =	simm.s32 $0xD400;
	v3 =	vadd.s32 v1, v3  }
0x120: {  	[tilespmem:s31], [sflag:$0x2] =	stream.indirect_vreg.gather [hbm4b:s5+s3], $0x80, v4, vm0, $0xb8;
	[tilespmem:$0x18C00] =	vst v63  }
0x121: {  	s31 =	simm.s32 $0xDC00  }
0x122: {  	[tilespmem:s31], [sflag:$0x2] =	stream.indirect_vreg.gather [hbm4b:s7+s3], $0x80, v4, vm0, $0xb8;
	[tilespmem:$0x18C00] =	vst v63  }
0x123: {  	s31 =	simm.s32 $0xE400  }
0x124: {  	[tilespmem:s31], [sflag:$0x2] =	stream.indirect_vreg.gather [hbm4b:s1+s3], $0x80, v3, vm0, $0xb8;
	[tilespmem:$0x18C00] =	vst v63  }
0x125: {  	s31 =	simm.s32 $0xEC00  }
0x126: {  	[tilespmem:s31], [sflag:$0x2] =	stream.indirect_vreg.gather [hbm4b:s5+s3], $0x80, v3, vm0, $0xb8;
	[tilespmem:$0x18C00] =	vst v63  }
0x127: {  	s24 =	simm.s32 $0xF400  }
0x128: {  	[tilespmem:s24], [sflag:$0x2] =	stream.indirect_vreg.gather [hbm4b:s7+s3], $0x80, v3, vm0, $0xb8;
	[tilespmem:$0x18C00] =	vst v63  }
0x129: {  	v3 =	vld [tilespmem:$0x190];
	_ =	sdelay $0x4  }
0x12a: {  	v13 =	vshrl.u32 v3, $0x3  }
0x12b: {  	v4 =	vmul.u32 $0x30, v13  }
0x12c: {  	v3 =	vand.u32 $0x7, v3  }
0x12d: {  	v3 =	vor.u32 v3, v4  }
0x12e: {  	v4 =	vperm.xlane v3, v0;
	_ =	sdelay $0x1  }
0x12f: {  	v4 =	vadd.s32 v1, v4;
	_ =	sdelay $0x3  }
0x130: {  	s31 =	simm.s32 $0xFC00;
	v3 =	vperm.xlane v3, v2  }
0x131: {  	[tilespmem:s31], [sflag:$0x2] =	stream.indirect_vreg.gather [hbm4b:s1+s3], $0x80, v4, vm0, $0xb8;
	[tilespmem:$0x18C00] =	vst v63  }
0x132: {  	v3 =	vadd.s32 v1, v3;
	s31 =	simm.s32 $0x10400  }
0x133: {  	[tilespmem:s31], [sflag:$0x2] =	stream.indirect_vreg.gather [hbm4b:s5+s3], $0x80, v4, vm0, $0xb8;
	[tilespmem:$0x18C00] =	vst v63  }
0x134: {  	s31 =	simm.s32 $0x10C00  }
0x135: {  	[tilespmem:s31], [sflag:$0x2] =	stream.indirect_vreg.gather [hbm4b:s7+s3], $0x80, v4, vm0, $0xb8;
	[tilespmem:$0x18C00] =	vst v63  }
0x136: {  	s31 =	simm.s32 $0x11400  }
0x137: {  	[tilespmem:s31], [sflag:$0x2] =	stream.indirect_vreg.gather [hbm4b:s1+s3], $0x80, v3, vm0, $0xb8;
	[tilespmem:$0x18C00] =	vst v63  }
0x138: {  	s31 =	simm.s32 $0x11C00  }
0x139: {  	[tilespmem:s31], [sflag:$0x2] =	stream.indirect_vreg.gather [hbm4b:s5+s3], $0x80, v3, vm0, $0xb8;
	[tilespmem:$0x18C00] =	vst v63  }
0x13a: {  	s22 =	simm.s32 $0x12400  }
0x13b: {  	[tilespmem:s22], [sflag:$0x2] =	stream.indirect_vreg.gather [hbm4b:s7+s3], $0x80, v3, vm0, $0xb8;
	[tilespmem:$0x18C00] =	vst v63  }
0x13c: {  	v3 =	vld [tilespmem:$0x1A0];
	_ =	sdelay $0x4  }
0x13d: {  	v14 =	vshrl.u32 v3, $0x3  }
0x13e: {  	v4 =	vmul.u32 $0x30, v14  }
0x13f: {  	v3 =	vand.u32 $0x7, v3  }
0x140: {  	v3 =	vor.u32 v3, v4  }
0x141: {  	v4 =	vperm.xlane v3, v0;
	_ =	sdelay $0x1  }
0x142: {  	v4 =	vadd.s32 v1, v4;
	_ =	sdelay $0x3  }
0x143: {  	s23 =	simm.s32 $0x12C00;
	v3 =	vperm.xlane v3, v2  }
0x144: {  	[tilespmem:s23], [sflag:$0x2] =	stream.indirect_vreg.gather [hbm4b:s1+s3], $0x80, v4, vm0, $0xb8;
	[tilespmem:$0x18C00] =	vst v63  }
0x145: {  	v3 =	vadd.s32 v1, v3;
	s23 =	simm.s32 $0x13400  }
0x146: {  	[tilespmem:s23], [sflag:$0x2] =	stream.indirect_vreg.gather [hbm4b:s5+s3], $0x80, v4, vm0, $0xb8;
	[tilespmem:$0x18C00] =	vst v63  }
0x147: {  	s31 =	simm.s32 $0x13C00  }
0x148: {  	[tilespmem:s31], [sflag:$0x2] =	stream.indirect_vreg.gather [hbm4b:s7+s3], $0x80, v4, vm0, $0xb8;
	[tilespmem:$0x18C00] =	vst v63  }
0x149: {  	s31 =	simm.s32 $0x14400  }
0x14a: {  	[tilespmem:s31], [sflag:$0x2] =	stream.indirect_vreg.gather [hbm4b:s1+s3], $0x80, v3, vm0, $0xb8;
	[tilespmem:$0x18C00] =	vst v63  }
0x14b: {  	s31 =	simm.s32 $0x14C00  }
0x14c: {  	[tilespmem:s31], [sflag:$0x2] =	stream.indirect_vreg.gather [hbm4b:s5+s3], $0x80, v3, vm0, $0xb8;
	[tilespmem:$0x18C00] =	vst v63  }
0x14d: {  	s31 =	simm.s32 $0x15400  }
0x14e: {  	[tilespmem:s31], [sflag:$0x2] =	stream.indirect_vreg.gather [hbm4b:s7+s3], $0x80, v3, vm0, $0xb8;
	[tilespmem:$0x18C00] =	vst v63  }
0x14f: {  	v3 =	vld [tilespmem:$0x1B0];
	_ =	sdelay $0x4  }
0x150: {  	v15 =	vshrl.u32 v3, $0x3  }
0x151: {  	v4 =	vmul.u32 $0x30, v15  }
0x152: {  	v3 =	vand.u32 $0x7, v3  }
0x153: {  	v3 =	vor.u32 v3, v4  }
0x154: {  	v4 =	vperm.xlane v3, v0;
	_ =	sdelay $0x1  }
0x155: {  	v4 =	vadd.s32 v1, v4;
	_ =	sdelay $0x3  }
0x156: {  	s31 =	simm.s32 $0x15C00;
	v3 =	vperm.xlane v3, v2  }
0x157: {  	[tilespmem:s31], [sflag:$0x2] =	stream.indirect_vreg.gather [hbm4b:s1+s3], $0x80, v4, vm0, $0xb8;
	[tilespmem:$0x18C00] =	vst v63  }
0x158: {  	v3 =	vadd.s32 v1, v3;
	s31 =	simm.s32 $0x16400  }
0x159: {  	[tilespmem:s31], [sflag:$0x2] =	stream.indirect_vreg.gather [hbm4b:s5+s3], $0x80, v4, vm0, $0xb8;
	[tilespmem:$0x18C00] =	vst v63  }
0x15a: {  	s31 =	simm.s32 $0x16C00  }
0x15b: {  	[tilespmem:s31], [sflag:$0x2] =	stream.indirect_vreg.gather [hbm4b:s7+s3], $0x80, v4, vm0, $0xb8;
	[tilespmem:$0x18C00] =	vst v63  }
0x15c: {  	s31 =	simm.s32 $0x17400  }
0x15d: {  	[tilespmem:s31], [sflag:$0x2] =	stream.indirect_vreg.gather [hbm4b:s1+s3], $0x80, v3, vm0, $0xb8;
	[tilespmem:$0x18C00] =	vst v63  }
0x15e: {  	s31 =	simm.s32 $0x17C00  }
0x15f: {  	[tilespmem:s31], [sflag:$0x2] =	stream.indirect_vreg.gather [hbm4b:s5+s3], $0x80, v3, vm0, $0xb8;
	[tilespmem:$0x18C00] =	vst v63  }
0x160: {  	s31 =	simm.s32 $0x18400  }
0x161: {  	[tilespmem:s31], [sflag:$0x2] =	stream.indirect_vreg.gather [hbm4b:s7+s3], $0x80, v3, vm0, $0xb8;
	[tilespmem:$0x18C00] =	vst v63  }
0x162: {  	_ =	swait.ge [sflag:s25], $0xC000  }
0x163: {  	[sflag:s25] =	ssyncset.done $0x0  }
0x164: {  	s20 =	simm.s32 $0xC00;
	s31 =	rddreg [dreg:$0x7];
	[sflag:s25] =	ssyncadd.s32 $0xFFFF4000  }
0x165: {  	[hbm4b:s31+s3] =	stream.linear.scatter [tilespmem:s20], [sflag:$0x3], $0xC000, $0x38;
	[tilespmem:$0x18C00] =	vst v63  }
0x166: {  	_ =	swait.ge [sflag:s28], $0xC000  }
0x167: {  	[sflag:s28] =	ssyncset.done $0x0  }
0x168: {  	[sflag:s28] =	ssyncadd.s32 $0xFFFF4000  }
0x169: {  	v3 =	vld [tilespmem:$0x200];
	_ =	sdelay $0x4  }
0x16a: {  	v16 =	vshrl.u32 v3, $0x3  }
0x16b: {  	v4 =	vmul.u32 $0x30, v16  }
0x16c: {  	v3 =	vand.u32 $0x7, v3  }
0x16d: {  	v3 =	vor.u32 v3, v4  }
0x16e: {  	v4 =	vperm.xlane v3, v0;
	_ =	sdelay $0x1  }
0x16f: {  	v4 =	vadd.s32 v1, v4;
	_ =	sdelay $0x3  }
0x170: {  	v3 =	vperm.xlane v3, v2  }
0x171: {  	[tilespmem:s20], [sflag:$0x1] =	stream.indirect_vreg.gather [hbm4b:s1+s3], $0x80, v4, vm0, $0xb8;
	[tilespmem:$0x18C00] =	vst v63  }
0x172: {  	v3 =	vadd.s32 v1, v3  }
0x173: {  	[tilespmem:s0], [sflag:$0x1] =	stream.indirect_vreg.gather [hbm4b:s5+s3], $0x80, v4, vm0, $0xb8;
	[tilespmem:$0x18C00] =	vst v63  }
0x174: {  	_ = 	snop  }
0x175: {  	[tilespmem:s2], [sflag:$0x1] =	stream.indirect_vreg.gather [hbm4b:s7+s3], $0x80, v4, vm0, $0xb8;
	[tilespmem:$0x18C00] =	vst v63  }
0x176: {  	_ = 	snop  }
0x177: {  	[tilespmem:s4], [sflag:$0x1] =	stream.indirect_vreg.gather [hbm4b:s1+s3], $0x80, v3, vm0, $0xb8;
	[tilespmem:$0x18C00] =	vst v63  }
0x178: {  	_ = 	snop  }
0x179: {  	[tilespmem:s6], [sflag:$0x1] =	stream.indirect_vreg.gather [hbm4b:s5+s3], $0x80, v3, vm0, $0xb8;
	[tilespmem:$0x18C00] =	vst v63  }
0x17a: {  	s31 =	simm.s32 $0x3400  }
0x17b: {  	[tilespmem:s31], [sflag:$0x1] =	stream.indirect_vreg.gather [hbm4b:s7+s3], $0x80, v3, vm0, $0xb8;
	[tilespmem:$0x18C00] =	vst v63  }
0x17c: {  	v3 =	vld [tilespmem:$0x210];
	_ =	sdelay $0x4  }
0x17d: {  	v17 =	vshrl.u32 v3, $0x3  }
0x17e: {  	v4 =	vmul.u32 $0x30, v17  }
0x17f: {  	v3 =	vand.u32 $0x7, v3  }
0x180: {  	v3 =	vor.u32 v3, v4  }
0x181: {  	v4 =	vperm.xlane v3, v0;
	_ =	sdelay $0x1  }
0x182: {  	v4 =	vadd.s32 v1, v4;
	_ =	sdelay $0x3  }
0x183: {  	s31 =	simm.s32 $0x3C00;
	v3 =	vperm.xlane v3, v2  }
0x184: {  	[tilespmem:s31], [sflag:$0x1] =	stream.indirect_vreg.gather [hbm4b:s1+s3], $0x80, v4, vm0, $0xb8;
	[tilespmem:$0x18C00] =	vst v63  }
0x185: {  	v3 =	vadd.s32 v1, v3  }
0x186: {  	[tilespmem:s8], [sflag:$0x1] =	stream.indirect_vreg.gather [hbm4b:s5+s3], $0x80, v4, vm0, $0xb8;
	[tilespmem:$0x18C00] =	vst v63  }
0x187: {  	_ = 	snop  }
0x188: {  	[tilespmem:s9], [sflag:$0x1] =	stream.indirect_vreg.gather [hbm4b:s7+s3], $0x80, v4, vm0, $0xb8;
	[tilespmem:$0x18C00] =	vst v63  }
0x189: {  	_ = 	snop  }
0x18a: {  	[tilespmem:s10], [sflag:$0x1] =	stream.indirect_vreg.gather [hbm4b:s1+s3], $0x80, v3, vm0, $0xb8;
	[tilespmem:$0x18C00] =	vst v63  }
0x18b: {  	_ = 	snop  }
0x18c: {  	[tilespmem:s11], [sflag:$0x1] =	stream.indirect_vreg.gather [hbm4b:s5+s3], $0x80, v3, vm0, $0xb8;
	[tilespmem:$0x18C00] =	vst v63  }
0x18d: {  	s31 =	simm.s32 $0x6400  }
0x18e: {  	[tilespmem:s31], [sflag:$0x1] =	stream.indirect_vreg.gather [hbm4b:s7+s3], $0x80, v3, vm0, $0xb8;
	[tilespmem:$0x18C00] =	vst v63  }
0x18f: {  	v3 =	vld [tilespmem:$0x220];
	_ =	sdelay $0x4  }
0x190: {  	v18 =	vshrl.u32 v3, $0x3  }
0x191: {  	v4 =	vmul.u32 $0x30, v18  }
0x192: {  	v3 =	vand.u32 $0x7, v3  }
0x193: {  	v3 =	vor.u32 v3, v4  }
0x194: {  	v4 =	vperm.xlane v3, v0;
	_ =	sdelay $0x1  }
0x195: {  	v4 =	vadd.s32 v1, v4;
	_ =	sdelay $0x3  }
0x196: {  	s31 =	simm.s32 $0x6C00;
	v3 =	vperm.xlane v3, v2  }
0x197: {  	[tilespmem:s31], [sflag:$0x1] =	stream.indirect_vreg.gather [hbm4b:s1+s3], $0x80, v4, vm0, $0xb8;
	[tilespmem:$0x18C00] =	vst v63  }
0x198: {  	v3 =	vadd.s32 v1, v3  }
0x199: {  	[tilespmem:s12], [sflag:$0x1] =	stream.indirect_vreg.gather [hbm4b:s5+s3], $0x80, v4, vm0, $0xb8;
	[tilespmem:$0x18C00] =	vst v63  }
0x19a: {  	_ = 	snop  }
0x19b: {  	[tilespmem:s13], [sflag:$0x1] =	stream.indirect_vreg.gather [hbm4b:s7+s3], $0x80, v4, vm0, $0xb8;
	[tilespmem:$0x18C00] =	vst v63  }
0x19c: {  	_ = 	snop  }
0x19d: {  	[tilespmem:s14], [sflag:$0x1] =	stream.indirect_vreg.gather [hbm4b:s1+s3], $0x80, v3, vm0, $0xb8;
	[tilespmem:$0x18C00] =	vst v63  }
0x19e: {  	_ = 	snop  }
0x19f: {  	[tilespmem:s15], [sflag:$0x1] =	stream.indirect_vreg.gather [hbm4b:s5+s3], $0x80, v3, vm0, $0xb8;
	[tilespmem:$0x18C00] =	vst v63  }
0x1a0: {  	s31 =	simm.s32 $0x9400  }
0x1a1: {  	[tilespmem:s31], [sflag:$0x1] =	stream.indirect_vreg.gather [hbm4b:s7+s3], $0x80, v3, vm0, $0xb8;
	[tilespmem:$0x18C00] =	vst v63  }
0x1a2: {  	v3 =	vld [tilespmem:$0x230];
	_ =	sdelay $0x4  }
0x1a3: {  	v19 =	vshrl.u32 v3, $0x3  }
0x1a4: {  	v4 =	vmul.u32 $0x30, v19  }
0x1a5: {  	v3 =	vand.u32 $0x7, v3  }
0x1a6: {  	v3 =	vor.u32 v3, v4  }
0x1a7: {  	v4 =	vperm.xlane v3, v0;
	_ =	sdelay $0x1  }
0x1a8: {  	v4 =	vadd.s32 v1, v4;
	_ =	sdelay $0x3  }
0x1a9: {  	s31 =	simm.s32 $0x9C00;
	v3 =	vperm.xlane v3, v2  }
0x1aa: {  	[tilespmem:s31], [sflag:$0x1] =	stream.indirect_vreg.gather [hbm4b:s1+s3], $0x80, v4, vm0, $0xb8;
	[tilespmem:$0x18C00] =	vst v63  }
0x1ab: {  	v3 =	vadd.s32 v1, v3  }
0x1ac: {  	[tilespmem:s16], [sflag:$0x1] =	stream.indirect_vreg.gather [hbm4b:s5+s3], $0x80, v4, vm0, $0xb8;
	[tilespmem:$0x18C00] =	vst v63  }
0x1ad: {  	_ = 	snop  }
0x1ae: {  	[tilespmem:s17], [sflag:$0x1] =	stream.indirect_vreg.gather [hbm4b:s7+s3], $0x80, v4, vm0, $0xb8;
	[tilespmem:$0x18C00] =	vst v63  }
0x1af: {  	_ = 	snop  }
0x1b0: {  	[tilespmem:s18], [sflag:$0x1] =	stream.indirect_vreg.gather [hbm4b:s1+s3], $0x80, v3, vm0, $0xb8;
	[tilespmem:$0x18C00] =	vst v63  }
0x1b1: {  	_ = 	snop  }
0x1b2: {  	[tilespmem:s19], [sflag:$0x1] =	stream.indirect_vreg.gather [hbm4b:s5+s3], $0x80, v3, vm0, $0xb8;
	[tilespmem:$0x18C00] =	vst v63  }
0x1b3: {  	s31 =	simm.s32 $0xC400  }
0x1b4: {  	[tilespmem:s31], [sflag:$0x1] =	stream.indirect_vreg.gather [hbm4b:s7+s3], $0x80, v3, vm0, $0xb8;
	[tilespmem:$0x18C00] =	vst v63  }
0x1b5: {  	_ =	swait.ge [sflag:s29], $0xC000  }
0x1b6: {  	[sflag:s29] =	ssyncset.done $0x0  }
0x1b7: {  	s31 =	rddreg [dreg:$0x8];
	[sflag:s29] =	ssyncadd.s32 $0xFFFF4000  }
0x1b8: {  	[hbm4b:s31+s3] =	stream.linear.scatter [tilespmem:s26], [sflag:$0x4], $0xC000, $0x38;
	[tilespmem:$0x18C00] =	vst v63  }
0x1b9: {  	_ =	swait.ge [sflag:s30], $0xC000  }
0x1ba: {  	[sflag:s30] =	ssyncset.done $0x0  }
0x1bb: {  	[sflag:s30] =	ssyncadd.s32 $0xFFFF4000  }
0x1bc: {  	v3 =	vld [tilespmem:$0x280];
	_ =	sdelay $0x4  }
0x1bd: {  	v20 =	vshrl.u32 v3, $0x3  }
0x1be: {  	v4 =	vmul.u32 $0x30, v20  }
0x1bf: {  	v3 =	vand.u32 $0x7, v3  }
0x1c0: {  	v3 =	vor.u32 v3, v4  }
0x1c1: {  	v4 =	vperm.xlane v3, v0;
	_ =	sdelay $0x1  }
0x1c2: {  	v4 =	vadd.s32 v1, v4;
	_ =	sdelay $0x3  }
0x1c3: {  	v3 =	vperm.xlane v3, v2  }
0x1c4: {  	[tilespmem:s26], [sflag:$0x2] =	stream.indirect_vreg.gather [hbm4b:s1+s3], $0x80, v4, vm0, $0xb8;
	[tilespmem:$0x18C00] =	vst v63  }
0x1c5: {  	s21 =	simm.s32 $0xD400;
	v3 =	vadd.s32 v1, v3  }
0x1c6: {  	[tilespmem:s21], [sflag:$0x2] =	stream.indirect_vreg.gather [hbm4b:s5+s3], $0x80, v4, vm0, $0xb8;
	[tilespmem:$0x18C00] =	vst v63  }
0x1c7: {  	s31 =	simm.s32 $0xDC00  }
0x1c8: {  	[tilespmem:s31], [sflag:$0x2] =	stream.indirect_vreg.gather [hbm4b:s7+s3], $0x80, v4, vm0, $0xb8;
	[tilespmem:$0x18C00] =	vst v63  }
0x1c9: {  	s31 =	simm.s32 $0xE400  }
0x1ca: {  	[tilespmem:s31], [sflag:$0x2] =	stream.indirect_vreg.gather [hbm4b:s1+s3], $0x80, v3, vm0, $0xb8;
	[tilespmem:$0x18C00] =	vst v63  }
0x1cb: {  	s31 =	simm.s32 $0xEC00  }
0x1cc: {  	[tilespmem:s31], [sflag:$0x2] =	stream.indirect_vreg.gather [hbm4b:s5+s3], $0x80, v3, vm0, $0xb8;
	[tilespmem:$0x18C00] =	vst v63  }
0x1cd: {  	s31 =	simm.s32 $0xF400  }
0x1ce: {  	[tilespmem:s31], [sflag:$0x2] =	stream.indirect_vreg.gather [hbm4b:s7+s3], $0x80, v3, vm0, $0xb8;
	[tilespmem:$0x18C00] =	vst v63  }
0x1cf: {  	v3 =	vld [tilespmem:$0x290];
	_ =	sdelay $0x4  }
0x1d0: {  	v21 =	vshrl.u32 v3, $0x3  }
0x1d1: {  	v4 =	vmul.u32 $0x30, v21  }
0x1d2: {  	v3 =	vand.u32 $0x7, v3  }
0x1d3: {  	v3 =	vor.u32 v3, v4  }
0x1d4: {  	v4 =	vperm.xlane v3, v0;
	_ =	sdelay $0x1  }
0x1d5: {  	v4 =	vadd.s32 v1, v4;
	_ =	sdelay $0x3  }
0x1d6: {  	s31 =	simm.s32 $0xFC00;
	v3 =	vperm.xlane v3, v2  }
0x1d7: {  	[tilespmem:s31], [sflag:$0x2] =	stream.indirect_vreg.gather [hbm4b:s1+s3], $0x80, v4, vm0, $0xb8;
	[tilespmem:$0x18C00] =	vst v63  }
0x1d8: {  	s24 =	simm.s32 $0x10400;
	v3 =	vadd.s32 v1, v3  }
0x1d9: {  	[tilespmem:s24], [sflag:$0x2] =	stream.indirect_vreg.gather [hbm4b:s5+s3], $0x80, v4, vm0, $0xb8;
	[tilespmem:$0x18C00] =	vst v63  }
0x1da: {  	s31 =	simm.s32 $0x10C00  }
0x1db: {  	[tilespmem:s31], [sflag:$0x2] =	stream.indirect_vreg.gather [hbm4b:s7+s3], $0x80, v4, vm0, $0xb8;
	[tilespmem:$0x18C00] =	vst v63  }
0x1dc: {  	s31 =	simm.s32 $0x11400  }
0x1dd: {  	[tilespmem:s31], [sflag:$0x2] =	stream.indirect_vreg.gather [hbm4b:s1+s3], $0x80, v3, vm0, $0xb8;
	[tilespmem:$0x18C00] =	vst v63  }
0x1de: {  	s31 =	simm.s32 $0x11C00  }
0x1df: {  	[tilespmem:s31], [sflag:$0x2] =	stream.indirect_vreg.gather [hbm4b:s5+s3], $0x80, v3, vm0, $0xb8;
	[tilespmem:$0x18C00] =	vst v63  }
0x1e0: {  	s31 =	simm.s32 $0x12400  }
0x1e1: {  	[tilespmem:s31], [sflag:$0x2] =	stream.indirect_vreg.gather [hbm4b:s7+s3], $0x80, v3, vm0, $0xb8;
	[tilespmem:$0x18C00] =	vst v63  }
0x1e2: {  	v3 =	vld [tilespmem:$0x2A0];
	_ =	sdelay $0x4  }
0x1e3: {  	v22 =	vshrl.u32 v3, $0x3  }
0x1e4: {  	v4 =	vmul.u32 $0x30, v22  }
0x1e5: {  	v3 =	vand.u32 $0x7, v3  }
0x1e6: {  	v3 =	vor.u32 v3, v4  }
0x1e7: {  	v4 =	vperm.xlane v3, v0;
	_ =	sdelay $0x1  }
0x1e8: {  	v4 =	vadd.s32 v1, v4;
	_ =	sdelay $0x3  }
0x1e9: {  	s31 =	simm.s32 $0x12C00;
	v3 =	vperm.xlane v3, v2  }
0x1ea: {  	[tilespmem:s31], [sflag:$0x2] =	stream.indirect_vreg.gather [hbm4b:s1+s3], $0x80, v4, vm0, $0xb8;
	[tilespmem:$0x18C00] =	vst v63  }
0x1eb: {  	s22 =	simm.s32 $0x13400;
	v3 =	vadd.s32 v1, v3  }
0x1ec: {  	[tilespmem:s22], [sflag:$0x2] =	stream.indirect_vreg.gather [hbm4b:s5+s3], $0x80, v4, vm0, $0xb8;
	[tilespmem:$0x18C00] =	vst v63  }
0x1ed: {  	s23 =	simm.s32 $0x13C00  }
0x1ee: {  	[tilespmem:s23], [sflag:$0x2] =	stream.indirect_vreg.gather [hbm4b:s7+s3], $0x80, v4, vm0, $0xb8;
	[tilespmem:$0x18C00] =	vst v63  }
0x1ef: {  	s31 =	simm.s32 $0x14400  }
0x1f0: {  	[tilespmem:s31], [sflag:$0x2] =	stream.indirect_vreg.gather [hbm4b:s1+s3], $0x80, v3, vm0, $0xb8;
	[tilespmem:$0x18C00] =	vst v63  }
0x1f1: {  	s31 =	simm.s32 $0x14C00  }
0x1f2: {  	[tilespmem:s31], [sflag:$0x2] =	stream.indirect_vreg.gather [hbm4b:s5+s3], $0x80, v3, vm0, $0xb8;
	[tilespmem:$0x18C00] =	vst v63  }
0x1f3: {  	s31 =	simm.s32 $0x15400  }
0x1f4: {  	[tilespmem:s31], [sflag:$0x2] =	stream.indirect_vreg.gather [hbm4b:s7+s3], $0x80, v3, vm0, $0xb8;
	[tilespmem:$0x18C00] =	vst v63  }
0x1f5: {  	v3 =	vld [tilespmem:$0x2B0];
	_ =	sdelay $0x4  }
0x1f6: {  	v23 =	vshrl.u32 v3, $0x3  }
0x1f7: {  	v4 =	vmul.u32 $0x30, v23  }
0x1f8: {  	v3 =	vand.u32 $0x7, v3  }
0x1f9: {  	v3 =	vor.u32 v3, v4  }
0x1fa: {  	v4 =	vperm.xlane v3, v0;
	_ =	sdelay $0x1  }
0x1fb: {  	v4 =	vadd.s32 v1, v4;
	_ =	sdelay $0x3  }
0x1fc: {  	s31 =	simm.s32 $0x15C00;
	v3 =	vperm.xlane v3, v2  }
0x1fd: {  	[tilespmem:s31], [sflag:$0x2] =	stream.indirect_vreg.gather [hbm4b:s1+s3], $0x80, v4, vm0, $0xb8;
	[tilespmem:$0x18C00] =	vst v63  }
0x1fe: {  	v3 =	vadd.s32 v1, v3;
	s31 =	simm.s32 $0x16400  }
0x1ff: {  	[tilespmem:s31], [sflag:$0x2] =	stream.indirect_vreg.gather [hbm4b:s5+s3], $0x80, v4, vm0, $0xb8;
	[tilespmem:$0x18C00] =	vst v63  }
0x200: {  	s31 =	simm.s32 $0x16C00  }
0x201: {  	[tilespmem:s31], [sflag:$0x2] =	stream.indirect_vreg.gather [hbm4b:s7+s3], $0x80, v4, vm0, $0xb8;
	[tilespmem:$0x18C00] =	vst v63  }
0x202: {  	s31 =	simm.s32 $0x17400  }
0x203: {  	[tilespmem:s31], [sflag:$0x2] =	stream.indirect_vreg.gather [hbm4b:s1+s3], $0x80, v3, vm0, $0xb8;
	[tilespmem:$0x18C00] =	vst v63  }
0x204: {  	s31 =	simm.s32 $0x17C00  }
0x205: {  	[tilespmem:s31], [sflag:$0x2] =	stream.indirect_vreg.gather [hbm4b:s5+s3], $0x80, v3, vm0, $0xb8;
	[tilespmem:$0x18C00] =	vst v63  }
0x206: {  	s31 =	simm.s32 $0x18400  }
0x207: {  	[tilespmem:s31], [sflag:$0x2] =	stream.indirect_vreg.gather [hbm4b:s7+s3], $0x80, v3, vm0, $0xb8;
	[tilespmem:$0x18C00] =	vst v63  }
0x208: {  	_ =	swait.ge [sflag:s25], $0xC000  }
0x209: {  	[sflag:s25] =	ssyncset.done $0x0  }
0x20a: {  	s31 =	rddreg [dreg:$0x9];
	[sflag:s25] =	ssyncadd.s32 $0xFFFF4000  }
0x20b: {  	[hbm4b:s31+s3] =	stream.linear.scatter [tilespmem:s20], [sflag:$0x3], $0xC000, $0x38;
	[tilespmem:$0x18C00] =	vst v63  }
0x20c: {  	_ =	swait.ge [sflag:s28], $0xC000  }
0x20d: {  	[sflag:s28] =	ssyncset.done $0x0  }
0x20e: {  	[sflag:s28] =	ssyncadd.s32 $0xFFFF4000  }
0x20f: {  	v3 =	vld [tilespmem:$0x300];
	_ =	sdelay $0x4  }
0x210: {  	v24 =	vshrl.u32 v3, $0x3  }
0x211: {  	v4 =	vmul.u32 $0x30, v24  }
0x212: {  	v3 =	vand.u32 $0x7, v3  }
0x213: {  	v3 =	vor.u32 v3, v4  }
0x214: {  	v4 =	vperm.xlane v3, v0;
	_ =	sdelay $0x1  }
0x215: {  	v4 =	vadd.s32 v1, v4;
	_ =	sdelay $0x3  }
0x216: {  	v3 =	vperm.xlane v3, v2  }
0x217: {  	[tilespmem:s20], [sflag:$0x1] =	stream.indirect_vreg.gather [hbm4b:s1+s3], $0x80, v4, vm0, $0xb8;
	[tilespmem:$0x18C00] =	vst v63  }
0x218: {  	s0 =	simm.s32 $0x1400;
	v3 =	vadd.s32 v1, v3  }
0x219: {  	[tilespmem:s0], [sflag:$0x1] =	stream.indirect_vreg.gather [hbm4b:s5+s3], $0x80, v4, vm0, $0xb8;
	[tilespmem:$0x18C00] =	vst v63  }
0x21a: {  	s2 =	simm.s32 $0x1C00  }
0x21b: {  	[tilespmem:s2], [sflag:$0x1] =	stream.indirect_vreg.gather [hbm4b:s7+s3], $0x80, v4, vm0, $0xb8;
	[tilespmem:$0x18C00] =	vst v63  }
0x21c: {  	s4 =	simm.s32 $0x2400  }
0x21d: {  	[tilespmem:s4], [sflag:$0x1] =	stream.indirect_vreg.gather [hbm4b:s1+s3], $0x80, v3, vm0, $0xb8;
	[tilespmem:$0x18C00] =	vst v63  }
0x21e: {  	s6 =	simm.s32 $0x2C00  }
0x21f: {  	[tilespmem:s6], [sflag:$0x1] =	stream.indirect_vreg.gather [hbm4b:s5+s3], $0x80, v3, vm0, $0xb8;
	[tilespmem:$0x18C00] =	vst v63  }
0x220: {  	s31 =	simm.s32 $0x3400  }
0x221: {  	[tilespmem:s31], [sflag:$0x1] =	stream.indirect_vreg.gather [hbm4b:s7+s3], $0x80, v3, vm0, $0xb8;
	[tilespmem:$0x18C00] =	vst v63  }
0x222: {  	v3 =	vld [tilespmem:$0x310];
	_ =	sdelay $0x4  }
0x223: {  	v25 =	vshrl.u32 v3, $0x3  }
0x224: {  	v4 =	vmul.u32 $0x30, v25  }
0x225: {  	v3 =	vand.u32 $0x7, v3  }
0x226: {  	v3 =	vor.u32 v3, v4  }
0x227: {  	v4 =	vperm.xlane v3, v0;
	_ =	sdelay $0x1  }
0x228: {  	v4 =	vadd.s32 v1, v4;
	_ =	sdelay $0x3  }
0x229: {  	s31 =	simm.s32 $0x3C00;
	v3 =	vperm.xlane v3, v2  }
0x22a: {  	[tilespmem:s31], [sflag:$0x1] =	stream.indirect_vreg.gather [hbm4b:s1+s3], $0x80, v4, vm0, $0xb8;
	[tilespmem:$0x18C00] =	vst v63  }
0x22b: {  	s8 =	simm.s32 $0x4400;
	v3 =	vadd.s32 v1, v3  }
0x22c: {  	[tilespmem:s8], [sflag:$0x1] =	stream.indirect_vreg.gather [hbm4b:s5+s3], $0x80, v4, vm0, $0xb8;
	[tilespmem:$0x18C00] =	vst v63  }
0x22d: {  	s9 =	simm.s32 $0x4C00  }
0x22e: {  	[tilespmem:s9], [sflag:$0x1] =	stream.indirect_vreg.gather [hbm4b:s7+s3], $0x80, v4, vm0, $0xb8;
	[tilespmem:$0x18C00] =	vst v63  }
0x22f: {  	s10 =	simm.s32 $0x5400  }
0x230: {  	[tilespmem:s10], [sflag:$0x1] =	stream.indirect_vreg.gather [hbm4b:s1+s3], $0x80, v3, vm0, $0xb8;
	[tilespmem:$0x18C00] =	vst v63  }
0x231: {  	s11 =	simm.s32 $0x5C00  }
0x232: {  	[tilespmem:s11], [sflag:$0x1] =	stream.indirect_vreg.gather [hbm4b:s5+s3], $0x80, v3, vm0, $0xb8;
	[tilespmem:$0x18C00] =	vst v63  }
0x233: {  	s31 =	simm.s32 $0x6400  }
0x234: {  	[tilespmem:s31], [sflag:$0x1] =	stream.indirect_vreg.gather [hbm4b:s7+s3], $0x80, v3, vm0, $0xb8;
	[tilespmem:$0x18C00] =	vst v63  }
0x235: {  	v3 =	vld [tilespmem:$0x320];
	_ =	sdelay $0x4  }
0x236: {  	v26 =	vshrl.u32 v3, $0x3  }
0x237: {  	v4 =	vmul.u32 $0x30, v26  }
0x238: {  	v3 =	vand.u32 $0x7, v3  }
0x239: {  	v3 =	vor.u32 v3, v4  }
0x23a: {  	v4 =	vperm.xlane v3, v0;
	_ =	sdelay $0x1  }
0x23b: {  	v4 =	vadd.s32 v1, v4;
	_ =	sdelay $0x3  }
0x23c: {  	s31 =	simm.s32 $0x6C00;
	v3 =	vperm.xlane v3, v2  }
0x23d: {  	[tilespmem:s31], [sflag:$0x1] =	stream.indirect_vreg.gather [hbm4b:s1+s3], $0x80, v4, vm0, $0xb8;
	[tilespmem:$0x18C00] =	vst v63  }
0x23e: {  	s12 =	simm.s32 $0x7400;
	v3 =	vadd.s32 v1, v3  }
0x23f: {  	[tilespmem:s12], [sflag:$0x1] =	stream.indirect_vreg.gather [hbm4b:s5+s3], $0x80, v4, vm0, $0xb8;
	[tilespmem:$0x18C00] =	vst v63  }
0x240: {  	s13 =	simm.s32 $0x7C00  }
0x241: {  	[tilespmem:s13], [sflag:$0x1] =	stream.indirect_vreg.gather [hbm4b:s7+s3], $0x80, v4, vm0, $0xb8;
	[tilespmem:$0x18C00] =	vst v63  }
0x242: {  	s14 =	simm.s32 $0x8400  }
0x243: {  	[tilespmem:s14], [sflag:$0x1] =	stream.indirect_vreg.gather [hbm4b:s1+s3], $0x80, v3, vm0, $0xb8;
	[tilespmem:$0x18C00] =	vst v63  }
0x244: {  	s15 =	simm.s32 $0x8C00  }
0x245: {  	[tilespmem:s15], [sflag:$0x1] =	stream.indirect_vreg.gather [hbm4b:s5+s3], $0x80, v3, vm0, $0xb8;
	[tilespmem:$0x18C00] =	vst v63  }
0x246: {  	s31 =	simm.s32 $0x9400  }
0x247: {  	[tilespmem:s31], [sflag:$0x1] =	stream.indirect_vreg.gather [hbm4b:s7+s3], $0x80, v3, vm0, $0xb8;
	[tilespmem:$0x18C00] =	vst v63  }
0x248: {  	v3 =	vld [tilespmem:$0x330];
	_ =	sdelay $0x4  }
0x249: {  	v27 =	vshrl.u32 v3, $0x3  }
0x24a: {  	v4 =	vmul.u32 $0x30, v27  }
0x24b: {  	v3 =	vand.u32 $0x7, v3  }
0x24c: {  	v3 =	vor.u32 v3, v4  }
0x24d: {  	v4 =	vperm.xlane v3, v0;
	_ =	sdelay $0x1  }
0x24e: {  	v4 =	vadd.s32 v1, v4;
	_ =	sdelay $0x3  }
0x24f: {  	s31 =	simm.s32 $0x9C00;
	v3 =	vperm.xlane v3, v2  }
0x250: {  	[tilespmem:s31], [sflag:$0x1] =	stream.indirect_vreg.gather [hbm4b:s1+s3], $0x80, v4, vm0, $0xb8;
	[tilespmem:$0x18C00] =	vst v63  }
0x251: {  	s16 =	simm.s32 $0xA400;
	v3 =	vadd.s32 v1, v3  }
0x252: {  	[tilespmem:s16], [sflag:$0x1] =	stream.indirect_vreg.gather [hbm4b:s5+s3], $0x80, v4, vm0, $0xb8;
	[tilespmem:$0x18C00] =	vst v63  }
0x253: {  	s17 =	simm.s32 $0xAC00  }
0x254: {  	[tilespmem:s17], [sflag:$0x1] =	stream.indirect_vreg.gather [hbm4b:s7+s3], $0x80, v4, vm0, $0xb8;
	[tilespmem:$0x18C00] =	vst v63  }
0x255: {  	s18 =	simm.s32 $0xB400  }
0x256: {  	[tilespmem:s18], [sflag:$0x1] =	stream.indirect_vreg.gather [hbm4b:s1+s3], $0x80, v3, vm0, $0xb8;
	[tilespmem:$0x18C00] =	vst v63  }
0x257: {  	s19 =	simm.s32 $0xBC00  }
0x258: {  	[tilespmem:s19], [sflag:$0x1] =	stream.indirect_vreg.gather [hbm4b:s5+s3], $0x80, v3, vm0, $0xb8;
	[tilespmem:$0x18C00] =	vst v63  }
0x259: {  	s31 =	simm.s32 $0xC400  }
0x25a: {  	[tilespmem:s31], [sflag:$0x1] =	stream.indirect_vreg.gather [hbm4b:s7+s3], $0x80, v3, vm0, $0xb8;
	[tilespmem:$0x18C00] =	vst v63  }
0x25b: {  	_ =	swait.ge [sflag:s29], $0xC000  }
0x25c: {  	[sflag:s29] =	ssyncset.done $0x0  }
0x25d: {  	s0 =	rddreg [dreg:$0xa];
	[sflag:s29] =	ssyncadd.s32 $0xFFFF4000  }
0x25e: {  	[hbm4b:s0+s3] =	stream.linear.scatter [tilespmem:s26], [sflag:$0x4], $0xC000, $0x38;
	[tilespmem:$0x18C00] =	vst v63  }
0x25f: {  	_ =	swait.ge [sflag:s30], $0xC000  }
0x260: {  	[sflag:s30] =	ssyncset.done $0x0  }
0x261: {  	[sflag:s30] =	ssyncadd.s32 $0xFFFF4000  }
0x262: {  	v3 =	vld [tilespmem:$0x380];
	_ =	sdelay $0x4  }
0x263: {  	v28 =	vshrl.u32 v3, $0x3  }
0x264: {  	v4 =	vmul.u32 $0x30, v28  }
0x265: {  	v3 =	vand.u32 $0x7, v3  }
0x266: {  	v3 =	vor.u32 v3, v4  }
0x267: {  	v4 =	vperm.xlane v3, v0;
	_ =	sdelay $0x1  }
0x268: {  	v4 =	vadd.s32 v1, v4;
	_ =	sdelay $0x3  }
0x269: {  	v3 =	vperm.xlane v3, v2  }
0x26a: {  	[tilespmem:s26], [sflag:$0x2] =	stream.indirect_vreg.gather [hbm4b:s1+s3], $0x80, v4, vm0, $0xb8;
	[tilespmem:$0x18C00] =	vst v63  }
0x26b: {  	s21 =	simm.s32 $0xD400;
	v3 =	vadd.s32 v1, v3  }
0x26c: {  	[tilespmem:s21], [sflag:$0x2] =	stream.indirect_vreg.gather [hbm4b:s5+s3], $0x80, v4, vm0, $0xb8;
	[tilespmem:$0x18C00] =	vst v63  }
0x26d: {  	s31 =	simm.s32 $0xDC00  }
0x26e: {  	[tilespmem:s31], [sflag:$0x2] =	stream.indirect_vreg.gather [hbm4b:s7+s3], $0x80, v4, vm0, $0xb8;
	[tilespmem:$0x18C00] =	vst v63  }
0x26f: {  	s31 =	simm.s32 $0xE400  }
0x270: {  	[tilespmem:s31], [sflag:$0x2] =	stream.indirect_vreg.gather [hbm4b:s1+s3], $0x80, v3, vm0, $0xb8;
	[tilespmem:$0x18C00] =	vst v63  }
0x271: {  	s31 =	simm.s32 $0xEC00  }
0x272: {  	[tilespmem:s31], [sflag:$0x2] =	stream.indirect_vreg.gather [hbm4b:s5+s3], $0x80, v3, vm0, $0xb8;
	[tilespmem:$0x18C00] =	vst v63  }
0x273: {  	s31 =	simm.s32 $0xF400  }
0x274: {  	[tilespmem:s31], [sflag:$0x2] =	stream.indirect_vreg.gather [hbm4b:s7+s3], $0x80, v3, vm0, $0xb8;
	[tilespmem:$0x18C00] =	vst v63  }
0x275: {  	v3 =	vld [tilespmem:$0x390];
	_ =	sdelay $0x4  }
0x276: {  	v29 =	vshrl.u32 v3, $0x3  }
0x277: {  	v4 =	vmul.u32 $0x30, v29  }
0x278: {  	v3 =	vand.u32 $0x7, v3  }
0x279: {  	v3 =	vor.u32 v3, v4  }
0x27a: {  	v4 =	vperm.xlane v3, v0;
	_ =	sdelay $0x1  }
0x27b: {  	v4 =	vadd.s32 v1, v4;
	_ =	sdelay $0x3  }
0x27c: {  	s31 =	simm.s32 $0xFC00;
	v3 =	vperm.xlane v3, v2  }
0x27d: {  	[tilespmem:s31], [sflag:$0x2] =	stream.indirect_vreg.gather [hbm4b:s1+s3], $0x80, v4, vm0, $0xb8;
	[tilespmem:$0x18C00] =	vst v63  }
0x27e: {  	s24 =	simm.s32 $0x10400;
	v3 =	vadd.s32 v1, v3  }
0x27f: {  	[tilespmem:s24], [sflag:$0x2] =	stream.indirect_vreg.gather [hbm4b:s5+s3], $0x80, v4, vm0, $0xb8;
	[tilespmem:$0x18C00] =	vst v63  }
0x280: {  	s31 =	simm.s32 $0x10C00  }
0x281: {  	[tilespmem:s31], [sflag:$0x2] =	stream.indirect_vreg.gather [hbm4b:s7+s3], $0x80, v4, vm0, $0xb8;
	[tilespmem:$0x18C00] =	vst v63  }
0x282: {  	s31 =	simm.s32 $0x11400  }
0x283: {  	[tilespmem:s31], [sflag:$0x2] =	stream.indirect_vreg.gather [hbm4b:s1+s3], $0x80, v3, vm0, $0xb8;
	[tilespmem:$0x18C00] =	vst v63  }
0x284: {  	s31 =	simm.s32 $0x11C00  }
0x285: {  	[tilespmem:s31], [sflag:$0x2] =	stream.indirect_vreg.gather [hbm4b:s5+s3], $0x80, v3, vm0, $0xb8;
	[tilespmem:$0x18C00] =	vst v63  }
0x286: {  	s31 =	simm.s32 $0x12400  }
0x287: {  	[tilespmem:s31], [sflag:$0x2] =	stream.indirect_vreg.gather [hbm4b:s7+s3], $0x80, v3, vm0, $0xb8;
	[tilespmem:$0x18C00] =	vst v63  }
0x288: {  	v3 =	vld [tilespmem:$0x3A0];
	_ =	sdelay $0x4  }
0x289: {  	v30 =	vshrl.u32 v3, $0x3  }
0x28a: {  	v4 =	vmul.u32 $0x30, v30  }
0x28b: {  	v3 =	vand.u32 $0x7, v3  }
0x28c: {  	v3 =	vor.u32 v3, v4  }
0x28d: {  	v4 =	vperm.xlane v3, v0;
	_ =	sdelay $0x1  }
0x28e: {  	v4 =	vadd.s32 v1, v4;
	_ =	sdelay $0x3  }
0x28f: {  	s31 =	simm.s32 $0x12C00;
	v3 =	vperm.xlane v3, v2  }
0x290: {  	[tilespmem:s31], [sflag:$0x2] =	stream.indirect_vreg.gather [hbm4b:s1+s3], $0x80, v4, vm0, $0xb8;
	[tilespmem:$0x18C00] =	vst v63  }
0x291: {  	s22 =	simm.s32 $0x13400;
	v3 =	vadd.s32 v1, v3  }
0x292: {  	[tilespmem:s22], [sflag:$0x2] =	stream.indirect_vreg.gather [hbm4b:s5+s3], $0x80, v4, vm0, $0xb8;
	[tilespmem:$0x18C00] =	vst v63  }
0x293: {  	s23 =	simm.s32 $0x13C00  }
0x294: {  	[tilespmem:s23], [sflag:$0x2] =	stream.indirect_vreg.gather [hbm4b:s7+s3], $0x80, v4, vm0, $0xb8;
	[tilespmem:$0x18C00] =	vst v63  }
0x295: {  	s31 =	simm.s32 $0x14400  }
0x296: {  	[tilespmem:s31], [sflag:$0x2] =	stream.indirect_vreg.gather [hbm4b:s1+s3], $0x80, v3, vm0, $0xb8;
	[tilespmem:$0x18C00] =	vst v63  }
0x297: {  	s31 =	simm.s32 $0x14C00  }
0x298: {  	[tilespmem:s31], [sflag:$0x2] =	stream.indirect_vreg.gather [hbm4b:s5+s3], $0x80, v3, vm0, $0xb8;
	[tilespmem:$0x18C00] =	vst v63  }
0x299: {  	s31 =	simm.s32 $0x15400  }
0x29a: {  	[tilespmem:s31], [sflag:$0x2] =	stream.indirect_vreg.gather [hbm4b:s7+s3], $0x80, v3, vm0, $0xb8;
	[tilespmem:$0x18C00] =	vst v63  }
0x29b: {  	v3 =	vld [tilespmem:$0x3B0];
	_ =	sdelay $0x4  }
0x29c: {  	v31 =	vshrl.u32 v3, $0x3  }
0x29d: {  	v4 =	vmul.u32 $0x30, v31  }
0x29e: {  	v3 =	vand.u32 $0x7, v3  }
0x29f: {  	v3 =	vor.u32 v3, v4  }
0x2a0: {  	v4 =	vperm.xlane v3, v0;
	_ =	sdelay $0x1  }
0x2a1: {  	v4 =	vadd.s32 v1, v4;
	_ =	sdelay $0x3  }
0x2a2: {  	s31 =	simm.s32 $0x15C00;
	v3 =	vperm.xlane v3, v2  }
0x2a3: {  	[tilespmem:s31], [sflag:$0x2] =	stream.indirect_vreg.gather [hbm4b:s1+s3], $0x80, v4, vm0, $0xb8;
	[tilespmem:$0x18C00] =	vst v63  }
0x2a4: {  	v3 =	vadd.s32 v1, v3;
	s31 =	simm.s32 $0x16400  }
0x2a5: {  	[tilespmem:s31], [sflag:$0x2] =	stream.indirect_vreg.gather [hbm4b:s5+s3], $0x80, v4, vm0, $0xb8;
	[tilespmem:$0x18C00] =	vst v63  }
0x2a6: {  	s31 =	simm.s32 $0x16C00  }
0x2a7: {  	[tilespmem:s31], [sflag:$0x2] =	stream.indirect_vreg.gather [hbm4b:s7+s3], $0x80, v4, vm0, $0xb8;
	[tilespmem:$0x18C00] =	vst v63  }
0x2a8: {  	s31 =	simm.s32 $0x17400  }
0x2a9: {  	[tilespmem:s31], [sflag:$0x2] =	stream.indirect_vreg.gather [hbm4b:s1+s3], $0x80, v3, vm0, $0xb8;
	[tilespmem:$0x18C00] =	vst v63  }
0x2aa: {  	s31 =	simm.s32 $0x17C00  }
0x2ab: {  	[tilespmem:s31], [sflag:$0x2] =	stream.indirect_vreg.gather [hbm4b:s5+s3], $0x80, v3, vm0, $0xb8;
	[tilespmem:$0x18C00] =	vst v63  }
0x2ac: {  	s31 =	simm.s32 $0x18400  }
0x2ad: {  	[tilespmem:s31], [sflag:$0x2] =	stream.indirect_vreg.gather [hbm4b:s7+s3], $0x80, v3, vm0, $0xb8;
	[tilespmem:$0x18C00] =	vst v63  }
0x2ae: {  	_ =	swait.ge [sflag:s25], $0xC000  }
0x2af: {  	[sflag:s25] =	ssyncset.done $0x0  }
0x2b0: {  	s31 =	rddreg [dreg:$0xb];
	[sflag:s25] =	ssyncadd.s32 $0xFFFF4000  }
0x2b1: {  	[hbm4b:s31+s3] =	stream.linear.scatter [tilespmem:s20], [sflag:$0x3], $0xC000, $0x38;
	[tilespmem:$0x18C00] =	vst v63  }
0x2b2: {  	_ =	swait.ge [sflag:s28], $0xC000  }
0x2b3: {  	[sflag:s28] =	ssyncset.done $0x0  }
0x2b4: {  	[sflag:s28] =	ssyncadd.s32 $0xFFFF4000  }
0x2b5: {  	v3 =	vld [tilespmem:$0x400];
	_ =	sdelay $0x4  }
0x2b6: {  	v32 =	vshrl.u32 v3, $0x3  }
0x2b7: {  	v4 =	vmul.u32 $0x30, v32  }
0x2b8: {  	v3 =	vand.u32 $0x7, v3  }
0x2b9: {  	v3 =	vor.u32 v3, v4  }
0x2ba: {  	v4 =	vperm.xlane v3, v0;
	_ =	sdelay $0x1  }
0x2bb: {  	v4 =	vadd.s32 v1, v4;
	_ =	sdelay $0x3  }
0x2bc: {  	v3 =	vperm.xlane v3, v2  }
0x2bd: {  	[tilespmem:s20], [sflag:$0x1] =	stream.indirect_vreg.gather [hbm4b:s1+s3], $0x80, v4, vm0, $0xb8;
	[tilespmem:$0x18C00] =	vst v63  }
0x2be: {  	s31 =	simm.s32 $0x1400;
	v3 =	vadd.s32 v1, v3  }
0x2bf: {  	[tilespmem:s31], [sflag:$0x1] =	stream.indirect_vreg.gather [hbm4b:s5+s3], $0x80, v4, vm0, $0xb8;
	[tilespmem:$0x18C00] =	vst v63  }
0x2c0: {  	s2 =	simm.s32 $0x1C00  }
0x2c1: {  	[tilespmem:s2], [sflag:$0x1] =	stream.indirect_vreg.gather [hbm4b:s7+s3], $0x80, v4, vm0, $0xb8;
	[tilespmem:$0x18C00] =	vst v63  }
0x2c2: {  	s4 =	simm.s32 $0x2400  }
0x2c3: {  	[tilespmem:s4], [sflag:$0x1] =	stream.indirect_vreg.gather [hbm4b:s1+s3], $0x80, v3, vm0, $0xb8;
	[tilespmem:$0x18C00] =	vst v63  }
0x2c4: {  	s6 =	simm.s32 $0x2C00  }
0x2c5: {  	[tilespmem:s6], [sflag:$0x1] =	stream.indirect_vreg.gather [hbm4b:s5+s3], $0x80, v3, vm0, $0xb8;
	[tilespmem:$0x18C00] =	vst v63  }
0x2c6: {  	s31 =	simm.s32 $0x3400  }
0x2c7: {  	[tilespmem:s31], [sflag:$0x1] =	stream.indirect_vreg.gather [hbm4b:s7+s3], $0x80, v3, vm0, $0xb8;
	[tilespmem:$0x18C00] =	vst v63  }
0x2c8: {  	v3 =	vld [tilespmem:$0x410];
	_ =	sdelay $0x4  }
0x2c9: {  	v33 =	vshrl.u32 v3, $0x3  }
0x2ca: {  	v4 =	vmul.u32 $0x30, v33  }
0x2cb: {  	v3 =	vand.u32 $0x7, v3  }
0x2cc: {  	v3 =	vor.u32 v3, v4  }
0x2cd: {  	v4 =	vperm.xlane v3, v0;
	_ =	sdelay $0x1  }
0x2ce: {  	v4 =	vadd.s32 v1, v4;
	_ =	sdelay $0x3  }
0x2cf: {  	s31 =	simm.s32 $0x3C00;
	v3 =	vperm.xlane v3, v2  }
0x2d0: {  	[tilespmem:s31], [sflag:$0x1] =	stream.indirect_vreg.gather [hbm4b:s1+s3], $0x80, v4, vm0, $0xb8;
	[tilespmem:$0x18C00] =	vst v63  }
0x2d1: {  	s8 =	simm.s32 $0x4400;
	v3 =	vadd.s32 v1, v3  }
0x2d2: {  	[tilespmem:s8], [sflag:$0x1] =	stream.indirect_vreg.gather [hbm4b:s5+s3], $0x80, v4, vm0, $0xb8;
	[tilespmem:$0x18C00] =	vst v63  }
0x2d3: {  	s9 =	simm.s32 $0x4C00  }
0x2d4: {  	[tilespmem:s9], [sflag:$0x1] =	stream.indirect_vreg.gather [hbm4b:s7+s3], $0x80, v4, vm0, $0xb8;
	[tilespmem:$0x18C00] =	vst v63  }
0x2d5: {  	s10 =	simm.s32 $0x5400  }
0x2d6: {  	[tilespmem:s10], [sflag:$0x1] =	stream.indirect_vreg.gather [hbm4b:s1+s3], $0x80, v3, vm0, $0xb8;
	[tilespmem:$0x18C00] =	vst v63  }
0x2d7: {  	s11 =	simm.s32 $0x5C00  }
0x2d8: {  	[tilespmem:s11], [sflag:$0x1] =	stream.indirect_vreg.gather [hbm4b:s5+s3], $0x80, v3, vm0, $0xb8;
	[tilespmem:$0x18C00] =	vst v63  }
0x2d9: {  	s31 =	simm.s32 $0x6400  }
0x2da: {  	[tilespmem:s31], [sflag:$0x1] =	stream.indirect_vreg.gather [hbm4b:s7+s3], $0x80, v3, vm0, $0xb8;
	[tilespmem:$0x18C00] =	vst v63  }
0x2db: {  	v3 =	vld [tilespmem:$0x420];
	_ =	sdelay $0x4  }
0x2dc: {  	v34 =	vshrl.u32 v3, $0x3  }
0x2dd: {  	v4 =	vmul.u32 $0x30, v34  }
0x2de: {  	v3 =	vand.u32 $0x7, v3  }
0x2df: {  	v3 =	vor.u32 v3, v4  }
0x2e0: {  	v4 =	vperm.xlane v3, v0;
	_ =	sdelay $0x1  }
0x2e1: {  	v4 =	vadd.s32 v1, v4;
	_ =	sdelay $0x3  }
0x2e2: {  	s31 =	simm.s32 $0x6C00;
	v3 =	vperm.xlane v3, v2  }
0x2e3: {  	[tilespmem:s31], [sflag:$0x1] =	stream.indirect_vreg.gather [hbm4b:s1+s3], $0x80, v4, vm0, $0xb8;
	[tilespmem:$0x18C00] =	vst v63  }
0x2e4: {  	s12 =	simm.s32 $0x7400;
	v3 =	vadd.s32 v1, v3  }
0x2e5: {  	[tilespmem:s12], [sflag:$0x1] =	stream.indirect_vreg.gather [hbm4b:s5+s3], $0x80, v4, vm0, $0xb8;
	[tilespmem:$0x18C00] =	vst v63  }
0x2e6: {  	s13 =	simm.s32 $0x7C00  }
0x2e7: {  	[tilespmem:s13], [sflag:$0x1] =	stream.indirect_vreg.gather [hbm4b:s7+s3], $0x80, v4, vm0, $0xb8;
	[tilespmem:$0x18C00] =	vst v63  }
0x2e8: {  	s14 =	simm.s32 $0x8400  }
0x2e9: {  	[tilespmem:s14], [sflag:$0x1] =	stream.indirect_vreg.gather [hbm4b:s1+s3], $0x80, v3, vm0, $0xb8;
	[tilespmem:$0x18C00] =	vst v63  }
0x2ea: {  	s15 =	simm.s32 $0x8C00  }
0x2eb: {  	[tilespmem:s15], [sflag:$0x1] =	stream.indirect_vreg.gather [hbm4b:s5+s3], $0x80, v3, vm0, $0xb8;
	[tilespmem:$0x18C00] =	vst v63  }
0x2ec: {  	s31 =	simm.s32 $0x9400  }
0x2ed: {  	[tilespmem:s31], [sflag:$0x1] =	stream.indirect_vreg.gather [hbm4b:s7+s3], $0x80, v3, vm0, $0xb8;
	[tilespmem:$0x18C00] =	vst v63  }
0x2ee: {  	v3 =	vld [tilespmem:$0x430];
	_ =	sdelay $0x4  }
0x2ef: {  	v35 =	vshrl.u32 v3, $0x3  }
0x2f0: {  	v4 =	vmul.u32 $0x30, v35  }
0x2f1: {  	v3 =	vand.u32 $0x7, v3  }
0x2f2: {  	v3 =	vor.u32 v3, v4  }
0x2f3: {  	v4 =	vperm.xlane v3, v0;
	_ =	sdelay $0x1  }
0x2f4: {  	v4 =	vadd.s32 v1, v4;
	_ =	sdelay $0x3  }
0x2f5: {  	s31 =	simm.s32 $0x9C00;
	v3 =	vperm.xlane v3, v2  }
0x2f6: {  	[tilespmem:s31], [sflag:$0x1] =	stream.indirect_vreg.gather [hbm4b:s1+s3], $0x80, v4, vm0, $0xb8;
	[tilespmem:$0x18C00] =	vst v63  }
0x2f7: {  	s16 =	simm.s32 $0xA400;
	v3 =	vadd.s32 v1, v3  }
0x2f8: {  	[tilespmem:s16], [sflag:$0x1] =	stream.indirect_vreg.gather [hbm4b:s5+s3], $0x80, v4, vm0, $0xb8;
	[tilespmem:$0x18C00] =	vst v63  }
0x2f9: {  	s17 =	simm.s32 $0xAC00  }
0x2fa: {  	[tilespmem:s17], [sflag:$0x1] =	stream.indirect_vreg.gather [hbm4b:s7+s3], $0x80, v4, vm0, $0xb8;
	[tilespmem:$0x18C00] =	vst v63  }
0x2fb: {  	s18 =	simm.s32 $0xB400  }
0x2fc: {  	[tilespmem:s18], [sflag:$0x1] =	stream.indirect_vreg.gather [hbm4b:s1+s3], $0x80, v3, vm0, $0xb8;
	[tilespmem:$0x18C00] =	vst v63  }
0x2fd: {  	s19 =	simm.s32 $0xBC00  }
0x2fe: {  	[tilespmem:s19], [sflag:$0x1] =	stream.indirect_vreg.gather [hbm4b:s5+s3], $0x80, v3, vm0, $0xb8;
	[tilespmem:$0x18C00] =	vst v63  }
0x2ff: {  	s31 =	simm.s32 $0xC400  }
0x300: {  	[tilespmem:s31], [sflag:$0x1] =	stream.indirect_vreg.gather [hbm4b:s7+s3], $0x80, v3, vm0, $0xb8;
	[tilespmem:$0x18C00] =	vst v63  }
0x301: {  	_ =	swait.ge [sflag:s29], $0xC000  }
0x302: {  	[sflag:s29] =	ssyncset.done $0x0  }
0x303: {  	s2 =	rddreg [dreg:$0xc];
	[sflag:s29] =	ssyncadd.s32 $0xFFFF4000  }
0x304: {  	[hbm4b:s2+s3] =	stream.linear.scatter [tilespmem:s26], [sflag:$0x4], $0xC000, $0x38;
	[tilespmem:$0x18C00] =	vst v63  }
0x305: {  	_ =	swait.ge [sflag:s30], $0xC000  }
0x306: {  	[sflag:s30] =	ssyncset.done $0x0  }
0x307: {  	[sflag:s30] =	ssyncadd.s32 $0xFFFF4000  }
0x308: {  	v3 =	vld [tilespmem:$0x480];
	_ =	sdelay $0x4  }
0x309: {  	v36 =	vshrl.u32 v3, $0x3  }
0x30a: {  	v4 =	vmul.u32 $0x30, v36  }
0x30b: {  	v3 =	vand.u32 $0x7, v3  }
0x30c: {  	v3 =	vor.u32 v3, v4  }
0x30d: {  	v4 =	vperm.xlane v3, v0;
	_ =	sdelay $0x1  }
0x30e: {  	v4 =	vadd.s32 v1, v4;
	_ =	sdelay $0x3  }
0x30f: {  	v3 =	vperm.xlane v3, v2  }
0x310: {  	[tilespmem:s26], [sflag:$0x2] =	stream.indirect_vreg.gather [hbm4b:s1+s3], $0x80, v4, vm0, $0xb8;
	[tilespmem:$0x18C00] =	vst v63  }
0x311: {  	s21 =	simm.s32 $0xD400;
	v3 =	vadd.s32 v1, v3  }
0x312: {  	[tilespmem:s21], [sflag:$0x2] =	stream.indirect_vreg.gather [hbm4b:s5+s3], $0x80, v4, vm0, $0xb8;
	[tilespmem:$0x18C00] =	vst v63  }
0x313: {  	s0 =	simm.s32 $0xDC00  }
0x314: {  	[tilespmem:s0], [sflag:$0x2] =	stream.indirect_vreg.gather [hbm4b:s7+s3], $0x80, v4, vm0, $0xb8;
	[tilespmem:$0x18C00] =	vst v63  }
0x315: {  	s31 =	simm.s32 $0xE400  }
0x316: {  	[tilespmem:s31], [sflag:$0x2] =	stream.indirect_vreg.gather [hbm4b:s1+s3], $0x80, v3, vm0, $0xb8;
	[tilespmem:$0x18C00] =	vst v63  }
0x317: {  	s31 =	simm.s32 $0xEC00  }
0x318: {  	[tilespmem:s31], [sflag:$0x2] =	stream.indirect_vreg.gather [hbm4b:s5+s3], $0x80, v3, vm0, $0xb8;
	[tilespmem:$0x18C00] =	vst v63  }
0x319: {  	s31 =	simm.s32 $0xF400  }
0x31a: {  	[tilespmem:s31], [sflag:$0x2] =	stream.indirect_vreg.gather [hbm4b:s7+s3], $0x80, v3, vm0, $0xb8;
	[tilespmem:$0x18C00] =	vst v63  }
0x31b: {  	v3 =	vld [tilespmem:$0x490];
	_ =	sdelay $0x4  }
0x31c: {  	v37 =	vshrl.u32 v3, $0x3  }
0x31d: {  	v4 =	vmul.u32 $0x30, v37  }
0x31e: {  	v3 =	vand.u32 $0x7, v3  }
0x31f: {  	v3 =	vor.u32 v3, v4  }
0x320: {  	v4 =	vperm.xlane v3, v0;
	_ =	sdelay $0x1  }
0x321: {  	v4 =	vadd.s32 v1, v4;
	_ =	sdelay $0x3  }
0x322: {  	s31 =	simm.s32 $0xFC00;
	v3 =	vperm.xlane v3, v2  }
0x323: {  	[tilespmem:s31], [sflag:$0x2] =	stream.indirect_vreg.gather [hbm4b:s1+s3], $0x80, v4, vm0, $0xb8;
	[tilespmem:$0x18C00] =	vst v63  }
0x324: {  	s24 =	simm.s32 $0x10400;
	v3 =	vadd.s32 v1, v3  }
0x325: {  	[tilespmem:s24], [sflag:$0x2] =	stream.indirect_vreg.gather [hbm4b:s5+s3], $0x80, v4, vm0, $0xb8;
	[tilespmem:$0x18C00] =	vst v63  }
0x326: {  	s31 =	simm.s32 $0x10C00  }
0x327: {  	[tilespmem:s31], [sflag:$0x2] =	stream.indirect_vreg.gather [hbm4b:s7+s3], $0x80, v4, vm0, $0xb8;
	[tilespmem:$0x18C00] =	vst v63  }
0x328: {  	s31 =	simm.s32 $0x11400  }
0x329: {  	[tilespmem:s31], [sflag:$0x2] =	stream.indirect_vreg.gather [hbm4b:s1+s3], $0x80, v3, vm0, $0xb8;
	[tilespmem:$0x18C00] =	vst v63  }
0x32a: {  	s31 =	simm.s32 $0x11C00  }
0x32b: {  	[tilespmem:s31], [sflag:$0x2] =	stream.indirect_vreg.gather [hbm4b:s5+s3], $0x80, v3, vm0, $0xb8;
	[tilespmem:$0x18C00] =	vst v63  }
0x32c: {  	s31 =	simm.s32 $0x12400  }
0x32d: {  	[tilespmem:s31], [sflag:$0x2] =	stream.indirect_vreg.gather [hbm4b:s7+s3], $0x80, v3, vm0, $0xb8;
	[tilespmem:$0x18C00] =	vst v63  }
0x32e: {  	v3 =	vld [tilespmem:$0x4A0];
	_ =	sdelay $0x4  }
0x32f: {  	v38 =	vshrl.u32 v3, $0x3  }
0x330: {  	v4 =	vmul.u32 $0x30, v38  }
0x331: {  	v3 =	vand.u32 $0x7, v3  }
0x332: {  	v3 =	vor.u32 v3, v4  }
0x333: {  	v4 =	vperm.xlane v3, v0;
	_ =	sdelay $0x1  }
0x334: {  	v4 =	vadd.s32 v1, v4;
	_ =	sdelay $0x3  }
0x335: {  	s31 =	simm.s32 $0x12C00;
	v3 =	vperm.xlane v3, v2  }
0x336: {  	[tilespmem:s31], [sflag:$0x2] =	stream.indirect_vreg.gather [hbm4b:s1+s3], $0x80, v4, vm0, $0xb8;
	[tilespmem:$0x18C00] =	vst v63  }
0x337: {  	s22 =	simm.s32 $0x13400;
	v3 =	vadd.s32 v1, v3  }
0x338: {  	[tilespmem:s22], [sflag:$0x2] =	stream.indirect_vreg.gather [hbm4b:s5+s3], $0x80, v4, vm0, $0xb8;
	[tilespmem:$0x18C00] =	vst v63  }
0x339: {  	s23 =	simm.s32 $0x13C00  }
0x33a: {  	[tilespmem:s23], [sflag:$0x2] =	stream.indirect_vreg.gather [hbm4b:s7+s3], $0x80, v4, vm0, $0xb8;
	[tilespmem:$0x18C00] =	vst v63  }
0x33b: {  	s31 =	simm.s32 $0x14400  }
0x33c: {  	[tilespmem:s31], [sflag:$0x2] =	stream.indirect_vreg.gather [hbm4b:s1+s3], $0x80, v3, vm0, $0xb8;
	[tilespmem:$0x18C00] =	vst v63  }
0x33d: {  	s31 =	simm.s32 $0x14C00  }
0x33e: {  	[tilespmem:s31], [sflag:$0x2] =	stream.indirect_vreg.gather [hbm4b:s5+s3], $0x80, v3, vm0, $0xb8;
	[tilespmem:$0x18C00] =	vst v63  }
0x33f: {  	s31 =	simm.s32 $0x15400  }
0x340: {  	[tilespmem:s31], [sflag:$0x2] =	stream.indirect_vreg.gather [hbm4b:s7+s3], $0x80, v3, vm0, $0xb8;
	[tilespmem:$0x18C00] =	vst v63  }
0x341: {  	v3 =	vld [tilespmem:$0x4B0];
	_ =	sdelay $0x4  }
0x342: {  	v39 =	vshrl.u32 v3, $0x3  }
0x343: {  	v4 =	vmul.u32 $0x30, v39  }
0x344: {  	v3 =	vand.u32 $0x7, v3  }
0x345: {  	v3 =	vor.u32 v3, v4  }
0x346: {  	v4 =	vperm.xlane v3, v0;
	_ =	sdelay $0x1  }
0x347: {  	v4 =	vadd.s32 v1, v4;
	_ =	sdelay $0x3  }
0x348: {  	s31 =	simm.s32 $0x15C00;
	v3 =	vperm.xlane v3, v2  }
0x349: {  	[tilespmem:s31], [sflag:$0x2] =	stream.indirect_vreg.gather [hbm4b:s1+s3], $0x80, v4, vm0, $0xb8;
	[tilespmem:$0x18C00] =	vst v63  }
0x34a: {  	v3 =	vadd.s32 v1, v3;
	s31 =	simm.s32 $0x16400  }
0x34b: {  	[tilespmem:s31], [sflag:$0x2] =	stream.indirect_vreg.gather [hbm4b:s5+s3], $0x80, v4, vm0, $0xb8;
	[tilespmem:$0x18C00] =	vst v63  }
0x34c: {  	s31 =	simm.s32 $0x16C00  }
0x34d: {  	[tilespmem:s31], [sflag:$0x2] =	stream.indirect_vreg.gather [hbm4b:s7+s3], $0x80, v4, vm0, $0xb8;
	[tilespmem:$0x18C00] =	vst v63  }
0x34e: {  	s31 =	simm.s32 $0x17400  }
0x34f: {  	[tilespmem:s31], [sflag:$0x2] =	stream.indirect_vreg.gather [hbm4b:s1+s3], $0x80, v3, vm0, $0xb8;
	[tilespmem:$0x18C00] =	vst v63  }
0x350: {  	s31 =	simm.s32 $0x17C00  }
0x351: {  	[tilespmem:s31], [sflag:$0x2] =	stream.indirect_vreg.gather [hbm4b:s5+s3], $0x80, v3, vm0, $0xb8;
	[tilespmem:$0x18C00] =	vst v63  }
0x352: {  	s31 =	simm.s32 $0x18400  }
0x353: {  	[tilespmem:s31], [sflag:$0x2] =	stream.indirect_vreg.gather [hbm4b:s7+s3], $0x80, v3, vm0, $0xb8;
	[tilespmem:$0x18C00] =	vst v63  }
0x354: {  	_ =	swait.ge [sflag:s25], $0xC000  }
0x355: {  	[sflag:s25] =	ssyncset.done $0x0  }
0x356: {  	s31 =	rddreg [dreg:$0xd];
	[sflag:s25] =	ssyncadd.s32 $0xFFFF4000  }
0x357: {  	[hbm4b:s31+s3] =	stream.linear.scatter [tilespmem:s20], [sflag:$0x3], $0xC000, $0x38;
	[tilespmem:$0x18C00] =	vst v63  }
0x358: {  	_ =	swait.ge [sflag:s28], $0xC000  }
0x359: {  	[sflag:s28] =	ssyncset.done $0x0  }
0x35a: {  	[sflag:s28] =	ssyncadd.s32 $0xFFFF4000  }
0x35b: {  	v3 =	vld [tilespmem:$0x500];
	_ =	sdelay $0x4  }
0x35c: {  	v40 =	vshrl.u32 v3, $0x3  }
0x35d: {  	v4 =	vmul.u32 $0x30, v40  }
0x35e: {  	v3 =	vand.u32 $0x7, v3  }
0x35f: {  	v3 =	vor.u32 v3, v4  }
0x360: {  	v4 =	vperm.xlane v3, v0;
	_ =	sdelay $0x1  }
0x361: {  	v4 =	vadd.s32 v1, v4;
	_ =	sdelay $0x3  }
0x362: {  	v3 =	vperm.xlane v3, v2  }
0x363: {  	[tilespmem:s20], [sflag:$0x1] =	stream.indirect_vreg.gather [hbm4b:s1+s3], $0x80, v4, vm0, $0xb8;
	[tilespmem:$0x18C00] =	vst v63  }
0x364: {  	s31 =	simm.s32 $0x1400;
	v3 =	vadd.s32 v1, v3  }
0x365: {  	[tilespmem:s31], [sflag:$0x1] =	stream.indirect_vreg.gather [hbm4b:s5+s3], $0x80, v4, vm0, $0xb8;
	[tilespmem:$0x18C00] =	vst v63  }
0x366: {  	s31 =	simm.s32 $0x1C00  }
0x367: {  	[tilespmem:s31], [sflag:$0x1] =	stream.indirect_vreg.gather [hbm4b:s7+s3], $0x80, v4, vm0, $0xb8;
	[tilespmem:$0x18C00] =	vst v63  }
0x368: {  	s4 =	simm.s32 $0x2400  }
0x369: {  	[tilespmem:s4], [sflag:$0x1] =	stream.indirect_vreg.gather [hbm4b:s1+s3], $0x80, v3, vm0, $0xb8;
	[tilespmem:$0x18C00] =	vst v63  }
0x36a: {  	s6 =	simm.s32 $0x2C00  }
0x36b: {  	[tilespmem:s6], [sflag:$0x1] =	stream.indirect_vreg.gather [hbm4b:s5+s3], $0x80, v3, vm0, $0xb8;
	[tilespmem:$0x18C00] =	vst v63  }
0x36c: {  	s31 =	simm.s32 $0x3400  }
0x36d: {  	[tilespmem:s31], [sflag:$0x1] =	stream.indirect_vreg.gather [hbm4b:s7+s3], $0x80, v3, vm0, $0xb8;
	[tilespmem:$0x18C00] =	vst v63  }
0x36e: {  	v3 =	vld [tilespmem:$0x510];
	_ =	sdelay $0x4  }
0x36f: {  	v41 =	vshrl.u32 v3, $0x3  }
0x370: {  	v4 =	vmul.u32 $0x30, v41  }
0x371: {  	v3 =	vand.u32 $0x7, v3  }
0x372: {  	v3 =	vor.u32 v3, v4  }
0x373: {  	v4 =	vperm.xlane v3, v0;
	_ =	sdelay $0x1  }
0x374: {  	v4 =	vadd.s32 v1, v4;
	_ =	sdelay $0x3  }
0x375: {  	s6 =	simm.s32 $0x3C00;
	v3 =	vperm.xlane v3, v2  }
0x376: {  	[tilespmem:s6], [sflag:$0x1] =	stream.indirect_vreg.gather [hbm4b:s1+s3], $0x80, v4, vm0, $0xb8;
	[tilespmem:$0x18C00] =	vst v63  }
0x377: {  	s8 =	simm.s32 $0x4400;
	v3 =	vadd.s32 v1, v3  }
0x378: {  	[tilespmem:s8], [sflag:$0x1] =	stream.indirect_vreg.gather [hbm4b:s5+s3], $0x80, v4, vm0, $0xb8;
	[tilespmem:$0x18C00] =	vst v63  }
0x379: {  	s9 =	simm.s32 $0x4C00  }
0x37a: {  	[tilespmem:s9], [sflag:$0x1] =	stream.indirect_vreg.gather [hbm4b:s7+s3], $0x80, v4, vm0, $0xb8;
	[tilespmem:$0x18C00] =	vst v63  }
0x37b: {  	s10 =	simm.s32 $0x5400  }
0x37c: {  	[tilespmem:s10], [sflag:$0x1] =	stream.indirect_vreg.gather [hbm4b:s1+s3], $0x80, v3, vm0, $0xb8;
	[tilespmem:$0x18C00] =	vst v63  }
0x37d: {  	s11 =	simm.s32 $0x5C00  }
0x37e: {  	[tilespmem:s11], [sflag:$0x1] =	stream.indirect_vreg.gather [hbm4b:s5+s3], $0x80, v3, vm0, $0xb8;
	[tilespmem:$0x18C00] =	vst v63  }
0x37f: {  	s10 =	simm.s32 $0x6400  }
0x380: {  	[tilespmem:s10], [sflag:$0x1] =	stream.indirect_vreg.gather [hbm4b:s7+s3], $0x80, v3, vm0, $0xb8;
	[tilespmem:$0x18C00] =	vst v63  }
0x381: {  	v3 =	vld [tilespmem:$0x520];
	_ =	sdelay $0x4  }
0x382: {  	v42 =	vshrl.u32 v3, $0x3  }
0x383: {  	v4 =	vmul.u32 $0x30, v42  }
0x384: {  	v3 =	vand.u32 $0x7, v3  }
0x385: {  	v3 =	vor.u32 v3, v4  }
0x386: {  	v4 =	vperm.xlane v3, v0;
	_ =	sdelay $0x1  }
0x387: {  	v4 =	vadd.s32 v1, v4;
	_ =	sdelay $0x3  }
0x388: {  	s11 =	simm.s32 $0x6C00;
	v3 =	vperm.xlane v3, v2  }
0x389: {  	[tilespmem:s11], [sflag:$0x1] =	stream.indirect_vreg.gather [hbm4b:s1+s3], $0x80, v4, vm0, $0xb8;
	[tilespmem:$0x18C00] =	vst v63  }
0x38a: {  	s12 =	simm.s32 $0x7400;
	v3 =	vadd.s32 v1, v3  }
0x38b: {  	[tilespmem:s12], [sflag:$0x1] =	stream.indirect_vreg.gather [hbm4b:s5+s3], $0x80, v4, vm0, $0xb8;
	[tilespmem:$0x18C00] =	vst v63  }
0x38c: {  	s13 =	simm.s32 $0x7C00  }
0x38d: {  	[tilespmem:s13], [sflag:$0x1] =	stream.indirect_vreg.gather [hbm4b:s7+s3], $0x80, v4, vm0, $0xb8;
	[tilespmem:$0x18C00] =	vst v63  }
0x38e: {  	s14 =	simm.s32 $0x8400  }
0x38f: {  	[tilespmem:s14], [sflag:$0x1] =	stream.indirect_vreg.gather [hbm4b:s1+s3], $0x80, v3, vm0, $0xb8;
	[tilespmem:$0x18C00] =	vst v63  }
0x390: {  	s15 =	simm.s32 $0x8C00  }
0x391: {  	[tilespmem:s15], [sflag:$0x1] =	stream.indirect_vreg.gather [hbm4b:s5+s3], $0x80, v3, vm0, $0xb8;
	[tilespmem:$0x18C00] =	vst v63  }
0x392: {  	s12 =	simm.s32 $0x9400  }
0x393: {  	[tilespmem:s12], [sflag:$0x1] =	stream.indirect_vreg.gather [hbm4b:s7+s3], $0x80, v3, vm0, $0xb8;
	[tilespmem:$0x18C00] =	vst v63  }
0x394: {  	v3 =	vld [tilespmem:$0x530];
	_ =	sdelay $0x4  }
0x395: {  	v43 =	vshrl.u32 v3, $0x3  }
0x396: {  	v4 =	vmul.u32 $0x30, v43  }
0x397: {  	v3 =	vand.u32 $0x7, v3  }
0x398: {  	v3 =	vor.u32 v3, v4  }
0x399: {  	v4 =	vperm.xlane v3, v0;
	_ =	sdelay $0x1  }
0x39a: {  	v4 =	vadd.s32 v1, v4;
	_ =	sdelay $0x3  }
0x39b: {  	s13 =	simm.s32 $0x9C00;
	v3 =	vperm.xlane v3, v2  }
0x39c: {  	[tilespmem:s13], [sflag:$0x1] =	stream.indirect_vreg.gather [hbm4b:s1+s3], $0x80, v4, vm0, $0xb8;
	[tilespmem:$0x18C00] =	vst v63  }
0x39d: {  	s16 =	simm.s32 $0xA400;
	v3 =	vadd.s32 v1, v3  }
0x39e: {  	[tilespmem:s16], [sflag:$0x1] =	stream.indirect_vreg.gather [hbm4b:s5+s3], $0x80, v4, vm0, $0xb8;
	[tilespmem:$0x18C00] =	vst v63  }
0x39f: {  	s17 =	simm.s32 $0xAC00  }
0x3a0: {  	[tilespmem:s17], [sflag:$0x1] =	stream.indirect_vreg.gather [hbm4b:s7+s3], $0x80, v4, vm0, $0xb8;
	[tilespmem:$0x18C00] =	vst v63  }
0x3a1: {  	s18 =	simm.s32 $0xB400  }
0x3a2: {  	[tilespmem:s18], [sflag:$0x1] =	stream.indirect_vreg.gather [hbm4b:s1+s3], $0x80, v3, vm0, $0xb8;
	[tilespmem:$0x18C00] =	vst v63  }
0x3a3: {  	s19 =	simm.s32 $0xBC00  }
0x3a4: {  	[tilespmem:s19], [sflag:$0x1] =	stream.indirect_vreg.gather [hbm4b:s5+s3], $0x80, v3, vm0, $0xb8;
	[tilespmem:$0x18C00] =	vst v63  }
0x3a5: {  	s14 =	simm.s32 $0xC400  }
0x3a6: {  	[tilespmem:s14], [sflag:$0x1] =	stream.indirect_vreg.gather [hbm4b:s7+s3], $0x80, v3, vm0, $0xb8;
	[tilespmem:$0x18C00] =	vst v63  }
0x3a7: {  	_ =	swait.ge [sflag:s29], $0xC000  }
0x3a8: {  	[sflag:s29] =	ssyncset.done $0x0  }
0x3a9: {  	s15 =	rddreg [dreg:$0xe];
	[sflag:s29] =	ssyncadd.s32 $0xFFFF4000  }
0x3aa: {  	[hbm4b:s15+s3] =	stream.linear.scatter [tilespmem:s26], [sflag:$0x4], $0xC000, $0x38;
	[tilespmem:$0x18C00] =	vst v63  }
0x3ab: {  	_ =	swait.ge [sflag:s30], $0xC000  }
0x3ac: {  	[sflag:s30] =	ssyncset.done $0x0  }
0x3ad: {  	[sflag:s30] =	ssyncadd.s32 $0xFFFF4000  }
0x3ae: {  	v3 =	vld [tilespmem:$0x580];
	_ =	sdelay $0x4  }
0x3af: {  	v44 =	vshrl.u32 v3, $0x3  }
0x3b0: {  	v4 =	vmul.u32 $0x30, v44  }
0x3b1: {  	v3 =	vand.u32 $0x7, v3  }
0x3b2: {  	v3 =	vor.u32 v3, v4  }
0x3b3: {  	v4 =	vperm.xlane v3, v0;
	_ =	sdelay $0x1  }
0x3b4: {  	v4 =	vadd.s32 v1, v4;
	_ =	sdelay $0x3  }
0x3b5: {  	v3 =	vperm.xlane v3, v2  }
0x3b6: {  	[tilespmem:s26], [sflag:$0x2] =	stream.indirect_vreg.gather [hbm4b:s1+s3], $0x80, v4, vm0, $0xb8;
	[tilespmem:$0x18C00] =	vst v63  }
0x3b7: {  	s21 =	simm.s32 $0xD400;
	v3 =	vadd.s32 v1, v3  }
0x3b8: {  	[tilespmem:s21], [sflag:$0x2] =	stream.indirect_vreg.gather [hbm4b:s5+s3], $0x80, v4, vm0, $0xb8;
	[tilespmem:$0x18C00] =	vst v63  }
0x3b9: {  	s2 =	simm.s32 $0xDC00  }
0x3ba: {  	[tilespmem:s2], [sflag:$0x2] =	stream.indirect_vreg.gather [hbm4b:s7+s3], $0x80, v4, vm0, $0xb8;
	[tilespmem:$0x18C00] =	vst v63  }
0x3bb: {  	s0 =	simm.s32 $0xE400  }
0x3bc: {  	[tilespmem:s0], [sflag:$0x2] =	stream.indirect_vreg.gather [hbm4b:s1+s3], $0x80, v3, vm0, $0xb8;
	[tilespmem:$0x18C00] =	vst v63  }
0x3bd: {  	s16 =	simm.s32 $0xEC00  }
0x3be: {  	[tilespmem:s16], [sflag:$0x2] =	stream.indirect_vreg.gather [hbm4b:s5+s3], $0x80, v3, vm0, $0xb8;
	[tilespmem:$0x18C00] =	vst v63  }
0x3bf: {  	s17 =	simm.s32 $0xF400  }
0x3c0: {  	[tilespmem:s17], [sflag:$0x2] =	stream.indirect_vreg.gather [hbm4b:s7+s3], $0x80, v3, vm0, $0xb8;
	[tilespmem:$0x18C00] =	vst v63  }
0x3c1: {  	v3 =	vld [tilespmem:$0x590];
	_ =	sdelay $0x4  }
0x3c2: {  	v45 =	vshrl.u32 v3, $0x3  }
0x3c3: {  	v4 =	vmul.u32 $0x30, v45  }
0x3c4: {  	v3 =	vand.u32 $0x7, v3  }
0x3c5: {  	v3 =	vor.u32 v3, v4  }
0x3c6: {  	v4 =	vperm.xlane v3, v0;
	_ =	sdelay $0x1  }
0x3c7: {  	v4 =	vadd.s32 v1, v4;
	_ =	sdelay $0x3  }
0x3c8: {  	s18 =	simm.s32 $0xFC00;
	v3 =	vperm.xlane v3, v2  }
0x3c9: {  	[tilespmem:s18], [sflag:$0x2] =	stream.indirect_vreg.gather [hbm4b:s1+s3], $0x80, v4, vm0, $0xb8;
	[tilespmem:$0x18C00] =	vst v63  }
0x3ca: {  	s24 =	simm.s32 $0x10400;
	v3 =	vadd.s32 v1, v3  }
0x3cb: {  	[tilespmem:s24], [sflag:$0x2] =	stream.indirect_vreg.gather [hbm4b:s5+s3], $0x80, v4, vm0, $0xb8;
	[tilespmem:$0x18C00] =	vst v63  }
0x3cc: {  	s19 =	simm.s32 $0x10C00  }
0x3cd: {  	[tilespmem:s19], [sflag:$0x2] =	stream.indirect_vreg.gather [hbm4b:s7+s3], $0x80, v4, vm0, $0xb8;
	[tilespmem:$0x18C00] =	vst v63  }
0x3ce: {  	s21 =	simm.s32 $0x11400  }
0x3cf: {  	[tilespmem:s21], [sflag:$0x2] =	stream.indirect_vreg.gather [hbm4b:s1+s3], $0x80, v3, vm0, $0xb8;
	[tilespmem:$0x18C00] =	vst v63  }
0x3d0: {  	s24 =	simm.s32 $0x11C00  }
0x3d1: {  	[tilespmem:s24], [sflag:$0x2] =	stream.indirect_vreg.gather [hbm4b:s5+s3], $0x80, v3, vm0, $0xb8;
	[tilespmem:$0x18C00] =	vst v63  }
0x3d2: {  	s31 =	simm.s32 $0x12400  }
0x3d3: {  	[tilespmem:s31], [sflag:$0x2] =	stream.indirect_vreg.gather [hbm4b:s7+s3], $0x80, v3, vm0, $0xb8;
	[tilespmem:$0x18C00] =	vst v63  }
0x3d4: {  	v3 =	vld [tilespmem:$0x5A0];
	_ =	sdelay $0x4  }
0x3d5: {  	v46 =	vshrl.u32 v3, $0x3  }
0x3d6: {  	v4 =	vmul.u32 $0x30, v46  }
0x3d7: {  	v3 =	vand.u32 $0x7, v3  }
0x3d8: {  	v3 =	vor.u32 v3, v4  }
0x3d9: {  	v4 =	vperm.xlane v3, v0;
	_ =	sdelay $0x1  }
0x3da: {  	v4 =	vadd.s32 v1, v4;
	_ =	sdelay $0x3  }
0x3db: {  	s2 =	simm.s32 $0x12C00;
	v3 =	vperm.xlane v3, v2  }
0x3dc: {  	[tilespmem:s2], [sflag:$0x2] =	stream.indirect_vreg.gather [hbm4b:s1+s3], $0x80, v4, vm0, $0xb8;
	[tilespmem:$0x18C00] =	vst v63  }
0x3dd: {  	s22 =	simm.s32 $0x13400;
	v3 =	vadd.s32 v1, v3  }
0x3de: {  	[tilespmem:s22], [sflag:$0x2] =	stream.indirect_vreg.gather [hbm4b:s5+s3], $0x80, v4, vm0, $0xb8;
	[tilespmem:$0x18C00] =	vst v63  }
0x3df: {  	s23 =	simm.s32 $0x13C00  }
0x3e0: {  	[tilespmem:s23], [sflag:$0x2] =	stream.indirect_vreg.gather [hbm4b:s7+s3], $0x80, v4, vm0, $0xb8;
	[tilespmem:$0x18C00] =	vst v63  }
0x3e1: {  	s6 =	simm.s32 $0x14400  }
0x3e2: {  	[tilespmem:s6], [sflag:$0x2] =	stream.indirect_vreg.gather [hbm4b:s1+s3], $0x80, v3, vm0, $0xb8;
	[tilespmem:$0x18C00] =	vst v63  }
0x3e3: {  	s8 =	simm.s32 $0x14C00  }
0x3e4: {  	[tilespmem:s8], [sflag:$0x2] =	stream.indirect_vreg.gather [hbm4b:s5+s3], $0x80, v3, vm0, $0xb8;
	[tilespmem:$0x18C00] =	vst v63  }
0x3e5: {  	s9 =	simm.s32 $0x15400  }
0x3e6: {  	[tilespmem:s9], [sflag:$0x2] =	stream.indirect_vreg.gather [hbm4b:s7+s3], $0x80, v3, vm0, $0xb8;
	[tilespmem:$0x18C00] =	vst v63  }
0x3e7: {  	v3 =	vld [tilespmem:$0x5B0];
	_ =	sdelay $0x4  }
0x3e8: {  	v47 =	vshrl.u32 v3, $0x3  }
0x3e9: {  	v4 =	vmul.u32 $0x30, v47  }
0x3ea: {  	v3 =	vand.u32 $0x7, v3  }
0x3eb: {  	v3 =	vor.u32 v3, v4  }
0x3ec: {  	v4 =	vperm.xlane v3, v0;
	_ =	sdelay $0x1  }
0x3ed: {  	v4 =	vadd.s32 v1, v4;
	_ =	sdelay $0x3  }
0x3ee: {  	s10 =	simm.s32 $0x15C00;
	v3 =	vperm.xlane v3, v2  }
0x3ef: {  	[tilespmem:s10], [sflag:$0x2] =	stream.indirect_vreg.gather [hbm4b:s1+s3], $0x80, v4, vm0, $0xb8;
	[tilespmem:$0x18C00] =	vst v63  }
0x3f0: {  	s11 =	simm.s32 $0x16400;
	v3 =	vadd.s32 v1, v3  }
0x3f1: {  	[tilespmem:s11], [sflag:$0x2] =	stream.indirect_vreg.gather [hbm4b:s5+s3], $0x80, v4, vm0, $0xb8;
	[tilespmem:$0x18C00] =	vst v63  }
0x3f2: {  	s12 =	simm.s32 $0x16C00  }
0x3f3: {  	[tilespmem:s12], [sflag:$0x2] =	stream.indirect_vreg.gather [hbm4b:s7+s3], $0x80, v4, vm0, $0xb8;
	[tilespmem:$0x18C00] =	vst v63  }
0x3f4: {  	s13 =	simm.s32 $0x17400  }
0x3f5: {  	[tilespmem:s13], [sflag:$0x2] =	stream.indirect_vreg.gather [hbm4b:s1+s3], $0x80, v3, vm0, $0xb8;
	[tilespmem:$0x18C00] =	vst v63  }
0x3f6: {  	s14 =	simm.s32 $0x17C00  }
0x3f7: {  	[tilespmem:s14], [sflag:$0x2] =	stream.indirect_vreg.gather [hbm4b:s5+s3], $0x80, v3, vm0, $0xb8;
	[tilespmem:$0x18C00] =	vst v63  }
0x3f8: {  	s15 =	simm.s32 $0x18400  }
0x3f9: {  	[tilespmem:s15], [sflag:$0x2] =	stream.indirect_vreg.gather [hbm4b:s7+s3], $0x80, v3, vm0, $0xb8;
	[tilespmem:$0x18C00] =	vst v63  }
0x3fa: {  	_ =	swait.ge [sflag:s25], $0xC000  }
0x3fb: {  	[sflag:s25] =	ssyncset.done $0x0  }
0x3fc: {  	s16 =	rddreg [dreg:$0xf];
	[sflag:s25] =	ssyncadd.s32 $0xFFFF4000  }
0x3fd: {  	[hbm4b:s16+s3] =	stream.linear.scatter [tilespmem:s20], [sflag:$0x3], $0xC000, $0x38;
	[tilespmem:$0x18C00] =	vst v63  }
0x3fe: {  	_ =	swait.ge [sflag:s28], $0xC000  }
0x3ff: {  	[sflag:s28] =	ssyncset.done $0x0  }
0x400: {  	[sflag:s28] =	ssyncadd.s32 $0xFFFF4000  }
0x401: {  	v3 =	vld [tilespmem:$0x600];
	_ =	sdelay $0x4  }
0x402: {  	v48 =	vshrl.u32 v3, $0x3  }
0x403: {  	v4 =	vmul.u32 $0x30, v48  }
0x404: {  	v3 =	vand.u32 $0x7, v3  }
0x405: {  	v3 =	vor.u32 v3, v4  }
0x406: {  	v4 =	vperm.xlane v3, v0;
	_ =	sdelay $0x1  }
0x407: {  	v4 =	vadd.s32 v1, v4;
	_ =	sdelay $0x3  }
0x408: {  	v3 =	vperm.xlane v3, v2  }
0x409: {  	[tilespmem:s20], [sflag:$0x1] =	stream.indirect_vreg.gather [hbm4b:s1+s3], $0x80, v4, vm0, $0xb8;
	[tilespmem:$0x18C00] =	vst v63  }
0x40a: {  	s17 =	simm.s32 $0x1400;
	v3 =	vadd.s32 v1, v3  }
0x40b: {  	[tilespmem:s17], [sflag:$0x1] =	stream.indirect_vreg.gather [hbm4b:s5+s3], $0x80, v4, vm0, $0xb8;
	[tilespmem:$0x18C00] =	vst v63  }
0x40c: {  	s18 =	simm.s32 $0x1C00  }
0x40d: {  	[tilespmem:s18], [sflag:$0x1] =	stream.indirect_vreg.gather [hbm4b:s7+s3], $0x80, v4, vm0, $0xb8;
	[tilespmem:$0x18C00] =	vst v63  }
0x40e: {  	s19 =	simm.s32 $0x2400  }
0x40f: {  	[tilespmem:s19], [sflag:$0x1] =	stream.indirect_vreg.gather [hbm4b:s1+s3], $0x80, v3, vm0, $0xb8;
	[tilespmem:$0x18C00] =	vst v63  }
0x410: {  	s20 =	simm.s32 $0x2C00  }
0x411: {  	[tilespmem:s20], [sflag:$0x1] =	stream.indirect_vreg.gather [hbm4b:s5+s3], $0x80, v3, vm0, $0xb8;
	[tilespmem:$0x18C00] =	vst v63  }
0x412: {  	s21 =	simm.s32 $0x3400  }
0x413: {  	[tilespmem:s21], [sflag:$0x1] =	stream.indirect_vreg.gather [hbm4b:s7+s3], $0x80, v3, vm0, $0xb8;
	[tilespmem:$0x18C00] =	vst v63  }
0x414: {  	v3 =	vld [tilespmem:$0x610];
	_ =	sdelay $0x4  }
0x415: {  	v49 =	vshrl.u32 v3, $0x3  }
0x416: {  	v4 =	vmul.u32 $0x30, v49  }
0x417: {  	v3 =	vand.u32 $0x7, v3  }
0x418: {  	v3 =	vor.u32 v3, v4  }
0x419: {  	v4 =	vperm.xlane v3, v0;
	_ =	sdelay $0x1  }
0x41a: {  	v4 =	vadd.s32 v1, v4;
	_ =	sdelay $0x3  }
0x41b: {  	s22 =	simm.s32 $0x3C00;
	v3 =	vperm.xlane v3, v2  }
0x41c: {  	[tilespmem:s22], [sflag:$0x1] =	stream.indirect_vreg.gather [hbm4b:s1+s3], $0x80, v4, vm0, $0xb8;
	[tilespmem:$0x18C00] =	vst v63  }
0x41d: {  	s23 =	simm.s32 $0x4400;
	v3 =	vadd.s32 v1, v3  }
0x41e: {  	[tilespmem:s23], [sflag:$0x1] =	stream.indirect_vreg.gather [hbm4b:s5+s3], $0x80, v4, vm0, $0xb8;
	[tilespmem:$0x18C00] =	vst v63  }
0x41f: {  	s24 =	simm.s32 $0x4C00  }
0x420: {  	[tilespmem:s24], [sflag:$0x1] =	stream.indirect_vreg.gather [hbm4b:s7+s3], $0x80, v4, vm0, $0xb8;
	[tilespmem:$0x18C00] =	vst v63  }
0x421: {  	s31 =	simm.s32 $0x5400  }
0x422: {  	[tilespmem:s31], [sflag:$0x1] =	stream.indirect_vreg.gather [hbm4b:s1+s3], $0x80, v3, vm0, $0xb8;
	[tilespmem:$0x18C00] =	vst v63  }
0x423: {  	s0 =	simm.s32 $0x5C00  }
0x424: {  	[tilespmem:s0], [sflag:$0x1] =	stream.indirect_vreg.gather [hbm4b:s5+s3], $0x80, v3, vm0, $0xb8;
	[tilespmem:$0x18C00] =	vst v63  }
0x425: {  	s2 =	simm.s32 $0x6400  }
0x426: {  	[tilespmem:s2], [sflag:$0x1] =	stream.indirect_vreg.gather [hbm4b:s7+s3], $0x80, v3, vm0, $0xb8;
	[tilespmem:$0x18C00] =	vst v63  }
0x427: {  	v3 =	vld [tilespmem:$0x620];
	_ =	sdelay $0x4  }
0x428: {  	v50 =	vshrl.u32 v3, $0x3  }
0x429: {  	v4 =	vmul.u32 $0x30, v50  }
0x42a: {  	v3 =	vand.u32 $0x7, v3  }
0x42b: {  	v3 =	vor.u32 v3, v4  }
0x42c: {  	v4 =	vperm.xlane v3, v0;
	_ =	sdelay $0x1  }
0x42d: {  	v4 =	vadd.s32 v1, v4;
	_ =	sdelay $0x3  }
0x42e: {  	s6 =	simm.s32 $0x6C00;
	v3 =	vperm.xlane v3, v2  }
0x42f: {  	[tilespmem:s6], [sflag:$0x1] =	stream.indirect_vreg.gather [hbm4b:s1+s3], $0x80, v4, vm0, $0xb8;
	[tilespmem:$0x18C00] =	vst v63  }
0x430: {  	s8 =	simm.s32 $0x7400;
	v3 =	vadd.s32 v1, v3  }
0x431: {  	[tilespmem:s8], [sflag:$0x1] =	stream.indirect_vreg.gather [hbm4b:s5+s3], $0x80, v4, vm0, $0xb8;
	[tilespmem:$0x18C00] =	vst v63  }
0x432: {  	s9 =	simm.s32 $0x7C00  }
0x433: {  	[tilespmem:s9], [sflag:$0x1] =	stream.indirect_vreg.gather [hbm4b:s7+s3], $0x80, v4, vm0, $0xb8;
	[tilespmem:$0x18C00] =	vst v63  }
0x434: {  	s10 =	simm.s32 $0x8400  }
0x435: {  	[tilespmem:s10], [sflag:$0x1] =	stream.indirect_vreg.gather [hbm4b:s1+s3], $0x80, v3, vm0, $0xb8;
	[tilespmem:$0x18C00] =	vst v63  }
0x436: {  	s11 =	simm.s32 $0x8C00  }
0x437: {  	[tilespmem:s11], [sflag:$0x1] =	stream.indirect_vreg.gather [hbm4b:s5+s3], $0x80, v3, vm0, $0xb8;
	[tilespmem:$0x18C00] =	vst v63  }
0x438: {  	s12 =	simm.s32 $0x9400  }
0x439: {  	[tilespmem:s12], [sflag:$0x1] =	stream.indirect_vreg.gather [hbm4b:s7+s3], $0x80, v3, vm0, $0xb8;
	[tilespmem:$0x18C00] =	vst v63  }
0x43a: {  	v3 =	vld [tilespmem:$0x630];
	_ =	sdelay $0x4  }
0x43b: {  	v51 =	vshrl.u32 v3, $0x3  }
0x43c: {  	v4 =	vmul.u32 $0x30, v51  }
0x43d: {  	v3 =	vand.u32 $0x7, v3  }
0x43e: {  	v3 =	vor.u32 v3, v4  }
0x43f: {  	v4 =	vperm.xlane v3, v0;
	_ =	sdelay $0x1  }
0x440: {  	v4 =	vadd.s32 v1, v4;
	_ =	sdelay $0x3  }
0x441: {  	s13 =	simm.s32 $0x9C00;
	v3 =	vperm.xlane v3, v2  }
0x442: {  	[tilespmem:s13], [sflag:$0x1] =	stream.indirect_vreg.gather [hbm4b:s1+s3], $0x80, v4, vm0, $0xb8;
	[tilespmem:$0x18C00] =	vst v63  }
0x443: {  	s14 =	simm.s32 $0xA400;
	v3 =	vadd.s32 v1, v3  }
0x444: {  	[tilespmem:s14], [sflag:$0x1] =	stream.indirect_vreg.gather [hbm4b:s5+s3], $0x80, v4, vm0, $0xb8;
	[tilespmem:$0x18C00] =	vst v63  }
0x445: {  	s15 =	simm.s32 $0xAC00  }
0x446: {  	[tilespmem:s15], [sflag:$0x1] =	stream.indirect_vreg.gather [hbm4b:s7+s3], $0x80, v4, vm0, $0xb8;
	[tilespmem:$0x18C00] =	vst v63  }
0x447: {  	s16 =	simm.s32 $0xB400  }
0x448: {  	[tilespmem:s16], [sflag:$0x1] =	stream.indirect_vreg.gather [hbm4b:s1+s3], $0x80, v3, vm0, $0xb8;
	[tilespmem:$0x18C00] =	vst v63  }
0x449: {  	s17 =	simm.s32 $0xBC00  }
0x44a: {  	[tilespmem:s17], [sflag:$0x1] =	stream.indirect_vreg.gather [hbm4b:s5+s3], $0x80, v3, vm0, $0xb8;
	[tilespmem:$0x18C00] =	vst v63  }
0x44b: {  	s18 =	simm.s32 $0xC400  }
0x44c: {  	[tilespmem:s18], [sflag:$0x1] =	stream.indirect_vreg.gather [hbm4b:s7+s3], $0x80, v3, vm0, $0xb8;
	[tilespmem:$0x18C00] =	vst v63  }
0x44d: {  	_ =	swait.ge [sflag:s29], $0xC000  }
0x44e: {  	[sflag:s29] =	ssyncset.done $0x0  }
0x44f: {  	s19 =	rddreg [dreg:$0x10];
	[sflag:s29] =	ssyncadd.s32 $0xFFFF4000  }
0x450: {  	[hbm4b:s19+s3] =	stream.linear.scatter [tilespmem:s26], [sflag:$0x4], $0xC000, $0x38;
	[tilespmem:$0x18C00] =	vst v63  }
0x451: {  	_ =	swait.ge [sflag:s30], $0xC000  }
0x452: {  	[sflag:s30] =	ssyncset.done $0x0  }
0x453: {  	[sflag:s30] =	ssyncadd.s32 $0xFFFF4000  }
0x454: {  	v3 =	vld [tilespmem:$0x680];
	_ =	sdelay $0x4  }
0x455: {  	v52 =	vshrl.u32 v3, $0x3  }
0x456: {  	v4 =	vmul.u32 $0x30, v52  }
0x457: {  	v3 =	vand.u32 $0x7, v3  }
0x458: {  	v3 =	vor.u32 v3, v4  }
0x459: {  	v4 =	vperm.xlane v3, v0;
	_ =	sdelay $0x1  }
0x45a: {  	v4 =	vadd.s32 v1, v4;
	_ =	sdelay $0x3  }
0x45b: {  	v3 =	vperm.xlane v3, v2  }
0x45c: {  	[tilespmem:s26], [sflag:$0x2] =	stream.indirect_vreg.gather [hbm4b:s1+s3], $0x80, v4, vm0, $0xb8;
	[tilespmem:$0x18C00] =	vst v63  }
0x45d: {  	s20 =	simm.s32 $0xD400;
	v3 =	vadd.s32 v1, v3  }
0x45e: {  	[tilespmem:s20], [sflag:$0x2] =	stream.indirect_vreg.gather [hbm4b:s5+s3], $0x80, v4, vm0, $0xb8;
	[tilespmem:$0x18C00] =	vst v63  }
0x45f: {  	s4 =	simm.s32 $0xDC00  }
0x460: {  	[tilespmem:s4], [sflag:$0x2] =	stream.indirect_vreg.gather [hbm4b:s7+s3], $0x80, v4, vm0, $0xb8;
	[tilespmem:$0x18C00] =	vst v63  }
0x461: {  	s21 =	simm.s32 $0xE400  }
0x462: {  	[tilespmem:s21], [sflag:$0x2] =	stream.indirect_vreg.gather [hbm4b:s1+s3], $0x80, v3, vm0, $0xb8;
	[tilespmem:$0x18C00] =	vst v63  }
0x463: {  	s22 =	simm.s32 $0xEC00  }
0x464: {  	[tilespmem:s22], [sflag:$0x2] =	stream.indirect_vreg.gather [hbm4b:s5+s3], $0x80, v3, vm0, $0xb8;
	[tilespmem:$0x18C00] =	vst v63  }
0x465: {  	s20 =	simm.s32 $0xF400  }
0x466: {  	[tilespmem:s20], [sflag:$0x2] =	stream.indirect_vreg.gather [hbm4b:s7+s3], $0x80, v3, vm0, $0xb8;
	[tilespmem:$0x18C00] =	vst v63  }
0x467: {  	v3 =	vld [tilespmem:$0x690];
	_ =	sdelay $0x4  }
0x468: {  	v53 =	vshrl.u32 v3, $0x3  }
0x469: {  	v4 =	vmul.u32 $0x30, v53  }
0x46a: {  	v3 =	vand.u32 $0x7, v3  }
0x46b: {  	v3 =	vor.u32 v3, v4  }
0x46c: {  	v4 =	vperm.xlane v3, v0;
	_ =	sdelay $0x1  }
0x46d: {  	v4 =	vadd.s32 v1, v4;
	_ =	sdelay $0x3  }
0x46e: {  	s17 =	simm.s32 $0xFC00;
	v3 =	vperm.xlane v3, v2  }
0x46f: {  	[tilespmem:s17], [sflag:$0x2] =	stream.indirect_vreg.gather [hbm4b:s1+s3], $0x80, v4, vm0, $0xb8;
	[tilespmem:$0x18C00] =	vst v63  }
0x470: {  	s0 =	simm.s32 $0x10400;
	v3 =	vadd.s32 v1, v3  }
0x471: {  	[tilespmem:s0], [sflag:$0x2] =	stream.indirect_vreg.gather [hbm4b:s5+s3], $0x80, v4, vm0, $0xb8;
	[tilespmem:$0x18C00] =	vst v63  }
0x472: {  	s2 =	simm.s32 $0x10C00  }
0x473: {  	[tilespmem:s2], [sflag:$0x2] =	stream.indirect_vreg.gather [hbm4b:s7+s3], $0x80, v4, vm0, $0xb8;
	[tilespmem:$0x18C00] =	vst v63  }
0x474: {  	s4 =	simm.s32 $0x11400  }
0x475: {  	[tilespmem:s4], [sflag:$0x2] =	stream.indirect_vreg.gather [hbm4b:s1+s3], $0x80, v3, vm0, $0xb8;
	[tilespmem:$0x18C00] =	vst v63  }
0x476: {  	s6 =	simm.s32 $0x11C00  }
0x477: {  	[tilespmem:s6], [sflag:$0x2] =	stream.indirect_vreg.gather [hbm4b:s5+s3], $0x80, v3, vm0, $0xb8;
	[tilespmem:$0x18C00] =	vst v63  }
0x478: {  	s18 =	simm.s32 $0x12400  }
0x479: {  	[tilespmem:s18], [sflag:$0x2] =	stream.indirect_vreg.gather [hbm4b:s7+s3], $0x80, v3, vm0, $0xb8;
	[tilespmem:$0x18C00] =	vst v63  }
0x47a: {  	v3 =	vld [tilespmem:$0x6A0];
	_ =	sdelay $0x4  }
0x47b: {  	v54 =	vshrl.u32 v3, $0x3  }
0x47c: {  	v4 =	vmul.u32 $0x30, v54  }
0x47d: {  	v3 =	vand.u32 $0x7, v3  }
0x47e: {  	v3 =	vor.u32 v3, v4  }
0x47f: {  	v4 =	vperm.xlane v3, v0;
	_ =	sdelay $0x1  }
0x480: {  	v4 =	vadd.s32 v1, v4;
	_ =	sdelay $0x3  }
0x481: {  	s19 =	simm.s32 $0x12C00;
	v3 =	vperm.xlane v3, v2  }
0x482: {  	[tilespmem:s19], [sflag:$0x2] =	stream.indirect_vreg.gather [hbm4b:s1+s3], $0x80, v4, vm0, $0xb8;
	[tilespmem:$0x18C00] =	vst v63  }
0x483: {  	s8 =	simm.s32 $0x13400;
	v3 =	vadd.s32 v1, v3  }
0x484: {  	[tilespmem:s8], [sflag:$0x2] =	stream.indirect_vreg.gather [hbm4b:s5+s3], $0x80, v4, vm0, $0xb8;
	[tilespmem:$0x18C00] =	vst v63  }
0x485: {  	s9 =	simm.s32 $0x13C00  }
0x486: {  	[tilespmem:s9], [sflag:$0x2] =	stream.indirect_vreg.gather [hbm4b:s7+s3], $0x80, v4, vm0, $0xb8;
	[tilespmem:$0x18C00] =	vst v63  }
0x487: {  	s10 =	simm.s32 $0x14400  }
0x488: {  	[tilespmem:s10], [sflag:$0x2] =	stream.indirect_vreg.gather [hbm4b:s1+s3], $0x80, v3, vm0, $0xb8;
	[tilespmem:$0x18C00] =	vst v63  }
0x489: {  	s11 =	simm.s32 $0x14C00  }
0x48a: {  	[tilespmem:s11], [sflag:$0x2] =	stream.indirect_vreg.gather [hbm4b:s5+s3], $0x80, v3, vm0, $0xb8;
	[tilespmem:$0x18C00] =	vst v63  }
0x48b: {  	s21 =	simm.s32 $0x15400  }
0x48c: {  	[tilespmem:s21], [sflag:$0x2] =	stream.indirect_vreg.gather [hbm4b:s7+s3], $0x80, v3, vm0, $0xb8;
	[tilespmem:$0x18C00] =	vst v63  }
0x48d: {  	v3 =	vld [tilespmem:$0x6B0];
	_ =	sdelay $0x4  }
0x48e: {  	v55 =	vshrl.u32 v3, $0x3  }
0x48f: {  	v4 =	vmul.u32 $0x30, v55  }
0x490: {  	v3 =	vand.u32 $0x7, v3  }
0x491: {  	v3 =	vor.u32 v3, v4  }
0x492: {  	v4 =	vperm.xlane v3, v0;
	_ =	sdelay $0x1  }
0x493: {  	v4 =	vadd.s32 v1, v4;
	_ =	sdelay $0x3  }
0x494: {  	s22 =	simm.s32 $0x15C00;
	v3 =	vperm.xlane v3, v2  }
0x495: {  	[tilespmem:s22], [sflag:$0x2] =	stream.indirect_vreg.gather [hbm4b:s1+s3], $0x80, v4, vm0, $0xb8;
	[tilespmem:$0x18C00] =	vst v63  }
0x496: {  	s12 =	simm.s32 $0x16400;
	v3 =	vadd.s32 v1, v3  }
0x497: {  	[tilespmem:s12], [sflag:$0x2] =	stream.indirect_vreg.gather [hbm4b:s5+s3], $0x80, v4, vm0, $0xb8;
	[tilespmem:$0x18C00] =	vst v63  }
0x498: {  	s13 =	simm.s32 $0x16C00  }
0x499: {  	[tilespmem:s13], [sflag:$0x2] =	stream.indirect_vreg.gather [hbm4b:s7+s3], $0x80, v4, vm0, $0xb8;
	[tilespmem:$0x18C00] =	vst v63  }
0x49a: {  	s14 =	simm.s32 $0x17400  }
0x49b: {  	[tilespmem:s14], [sflag:$0x2] =	stream.indirect_vreg.gather [hbm4b:s1+s3], $0x80, v3, vm0, $0xb8;
	[tilespmem:$0x18C00] =	vst v63  }
0x49c: {  	s15 =	simm.s32 $0x17C00  }
0x49d: {  	[tilespmem:s15], [sflag:$0x2] =	stream.indirect_vreg.gather [hbm4b:s5+s3], $0x80, v3, vm0, $0xb8;
	[tilespmem:$0x18C00] =	vst v63  }
0x49e: {  	s23 =	simm.s32 $0x18400  }
0x49f: {  	[tilespmem:s23], [sflag:$0x2] =	stream.indirect_vreg.gather [hbm4b:s7+s3], $0x80, v3, vm0, $0xb8;
	[tilespmem:$0x18C00] =	vst v63  }
0x4a0: {  	_ =	swait.ge [sflag:s25], $0xC000  }
0x4a1: {  	[sflag:s25] =	ssyncset.done $0x0  }
0x4a2: {  	s16 =	simm.s32 $0xC00;
	s31 =	rddreg [dreg:$0x11];
	[sflag:s25] =	ssyncadd.s32 $0xFFFF4000  }
0x4a3: {  	[hbm4b:s31+s3] =	stream.linear.scatter [tilespmem:s16], [sflag:$0x3], $0xC000, $0x38;
	[tilespmem:$0x18C00] =	vst v63  }
0x4a4: {  	_ =	swait.ge [sflag:s28], $0xC000  }
0x4a5: {  	[sflag:s28] =	ssyncset.done $0x0  }
0x4a6: {  	[sflag:s28] =	ssyncadd.s32 $0xFFFF4000  }
0x4a7: {  	v3 =	vld [tilespmem:$0x700];
	_ =	sdelay $0x4  }
0x4a8: {  	v56 =	vshrl.u32 v3, $0x3  }
0x4a9: {  	v4 =	vmul.u32 $0x30, v56  }
0x4aa: {  	v3 =	vand.u32 $0x7, v3  }
0x4ab: {  	v3 =	vor.u32 v3, v4  }
0x4ac: {  	v4 =	vperm.xlane v3, v0;
	_ =	sdelay $0x1  }
0x4ad: {  	v4 =	vadd.s32 v1, v4;
	_ =	sdelay $0x3  }
0x4ae: {  	v3 =	vperm.xlane v3, v2  }
0x4af: {  	[tilespmem:s16], [sflag:$0x1] =	stream.indirect_vreg.gather [hbm4b:s1+s3], $0x80, v4, vm0, $0xb8;
	[tilespmem:$0x18C00] =	vst v63  }
0x4b0: {  	s31 =	simm.s32 $0x1400;
	v3 =	vadd.s32 v1, v3  }
0x4b1: {  	[tilespmem:s31], [sflag:$0x1] =	stream.indirect_vreg.gather [hbm4b:s5+s3], $0x80, v4, vm0, $0xb8;
	[tilespmem:$0x18C00] =	vst v63  }
0x4b2: {  	s31 =	simm.s32 $0x1C00  }
0x4b3: {  	[tilespmem:s31], [sflag:$0x1] =	stream.indirect_vreg.gather [hbm4b:s7+s3], $0x80, v4, vm0, $0xb8;
	[tilespmem:$0x18C00] =	vst v63  }
0x4b4: {  	s31 =	simm.s32 $0x2400  }
0x4b5: {  	[tilespmem:s31], [sflag:$0x1] =	stream.indirect_vreg.gather [hbm4b:s1+s3], $0x80, v3, vm0, $0xb8;
	[tilespmem:$0x18C00] =	vst v63  }
0x4b6: {  	s31 =	simm.s32 $0x2C00  }
0x4b7: {  	[tilespmem:s31], [sflag:$0x1] =	stream.indirect_vreg.gather [hbm4b:s5+s3], $0x80, v3, vm0, $0xb8;
	[tilespmem:$0x18C00] =	vst v63  }
0x4b8: {  	s31 =	simm.s32 $0x3400  }
0x4b9: {  	[tilespmem:s31], [sflag:$0x1] =	stream.indirect_vreg.gather [hbm4b:s7+s3], $0x80, v3, vm0, $0xb8;
	[tilespmem:$0x18C00] =	vst v63  }
0x4ba: {  	v3 =	vld [tilespmem:$0x710];
	_ =	sdelay $0x4  }
0x4bb: {  	v57 =	vshrl.u32 v3, $0x3  }
0x4bc: {  	v4 =	vmul.u32 $0x30, v57  }
0x4bd: {  	v3 =	vand.u32 $0x7, v3  }
0x4be: {  	v3 =	vor.u32 v3, v4  }
0x4bf: {  	v4 =	vperm.xlane v3, v0;
	_ =	sdelay $0x1  }
0x4c0: {  	v4 =	vadd.s32 v1, v4;
	_ =	sdelay $0x3  }
0x4c1: {  	s31 =	simm.s32 $0x3C00;
	v3 =	vperm.xlane v3, v2  }
0x4c2: {  	[tilespmem:s31], [sflag:$0x1] =	stream.indirect_vreg.gather [hbm4b:s1+s3], $0x80, v4, vm0, $0xb8;
	[tilespmem:$0x18C00] =	vst v63  }
0x4c3: {  	v3 =	vadd.s32 v1, v3;
	s31 =	simm.s32 $0x4400  }
0x4c4: {  	[tilespmem:s31], [sflag:$0x1] =	stream.indirect_vreg.gather [hbm4b:s5+s3], $0x80, v4, vm0, $0xb8;
	[tilespmem:$0x18C00] =	vst v63  }
0x4c5: {  	s31 =	simm.s32 $0x4C00  }
0x4c6: {  	[tilespmem:s31], [sflag:$0x1] =	stream.indirect_vreg.gather [hbm4b:s7+s3], $0x80, v4, vm0, $0xb8;
	[tilespmem:$0x18C00] =	vst v63  }
0x4c7: {  	s31 =	simm.s32 $0x5400  }
0x4c8: {  	[tilespmem:s31], [sflag:$0x1] =	stream.indirect_vreg.gather [hbm4b:s1+s3], $0x80, v3, vm0, $0xb8;
	[tilespmem:$0x18C00] =	vst v63  }
0x4c9: {  	s31 =	simm.s32 $0x5C00  }
0x4ca: {  	[tilespmem:s31], [sflag:$0x1] =	stream.indirect_vreg.gather [hbm4b:s5+s3], $0x80, v3, vm0, $0xb8;
	[tilespmem:$0x18C00] =	vst v63  }
0x4cb: {  	s31 =	simm.s32 $0x6400  }
0x4cc: {  	[tilespmem:s31], [sflag:$0x1] =	stream.indirect_vreg.gather [hbm4b:s7+s3], $0x80, v3, vm0, $0xb8;
	[tilespmem:$0x18C00] =	vst v63  }
0x4cd: {  	v3 =	vld [tilespmem:$0x720];
	_ =	sdelay $0x4  }
0x4ce: {  	v58 =	vshrl.u32 v3, $0x3  }
0x4cf: {  	v4 =	vmul.u32 $0x30, v58  }
0x4d0: {  	v3 =	vand.u32 $0x7, v3  }
0x4d1: {  	v3 =	vor.u32 v3, v4  }
0x4d2: {  	v4 =	vperm.xlane v3, v0;
	_ =	sdelay $0x1  }
0x4d3: {  	v4 =	vadd.s32 v1, v4;
	_ =	sdelay $0x3  }
0x4d4: {  	s31 =	simm.s32 $0x6C00;
	v3 =	vperm.xlane v3, v2  }
0x4d5: {  	[tilespmem:s31], [sflag:$0x1] =	stream.indirect_vreg.gather [hbm4b:s1+s3], $0x80, v4, vm0, $0xb8;
	[tilespmem:$0x18C00] =	vst v63  }
0x4d6: {  	v3 =	vadd.s32 v1, v3;
	s31 =	simm.s32 $0x7400  }
0x4d7: {  	[tilespmem:s31], [sflag:$0x1] =	stream.indirect_vreg.gather [hbm4b:s5+s3], $0x80, v4, vm0, $0xb8;
	[tilespmem:$0x18C00] =	vst v63  }
0x4d8: {  	s31 =	simm.s32 $0x7C00  }
0x4d9: {  	[tilespmem:s31], [sflag:$0x1] =	stream.indirect_vreg.gather [hbm4b:s7+s3], $0x80, v4, vm0, $0xb8;
	[tilespmem:$0x18C00] =	vst v63  }
0x4da: {  	s31 =	simm.s32 $0x8400  }
0x4db: {  	[tilespmem:s31], [sflag:$0x1] =	stream.indirect_vreg.gather [hbm4b:s1+s3], $0x80, v3, vm0, $0xb8;
	[tilespmem:$0x18C00] =	vst v63  }
0x4dc: {  	s31 =	simm.s32 $0x8C00  }
0x4dd: {  	[tilespmem:s31], [sflag:$0x1] =	stream.indirect_vreg.gather [hbm4b:s5+s3], $0x80, v3, vm0, $0xb8;
	[tilespmem:$0x18C00] =	vst v63  }
0x4de: {  	s31 =	simm.s32 $0x9400  }
0x4df: {  	[tilespmem:s31], [sflag:$0x1] =	stream.indirect_vreg.gather [hbm4b:s7+s3], $0x80, v3, vm0, $0xb8;
	[tilespmem:$0x18C00] =	vst v63  }
0x4e0: {  	v3 =	vld [tilespmem:$0x730];
	_ =	sdelay $0x4  }
0x4e1: {  	v59 =	vshrl.u32 v3, $0x3  }
0x4e2: {  	v4 =	vmul.u32 $0x30, v59  }
0x4e3: {  	v3 =	vand.u32 $0x7, v3  }
0x4e4: {  	v3 =	vor.u32 v3, v4  }
0x4e5: {  	v4 =	vperm.xlane v3, v0;
	_ =	sdelay $0x1  }
0x4e6: {  	v4 =	vadd.s32 v1, v4;
	_ =	sdelay $0x3  }
0x4e7: {  	s31 =	simm.s32 $0x9C00;
	v3 =	vperm.xlane v3, v2  }
0x4e8: {  	[tilespmem:s31], [sflag:$0x1] =	stream.indirect_vreg.gather [hbm4b:s1+s3], $0x80, v4, vm0, $0xb8;
	[tilespmem:$0x18C00] =	vst v63  }
0x4e9: {  	v3 =	vadd.s32 v1, v3;
	s31 =	simm.s32 $0xA400  }
0x4ea: {  	[tilespmem:s31], [sflag:$0x1] =	stream.indirect_vreg.gather [hbm4b:s5+s3], $0x80, v4, vm0, $0xb8;
	[tilespmem:$0x18C00] =	vst v63  }
0x4eb: {  	s31 =	simm.s32 $0xAC00  }
0x4ec: {  	[tilespmem:s31], [sflag:$0x1] =	stream.indirect_vreg.gather [hbm4b:s7+s3], $0x80, v4, vm0, $0xb8;
	[tilespmem:$0x18C00] =	vst v63  }
0x4ed: {  	s31 =	simm.s32 $0xB400  }
0x4ee: {  	[tilespmem:s31], [sflag:$0x1] =	stream.indirect_vreg.gather [hbm4b:s1+s3], $0x80, v3, vm0, $0xb8;
	[tilespmem:$0x18C00] =	vst v63  }
0x4ef: {  	s31 =	simm.s32 $0xBC00  }
0x4f0: {  	[tilespmem:s31], [sflag:$0x1] =	stream.indirect_vreg.gather [hbm4b:s5+s3], $0x80, v3, vm0, $0xb8;
	[tilespmem:$0x18C00] =	vst v63  }
0x4f1: {  	s31 =	simm.s32 $0xC400  }
0x4f2: {  	[tilespmem:s31], [sflag:$0x1] =	stream.indirect_vreg.gather [hbm4b:s7+s3], $0x80, v3, vm0, $0xb8;
	[tilespmem:$0x18C00] =	vst v63  }
0x4f3: {  	_ =	swait.ge [sflag:s29], $0xC000  }
0x4f4: {  	[sflag:s29] =	ssyncset.done $0x0  }
0x4f5: {  	s31 =	rddreg [dreg:$0x12];
	[sflag:s29] =	ssyncadd.s32 $0xFFFF4000  }
0x4f6: {  	[hbm4b:s31+s3] =	stream.linear.scatter [tilespmem:s26], [sflag:$0x4], $0xC000, $0x38;
	[tilespmem:$0x18C00] =	vst v63  }
0x4f7: {  	_ =	swait.ge [sflag:s30], $0xC000  }
0x4f8: {  	[sflag:s30] =	ssyncset.done $0x0  }
0x4f9: {  	[sflag:s30] =	ssyncadd.s32 $0xFFFF4000  }
0x4fa: {  	v3 =	vld [tilespmem:$0x780];
	_ =	sdelay $0x4  }
0x4fb: {  	v60 =	vshrl.u32 v3, $0x3  }
0x4fc: {  	v4 =	vmul.u32 $0x30, v60  }
0x4fd: {  	v3 =	vand.u32 $0x7, v3  }
0x4fe: {  	v3 =	vor.u32 v3, v4  }
0x4ff: {  	v4 =	vperm.xlane v3, v0;
	_ =	sdelay $0x1  }
0x500: {  	v4 =	vadd.s32 v1, v4;
	_ =	sdelay $0x3  }
0x501: {  	v3 =	vperm.xlane v3, v2  }
0x502: {  	[tilespmem:s26], [sflag:$0x2] =	stream.indirect_vreg.gather [hbm4b:s1+s3], $0x80, v4, vm0, $0xb8;
	[tilespmem:$0x18C00] =	vst v63  }
0x503: {  	s31 =	simm.s32 $0xD400;
	v3 =	vadd.s32 v1, v3  }
0x504: {  	[tilespmem:s31], [sflag:$0x2] =	stream.indirect_vreg.gather [hbm4b:s5+s3], $0x80, v4, vm0, $0xb8;
	[tilespmem:$0x18C00] =	vst v63  }
0x505: {  	s31 =	simm.s32 $0xDC00  }
0x506: {  	[tilespmem:s31], [sflag:$0x2] =	stream.indirect_vreg.gather [hbm4b:s7+s3], $0x80, v4, vm0, $0xb8;
	[tilespmem:$0x18C00] =	vst v63  }
0x507: {  	s31 =	simm.s32 $0xE400  }
0x508: {  	[tilespmem:s31], [sflag:$0x2] =	stream.indirect_vreg.gather [hbm4b:s1+s3], $0x80, v3, vm0, $0xb8;
	[tilespmem:$0x18C00] =	vst v63  }
0x509: {  	s24 =	simm.s32 $0xEC00  }
0x50a: {  	[tilespmem:s24], [sflag:$0x2] =	stream.indirect_vreg.gather [hbm4b:s5+s3], $0x80, v3, vm0, $0xb8;
	[tilespmem:$0x18C00] =	vst v63  }
0x50b: {  	_ = 	snop  }
0x50c: {  	[tilespmem:s20], [sflag:$0x2] =	stream.indirect_vreg.gather [hbm4b:s7+s3], $0x80, v3, vm0, $0xb8;
	[tilespmem:$0x18C00] =	vst v63  }
0x50d: {  	v3 =	vld [tilespmem:$0x790];
	_ =	sdelay $0x4  }
0x50e: {  	v61 =	vshrl.u32 v3, $0x3  }
0x50f: {  	v4 =	vmul.u32 $0x30, v61  }
0x510: {  	v3 =	vand.u32 $0x7, v3  }
0x511: {  	v3 =	vor.u32 v3, v4  }
0x512: {  	v4 =	vperm.xlane v3, v0;
	_ =	sdelay $0x1  }
0x513: {  	v4 =	vadd.s32 v1, v4;
	_ =	sdelay $0x3  }
0x514: {  	v3 =	vperm.xlane v3, v2  }
0x515: {  	[tilespmem:s17], [sflag:$0x2] =	stream.indirect_vreg.gather [hbm4b:s1+s3], $0x80, v4, vm0, $0xb8;
	[tilespmem:$0x18C00] =	vst v63  }
0x516: {  	v3 =	vadd.s32 v1, v3  }
0x517: {  	[tilespmem:s0], [sflag:$0x2] =	stream.indirect_vreg.gather [hbm4b:s5+s3], $0x80, v4, vm0, $0xb8;
	[tilespmem:$0x18C00] =	vst v63  }
0x518: {  	_ = 	snop  }
0x519: {  	[tilespmem:s2], [sflag:$0x2] =	stream.indirect_vreg.gather [hbm4b:s7+s3], $0x80, v4, vm0, $0xb8;
	[tilespmem:$0x18C00] =	vst v63  }
0x51a: {  	_ = 	snop  }
0x51b: {  	[tilespmem:s4], [sflag:$0x2] =	stream.indirect_vreg.gather [hbm4b:s1+s3], $0x80, v3, vm0, $0xb8;
	[tilespmem:$0x18C00] =	vst v63  }
0x51c: {  	_ = 	snop  }
0x51d: {  	[tilespmem:s6], [sflag:$0x2] =	stream.indirect_vreg.gather [hbm4b:s5+s3], $0x80, v3, vm0, $0xb8;
	[tilespmem:$0x18C00] =	vst v63  }
0x51e: {  	_ = 	snop  }
0x51f: {  	[tilespmem:s18], [sflag:$0x2] =	stream.indirect_vreg.gather [hbm4b:s7+s3], $0x80, v3, vm0, $0xb8;
	[tilespmem:$0x18C00] =	vst v63  }
0x520: {  	v3 =	vld [tilespmem:$0x7A0];
	_ =	sdelay $0x4  }
0x521: {  	v62 =	vshrl.u32 v3, $0x3  }
0x522: {  	v4 =	vmul.u32 $0x30, v62  }
0x523: {  	v3 =	vand.u32 $0x7, v3  }
0x524: {  	v3 =	vor.u32 v3, v4  }
0x525: {  	v4 =	vperm.xlane v3, v0;
	_ =	sdelay $0x1  }
0x526: {  	v4 =	vadd.s32 v1, v4;
	_ =	sdelay $0x3  }
0x527: {  	v3 =	vperm.xlane v3, v2  }
0x528: {  	[tilespmem:s19], [sflag:$0x2] =	stream.indirect_vreg.gather [hbm4b:s1+s3], $0x80, v4, vm0, $0xb8;
	[tilespmem:$0x18C00] =	vst v63  }
0x529: {  	v3 =	vadd.s32 v1, v3  }
0x52a: {  	[tilespmem:s8], [sflag:$0x2] =	stream.indirect_vreg.gather [hbm4b:s5+s3], $0x80, v4, vm0, $0xb8;
	[tilespmem:$0x18C00] =	vst v63  }
0x52b: {  	_ = 	snop  }
0x52c: {  	[tilespmem:s9], [sflag:$0x2] =	stream.indirect_vreg.gather [hbm4b:s7+s3], $0x80, v4, vm0, $0xb8;
	[tilespmem:$0x18C00] =	vst v63  }
0x52d: {  	_ = 	snop  }
0x52e: {  	[tilespmem:s10], [sflag:$0x2] =	stream.indirect_vreg.gather [hbm4b:s1+s3], $0x80, v3, vm0, $0xb8;
	[tilespmem:$0x18C00] =	vst v63  }
0x52f: {  	_ = 	snop  }
0x530: {  	[tilespmem:s11], [sflag:$0x2] =	stream.indirect_vreg.gather [hbm4b:s5+s3], $0x80, v3, vm0, $0xb8;
	[tilespmem:$0x18C00] =	vst v63  }
0x531: {  	_ = 	snop  }
0x532: {  	[tilespmem:s21], [sflag:$0x2] =	stream.indirect_vreg.gather [hbm4b:s7+s3], $0x80, v3, vm0, $0xb8;
	[tilespmem:$0x18C00] =	vst v63  }
0x533: {  	v3 =	vld [tilespmem:$0x7B0];
	_ =	sdelay $0x4  }
0x534: {  	v63 =	vshrl.u32 v3, $0x3  }
0x535: {  	v4 =	vmul.u32 $0x30, v63  }
0x536: {  	v3 =	vand.u32 $0x7, v3  }
0x537: {  	v3 =	vor.u32 v3, v4  }
0x538: {  	v4 =	vperm.xlane v3, v0;
	_ =	sdelay $0x1  }
0x539: {  	v4 =	vadd.s32 v1, v4;
	_ =	sdelay $0x3  }
0x53a: {  	v3 =	vperm.xlane v3, v2  }
0x53b: {  	[tilespmem:s22], [sflag:$0x2] =	stream.indirect_vreg.gather [hbm4b:s1+s3], $0x80, v4, vm0, $0xb8;
	[tilespmem:$0x18C00] =	vst v63  }
0x53c: {  	v3 =	vadd.s32 v1, v3  }
0x53d: {  	[tilespmem:s12], [sflag:$0x2] =	stream.indirect_vreg.gather [hbm4b:s5+s3], $0x80, v4, vm0, $0xb8;
	[tilespmem:$0x18C00] =	vst v63  }
0x53e: {  	_ = 	snop  }
0x53f: {  	[tilespmem:s13], [sflag:$0x2] =	stream.indirect_vreg.gather [hbm4b:s7+s3], $0x80, v4, vm0, $0xb8;
	[tilespmem:$0x18C00] =	vst v63  }
0x540: {  	_ = 	snop  }
0x541: {  	[tilespmem:s14], [sflag:$0x2] =	stream.indirect_vreg.gather [hbm4b:s1+s3], $0x80, v3, vm0, $0xb8;
	[tilespmem:$0x18C00] =	vst v63  }
0x542: {  	_ = 	snop  }
0x543: {  	[tilespmem:s15], [sflag:$0x2] =	stream.indirect_vreg.gather [hbm4b:s5+s3], $0x80, v3, vm0, $0xb8;
	[tilespmem:$0x18C00] =	vst v63  }
0x544: {  	_ = 	snop  }
0x545: {  	[tilespmem:s23], [sflag:$0x2] =	stream.indirect_vreg.gather [hbm4b:s7+s3], $0x80, v3, vm0, $0xb8;
	[tilespmem:$0x18C00] =	vst v63  }
0x546: {  	_ =	swait.ge [sflag:s25], $0xC000  }
0x547: {  	[sflag:s25] =	ssyncset.done $0x0  }
0x548: {  	s16 =	simm.s32 $0xC00;
	s23 =	rddreg [dreg:$0x13];
	[sflag:s25] =	ssyncadd.s32 $0xFFFF4000  }
0x549: {  	[hbm4b:s23+s3] =	stream.linear.scatter [tilespmem:s16], [sflag:$0x3], $0xC000, $0x38;
	[tilespmem:$0x18C00] =	vst v63  }
0x54a: {  	_ =	swait.ge [sflag:s29], $0xC000  }
0x54b: {  	[sflag:s29] =	ssyncset.done $0x0  }
0x54c: {  	s24 =	rddreg [dreg:$0x14];
	[sflag:s29] =	ssyncadd.s32 $0xFFFF4000  }
0x54d: {  	[hbm4b:s24+s3] =	stream.linear.scatter [tilespmem:s26], [sflag:$0x4], $0xC000, $0x38;
	[tilespmem:$0x18C00] =	vst v63  }
0x54e: {  	_ =	swait.ge [sflag:s28], $0xC000  }
.Ltmp2:
0x54f: {  	[sflag:s28] =	ssyncset.done $0x0;
	(pc) =	sbr.rel @p0 .LBB2_3-.Ltmp2, $4  }
0x550: {  	[sflag:s28] =	ssyncadd.s32 $0xFFFF4000  }
0x551: {  	_ =	swait.ge [sflag:s30], $0xC000  }
0x552: {  	[sflag:s30] =	ssyncset.done $0x0  }
0x553: {  	[sflag:s30] =	ssyncadd.s32 $0xFFFF4000  }
0x554: {  	v3 =	vld [tilespmem:$0x800];
	_ =	sdelay $0x4  }
0x555: {  	v4 =	vshrl.u32 v3, $0x3  }
0x556: {  	v4 =	vmul.u32 $0x30, v4  }
0x557: {  	v3 =	vand.u32 $0x7, v3  }
0x558: {  	v3 =	vor.u32 v3, v4  }
0x559: {  	v4 =	vperm.xlane v3, v0;
	_ =	sdelay $0x1  }
0x55a: {  	v4 =	vadd.s32 v1, v4;
	_ =	sdelay $0x3  }
0x55b: {  	s2 =	simm.s32 $0xC00;
	v3 =	vperm.xlane v3, v2  }
0x55c: {  	[tilespmem:s2], [sflag:$0x1] =	stream.indirect_vreg.gather [hbm4b:s1+s3], $0x80, v4, vm0, $0xb8;
	[tilespmem:$0x18C00] =	vst v63  }
0x55d: {  	s0 =	simm.s32 $0x1400;
	v3 =	vadd.s32 v1, v3  }
0x55e: {  	[tilespmem:s0], [sflag:$0x1] =	stream.indirect_vreg.gather [hbm4b:s5+s3], $0x80, v4, vm0, $0xb8;
	[tilespmem:$0x18C00] =	vst v63  }
0x55f: {  	s24 =	simm.s32 $0x1C00  }
0x560: {  	[tilespmem:s24], [sflag:$0x1] =	stream.indirect_vreg.gather [hbm4b:s7+s3], $0x80, v4, vm0, $0xb8;
	[tilespmem:$0x18C00] =	vst v63  }
0x561: {  	s31 =	simm.s32 $0x2400  }
0x562: {  	[tilespmem:s31], [sflag:$0x1] =	stream.indirect_vreg.gather [hbm4b:s1+s3], $0x80, v3, vm0, $0xb8;
	[tilespmem:$0x18C00] =	vst v63  }
0x563: {  	s4 =	simm.s32 $0x2C00  }
0x564: {  	[tilespmem:s4], [sflag:$0x1] =	stream.indirect_vreg.gather [hbm4b:s5+s3], $0x80, v3, vm0, $0xb8;
	[tilespmem:$0x18C00] =	vst v63  }
0x565: {  	s6 =	simm.s32 $0x3400  }
0x566: {  	[tilespmem:s6], [sflag:$0x1] =	stream.indirect_vreg.gather [hbm4b:s7+s3], $0x80, v3, vm0, $0xb8;
	[tilespmem:$0x18C00] =	vst v63  }
0x567: {  	v3 =	vld [tilespmem:$0x810];
	_ =	sdelay $0x4  }
0x568: {  	v61 =	vshrl.u32 v3, $0x3  }
0x569: {  	v4 =	vmul.u32 $0x30, v61  }
0x56a: {  	v3 =	vand.u32 $0x7, v3  }
0x56b: {  	v3 =	vor.u32 v3, v4  }
0x56c: {  	v4 =	vperm.xlane v3, v0;
	_ =	sdelay $0x1  }
0x56d: {  	v4 =	vadd.s32 v1, v4;
	_ =	sdelay $0x3  }
0x56e: {  	s8 =	simm.s32 $0x3C00;
	v3 =	vperm.xlane v3, v2  }
0x56f: {  	[tilespmem:s8], [sflag:$0x1] =	stream.indirect_vreg.gather [hbm4b:s1+s3], $0x80, v4, vm0, $0xb8;
	[tilespmem:$0x18C00] =	vst v63  }
0x570: {  	s9 =	simm.s32 $0x4400;
	v3 =	vadd.s32 v1, v3  }
0x571: {  	[tilespmem:s9], [sflag:$0x1] =	stream.indirect_vreg.gather [hbm4b:s5+s3], $0x80, v4, vm0, $0xb8;
	[tilespmem:$0x18C00] =	vst v63  }
0x572: {  	s10 =	simm.s32 $0x4C00  }
0x573: {  	[tilespmem:s10], [sflag:$0x1] =	stream.indirect_vreg.gather [hbm4b:s7+s3], $0x80, v4, vm0, $0xb8;
	[tilespmem:$0x18C00] =	vst v63  }
0x574: {  	s11 =	simm.s32 $0x5400  }
0x575: {  	[tilespmem:s11], [sflag:$0x1] =	stream.indirect_vreg.gather [hbm4b:s1+s3], $0x80, v3, vm0, $0xb8;
	[tilespmem:$0x18C00] =	vst v63  }
0x576: {  	s12 =	simm.s32 $0x5C00  }
0x577: {  	[tilespmem:s12], [sflag:$0x1] =	stream.indirect_vreg.gather [hbm4b:s5+s3], $0x80, v3, vm0, $0xb8;
	[tilespmem:$0x18C00] =	vst v63  }
0x578: {  	s13 =	simm.s32 $0x6400  }
0x579: {  	[tilespmem:s13], [sflag:$0x1] =	stream.indirect_vreg.gather [hbm4b:s7+s3], $0x80, v3, vm0, $0xb8;
	[tilespmem:$0x18C00] =	vst v63  }
0x57a: {  	v3 =	vld [tilespmem:$0x820];
	_ =	sdelay $0x4  }
0x57b: {  	v62 =	vshrl.u32 v3, $0x3  }
0x57c: {  	v4 =	vmul.u32 $0x30, v62  }
0x57d: {  	v3 =	vand.u32 $0x7, v3  }
0x57e: {  	v3 =	vor.u32 v3, v4  }
0x57f: {  	v4 =	vperm.xlane v3, v0;
	_ =	sdelay $0x1  }
0x580: {  	v4 =	vadd.s32 v1, v4;
	_ =	sdelay $0x3  }
0x581: {  	s14 =	simm.s32 $0x6C00;
	v3 =	vperm.xlane v3, v2  }
0x582: {  	[tilespmem:s14], [sflag:$0x1] =	stream.indirect_vreg.gather [hbm4b:s1+s3], $0x80, v4, vm0, $0xb8;
	[tilespmem:$0x18C00] =	vst v63  }
0x583: {  	s15 =	simm.s32 $0x7400;
	v3 =	vadd.s32 v1, v3  }
0x584: {  	[tilespmem:s15], [sflag:$0x1] =	stream.indirect_vreg.gather [hbm4b:s5+s3], $0x80, v4, vm0, $0xb8;
	[tilespmem:$0x18C00] =	vst v63  }
0x585: {  	s16 =	simm.s32 $0x7C00  }
0x586: {  	[tilespmem:s16], [sflag:$0x1] =	stream.indirect_vreg.gather [hbm4b:s7+s3], $0x80, v4, vm0, $0xb8;
	[tilespmem:$0x18C00] =	vst v63  }
0x587: {  	s17 =	simm.s32 $0x8400  }
0x588: {  	[tilespmem:s17], [sflag:$0x1] =	stream.indirect_vreg.gather [hbm4b:s1+s3], $0x80, v3, vm0, $0xb8;
	[tilespmem:$0x18C00] =	vst v63  }
0x589: {  	s18 =	simm.s32 $0x8C00  }
0x58a: {  	[tilespmem:s18], [sflag:$0x1] =	stream.indirect_vreg.gather [hbm4b:s5+s3], $0x80, v3, vm0, $0xb8;
	[tilespmem:$0x18C00] =	vst v63  }
0x58b: {  	s19 =	simm.s32 $0x9400  }
0x58c: {  	[tilespmem:s19], [sflag:$0x1] =	stream.indirect_vreg.gather [hbm4b:s7+s3], $0x80, v3, vm0, $0xb8;
	[tilespmem:$0x18C00] =	vst v63  }
0x58d: {  	v3 =	vld [tilespmem:$0x830];
	_ =	sdelay $0x4  }
0x58e: {  	v63 =	vshrl.u32 v3, $0x3  }
0x58f: {  	v4 =	vmul.u32 $0x30, v63  }
0x590: {  	v3 =	vand.u32 $0x7, v3  }
0x591: {  	v3 =	vor.u32 v3, v4  }
0x592: {  	v4 =	vperm.xlane v3, v0;
	_ =	sdelay $0x1  }
0x593: {  	v4 =	vadd.s32 v1, v4;
	_ =	sdelay $0x3  }
0x594: {  	s20 =	simm.s32 $0x9C00;
	v3 =	vperm.xlane v3, v2  }
0x595: {  	[tilespmem:s20], [sflag:$0x1] =	stream.indirect_vreg.gather [hbm4b:s1+s3], $0x80, v4, vm0, $0xb8;
	[tilespmem:$0x18C00] =	vst v63  }
0x596: {  	s21 =	simm.s32 $0xA400;
	v3 =	vadd.s32 v1, v3  }
0x597: {  	[tilespmem:s21], [sflag:$0x1] =	stream.indirect_vreg.gather [hbm4b:s5+s3], $0x80, v4, vm0, $0xb8;
	[tilespmem:$0x18C00] =	vst v63  }
0x598: {  	s22 =	simm.s32 $0xAC00  }
0x599: {  	[tilespmem:s22], [sflag:$0x1] =	stream.indirect_vreg.gather [hbm4b:s7+s3], $0x80, v4, vm0, $0xb8;
	[tilespmem:$0x18C00] =	vst v63  }
0x59a: {  	s23 =	simm.s32 $0xB400  }
0x59b: {  	[tilespmem:s23], [sflag:$0x1] =	stream.indirect_vreg.gather [hbm4b:s1+s3], $0x80, v3, vm0, $0xb8;
	[tilespmem:$0x18C00] =	vst v63  }
0x59c: {  	s24 =	simm.s32 $0xBC00  }
0x59d: {  	[tilespmem:s24], [sflag:$0x1] =	stream.indirect_vreg.gather [hbm4b:s5+s3], $0x80, v3, vm0, $0xb8;
	[tilespmem:$0x18C00] =	vst v63  }
0x59e: {  	s31 =	simm.s32 $0xC400  }
0x59f: {  	[tilespmem:s31], [sflag:$0x1] =	stream.indirect_vreg.gather [hbm4b:s7+s3], $0x80, v3, vm0, $0xb8;
	[tilespmem:$0x18C00] =	vst v63  }
0x5a0: {  	_ =	swait.ge [sflag:s25], $0xC000  }
0x5a1: {  	[sflag:s25] =	ssyncset.done $0x0  }
.Ltmp3:
0x5a2: {  	s31 =	rddreg [dreg:$0x15];
	[sflag:s25] =	ssyncadd.s32 $0xFFFF4000;
	(pc) =	sbr.rel .LBB2_3-.Ltmp3, $4  }
0x5a3: {  	[hbm4b:s31+s3] =	stream.linear.scatter [tilespmem:s2], [sflag:$0x3], $0xC000, $0x38;
	[tilespmem:$0x18C00] =	vst v63  }
0x5a4: {  	_ =	swait.ge [sflag:s28], $0xC000  }
0x5a5: {  	[sflag:s28] =	ssyncset.done $0x0  }
0x5a6: {  	[sflag:s28] =	ssyncadd.s32 $0xFFFF4000  }
.LBB2_4:
0x5a7: {  	_ =	sfence.sel $0x180000  }
0x5a8: {  	[bflag:$0x0] =	sbarrier.arrive $0xFFFF  }
0x5a9: {  	_ =	strace $0x90000047  }
0x5aa: {  	s0 =	stileid.u32;
	[bflag:$0x2] =	sbarrier.arrive $0xFFFF  }
0x5ab: {  	p0 =	sne.s32 s0, $0x0;
	s0 =	rddreg [dreg:$0x3]  }
0x5ac: {  	s0 =	sadd.s32 @!p0 $0x100000, s0  }
0x5ad: {  	[sflag:s0] =	ssyncadd.tile.s32 @!p0 $0x1;
	_ =	shalt  }
.Lfunc_end2:
_tile_overlayer_lowered:
.L_overlay_start_2:
0x5ae: {  	(tag) =	ssettag $0x2  }
0x5af: {  	s0 =	rddreg [dreg:$0x0];
	s2 =	stileid.u32  }
0x5b0: {  	s1 =	rddreg [dreg:$0x1];
	p0 =	sne.s32 s2, $0x0  }
0x5b1: {  	s3 =	rddreg [dreg:$0x2];
	[bflag:$0x3] =	sbarrier.arrive $0xFFFF;
	s2 =	simm.s32 @!p0 $0x1C05  }
0x5b2: {  	[timem:s3], [sflag:s2] =	dma.local @!p0 [hbm:s0], s1  }
0x5b3: {  	s0 =	simm.s32 @!p0 $0x5  }
0x5b4: {  	_ =	swait.ge @!p0 [sflag:s0], s1  }
0x5b5: {  	s1 =	ssub.s32 @!p0 $0x0, s1;
	[sflag:s0] =	ssyncset.done @!p0 $0x0  }
0x5b6: {  	[sflag:s0] =	ssyncadd.s32 @!p0 s1  }
0x5b7: {  	[bflag:$0x3] =	sbarrier.arrive $0xFFFF  }
0x5b8: {  	_ =	shalt  }

</sc_bundles>
